<compile_context>
chip_gen: v7x
topology: tpu7x:2x2x1
jax: 0.10.2.dev20260603
libtpu: 0.0.44.dev20260713+nightly
codegen_flags: <defaults>
</compile_context>

<pallas_src>
import functools

import jax
import jax.numpy as jnp
from jax import lax
from jax.experimental import pallas as pl
from jax.experimental.pallas import tpu as pltpu
from jax.experimental.pallas import tpu_sc as plsc

NC = 2
NS = 16
NW = NC * NS
CHUNK = 128


def _sc_aggregate(h, packed, zeros, n, acc_rows, chunks_per_tile):
    d = h.shape[1]
    cpt = chunks_per_tile
    zstripe = acc_rows // NS
    ostripe = (n // NS) & ~7
    tail = n - NS * ostripe
    mesh = plsc.VectorSubcoreMesh(core_axis_name="c", subcore_axis_name="s")

    @functools.partial(
        pl.kernel,
        out_type=jax.ShapeDtypeStruct((2 * n, d), jnp.float32),
        mesh=mesh,
        scratch_types=[
            pltpu.VMEM((cpt, CHUNK), jnp.int32),
            pltpu.VMEM((CHUNK,), jnp.int32),
            pltpu.VMEM((CHUNK,), jnp.int32),
            pltpu.VMEM((CHUNK,), jnp.int32),
            pltpu.VMEM((CHUNK,), jnp.int32),
            pltpu.VMEM((CHUNK, d), jnp.float32),
            pltpu.VMEM((CHUNK, d), jnp.float32),
            pltpu.VMEM_SHARED((acc_rows, d), jnp.float32),
            pltpu.SemaphoreType.DMA,
            pltpu.SemaphoreType.DMA,
        ],
    )
    def k(h_hbm, pk_hbm, z_hbm, out_hbm,
          pk_all, src0, src1, dst0, dst1, rows0, rows1, acc, sem0, sem1):
        c = lax.axis_index("c")
        s = lax.axis_index("s")
        wid = s * NC + c

        def unpack(i, src_v, dst_v):
            for j in range(CHUNK // 16):
                v = pk_all[i, pl.ds(16 * j, 16)]
                src_v[pl.ds(16 * j, 16)] = lax.bitwise_and(v, 0xFFFF)
                dst_v[pl.ds(16 * j, 16)] = lax.shift_right_logical(v, 16)

        pltpu.sync_copy(pk_hbm.at[wid], pk_all)
        unpack(0, src0, dst0)
        pltpu.async_copy(h_hbm.at[src0], rows0, sem0)
        pltpu.sync_copy(z_hbm.at[pl.ds(s * zstripe, zstripe)],
                        acc.at[pl.ds(s * zstripe, zstripe)])
        plsc.subcore_barrier()

        @pl.loop(0, cpt // 2)
        def _(g):
            i0 = 2 * g
            unpack(i0 + 1, src1, dst1)
            pltpu.async_copy(h_hbm.at[src1], rows1, sem1)
            pltpu.make_async_copy(h_hbm.at[src0], rows0, sem0).wait()
            pltpu.sync_copy(rows0, acc.at[dst0], add=True)

            @pl.when(g < cpt // 2 - 1)
            def _():
                unpack(i0 + 2, src0, dst0)
                pltpu.async_copy(h_hbm.at[src0], rows0, sem0)

            pltpu.make_async_copy(h_hbm.at[src1], rows1, sem1).wait()
            pltpu.sync_copy(rows1, acc.at[dst1], add=True)

        plsc.subcore_barrier()
        pltpu.sync_copy(acc.at[pl.ds(s * ostripe, ostripe)],
                        out_hbm.at[pl.ds(c * n + s * ostripe, ostripe)])
        if tail:
            @pl.when(s == NS - 1)
            def _():
                pltpu.sync_copy(acc.at[pl.ds(NS * ostripe, tail)],
                                out_hbm.at[pl.ds(c * n + NS * ostripe, tail)])

    return k(h, packed, zeros)


def _tc_prep(edge_index, n, acc_rows, e_pad, d):
    e = edge_index.shape[1]
    rows = e_pad // CHUNK
    grid = 4
    brows = rows // grid
    be = brows * CHUNK
    zrows = acc_rows // grid

    def body(e_ref, o_ref, z_ref):
        i = pl.program_id(0)
        r = jax.lax.broadcasted_iota(jnp.int32, (brows, CHUNK), 0)
        cidx = jax.lax.broadcasted_iota(jnp.int32, (brows, CHUNK), 1)
        ids = i * be + r * CHUNK + cidx
        src_raw = jnp.reshape(e_ref[0, :], (brows, CHUNK))
        dst_raw = jnp.reshape(e_ref[1, :], (brows, CHUNK))
        real = ids < e
        src = jnp.where(real, src_raw, jnp.bitwise_and(ids, 8191))
        dst = jnp.where(real, dst_raw, n + jnp.bitwise_and(ids, 63))
        o_ref[...] = jnp.bitwise_or(src, jnp.left_shift(dst, 16))
        z_ref[...] = jnp.zeros((zrows, d), jnp.float32)

    return pl.pallas_call(
        body,
        grid=(grid,),
        in_specs=[pl.BlockSpec((2, be), lambda i: (0, i))],
        out_specs=[pl.BlockSpec((brows, CHUNK), lambda i: (i, 0)),
                   pl.BlockSpec((zrows, d), lambda i: (i, 0))],
        out_shape=[jax.ShapeDtypeStruct((rows, CHUNK), jnp.int32),
                   jax.ShapeDtypeStruct((acc_rows, d), jnp.float32)],
    )(edge_index)


def _mm3(a, w):
    return jnp.dot(a, w, preferred_element_type=jnp.float32)


def _tc_root(h, wo_t, b2d, blk):
    n, d = h.shape

    def body(h_ref, wo_ref, b_ref, o_ref):
        o_ref[...] = _mm3(h_ref[...], wo_ref[...]) + b_ref[...]

    return pl.pallas_call(
        body,
        grid=(n // blk,),
        in_specs=[
            pl.BlockSpec((blk, d), lambda i: (i, 0)),
            pl.BlockSpec((d, d), lambda i: (0, 0)),
            pl.BlockSpec((1, d), lambda i: (0, 0)),
        ],
        out_specs=pl.BlockSpec((blk, d), lambda i: (i, 0)),
        out_shape=jax.ShapeDtypeStruct((n, d), jnp.float32),
    )(h, wo_t, b2d)


def _tc_combine(parts, root, wr_t, relu, blk):
    n2, d = parts.shape
    n = n2 // 2
    nb = n // blk

    def body(p0_ref, p1_ref, r_ref, wr_ref, o_ref):
        agg = p0_ref[...] + p1_ref[...]
        out = _mm3(agg, wr_ref[...]) + r_ref[...]
        if relu:
            out = jnp.maximum(out, 0.0)
        o_ref[...] = out

    return pl.pallas_call(
        body,
        grid=(nb,),
        in_specs=[
            pl.BlockSpec((blk, d), lambda i: (i, 0)),
            pl.BlockSpec((blk, d), lambda i, _nb=nb: (i + _nb, 0)),
            pl.BlockSpec((blk, d), lambda i: (i, 0)),
            pl.BlockSpec((d, d), lambda i: (0, 0)),
        ],
        out_specs=pl.BlockSpec((blk, d), lambda i: (i, 0)),
        out_shape=jax.ShapeDtypeStruct((n, d), jnp.float32),
    )(parts, parts, root, wr_t)


def kernel(x, edge_index, W_rel1, W_root1, b1, W_rel2, W_root2, b2,
           W_rel3, W_root3, b3):
    n, d = x.shape
    e = edge_index.shape[1]

    tile_span = NW * CHUNK
    chunks_per_tile = -(-e // tile_span)
    chunks_per_tile += chunks_per_tile % 2
    e_pad = chunks_per_tile * tile_span
    acc_rows = -(-(n + 1) // (NS * 8)) * (NS * 8)

    packed, zeros = _tc_prep(edge_index.astype(jnp.int32), n, acc_rows,
                             e_pad, d)
    packed = packed.reshape(NW, chunks_per_tile, CHUNK)

    blk = 2000 if n % 2000 == 0 else (1000 if n % 1000 == 0 else 8)
    layers = [
        (W_rel1, W_root1, b1, True),
        (W_rel2, W_root2, b2, True),
        (W_rel3, W_root3, b3, False),
    ]
    h = x
    for wr, wo, b, relu in layers:
        parts = _sc_aggregate(h, packed, zeros, n, acc_rows, chunks_per_tile)
        root = _tc_root(h, wo.T, b.reshape(1, d), blk)
        h = _tc_combine(parts, root, wr.T, relu, blk)
    return h

# --- scband reference (transcript-rebuilt; emitter-appended) ---
"""Pipeline reference for scband-expert-tower-67783173865959 (READ-ONLY COPY).

The authoritative reference and input builder live on the scoring server;
editing this copy changes nothing except your own understanding.
"""

import jax, jax.numpy as jnp
import numpy as np

N = 10000
E = 320000
D = 128


def _graph_conv(x, edge_index, W_rel, W_root, b):
    # PyG GraphConv with aggr='add':
    # out_i = W_rel @ (sum_{j in N(i)} x_j) + W_root @ x_i + b
    src = edge_index[0]
    dst = edge_index[1]
    msgs = jnp.take(x, src, axis=0)
    agg = jax.ops.segment_sum(msgs, dst, num_segments=x.shape[0])
    return agg @ W_rel.T + x @ W_root.T + b


def setup_inputs(seed: int = 0) -> dict:
    key = jax.random.key(seed)
    ks = jax.random.split(key, 12)
    x = jax.random.normal(ks[0], (N, D), dtype=jnp.float32)
    edge_index = jax.random.randint(ks[1], (2, E), 0, N, dtype=jnp.int64)
    inp = {"x": x, "edge_index": edge_index}
    # 3 GraphConv layers: start(128->128), mid(128->128), end(128->128)
    for li, name in enumerate(["1", "2", "3"]):
        inp["W_rel" + name] = jax.random.normal(ks[2 + 3 * li], (D, D), dtype=jnp.float32) * 0.05
        inp["W_root" + name] = jax.random.normal(ks[3 + 3 * li], (D, D), dtype=jnp.float32) * 0.05
        inp["b" + name] = jax.random.normal(ks[4 + 3 * li], (D,), dtype=jnp.float32) * 0.05
    return inp


def reference(x, edge_index, W_rel1, W_root1, b1, W_rel2, W_root2, b2, W_rel3, W_root3, b3):
    h = jax.nn.relu(_graph_conv(x, edge_index, W_rel1, W_root1, b1))
    h = jax.nn.relu(_graph_conv(h, edge_index, W_rel2, W_root2, b2))
    out = _graph_conv(h, edge_index, W_rel3, W_root3, b3)
    return out

if __name__ == "__main__":
    import jax
    _d = setup_inputs()
    print(jax.jit(kernel)(*tuple(_d.values())))

</pallas_src>

<mosaic_0001>
#map = affine_map<(d0, d1) -> (0, 0)>
#map1 = affine_map<(d0, d1) -> (0, 0, 0)>
module attributes {stable_mosaic.version = 14 : i64} {
  func.func @k(%arg0: i32, %arg1: i32, %arg2: memref<10000x128xf32, #tpu.memory_space<hbm>>, %arg3: memref<32x80x128xi32, #tpu.memory_space<hbm>>, %arg4: memref<10112x128xf32, #tpu.memory_space<hbm>>, %arg5: memref<20000x128xf32, #tpu.memory_space<hbm>>, %arg6: memref<80x128xi32, #tpu.memory_space<vmem>>, %arg7: memref<128xi32, #tpu.memory_space<vmem>>, %arg8: memref<128xi32, #tpu.memory_space<vmem>>, %arg9: memref<128xi32, #tpu.memory_space<vmem>>, %arg10: memref<128xi32, #tpu.memory_space<vmem>>, %arg11: memref<128x128xf32, #tpu.memory_space<vmem>>, %arg12: memref<128x128xf32, #tpu.memory_space<vmem>>, %arg13: memref<10112x128xf32, #tpu.memory_space<vmem_shared>>, %arg14: memref<!tpu.dma_semaphore, #tpu.memory_space<semaphore_mem>>, %arg15: memref<!tpu.dma_semaphore, #tpu.memory_space<semaphore_mem>>) attributes {dimension_semantics = [#tpu.dimension_semantics<core_parallel>, #tpu.dimension_semantics<subcore_parallel>], iteration_bounds = array<i64: 2, 16>, scalar_prefetch = 0 : i64, scratch_operands = 10 : i64, tpu.core_type = #tpu.core_type<sc_vector_subcore>, window_params = [{transform_indices = #map}, {transform_indices = #map1}, {transform_indices = #map}, {transform_indices = #map}]} {
    %mul3A = arith.constant 2 : i32
    %mul3A_0 = arith.muli %arg1, %mul3A : i32
    %add3A = arith.addi %mul3A_0, %arg0 : i32
    "tpu.region"() ({
      %run_scoped3A = tpu.sem_alloc : memref<!tpu.dma_semaphore, #tpu.memory_space<semaphore_mem>>
      %dma_start3A_169 = arith.constant 0 : i32
      %dma_start3A_170 = arith.constant 0 : i32
      %dma_start3A_171 = tpu.memref_slice %arg3[%add3A, %dma_start3A_169, %dma_start3A_170] : memref<32x80x128xi32, #tpu.memory_space<hbm>> -> memref<1x80x128xi32, #tpu.memory_space<hbm>>
      %dma_start3A_172 = tpu.memref_squeeze %dma_start3A_171 : memref<1x80x128xi32, #tpu.memory_space<hbm>> -> memref<80x128xi32, #tpu.memory_space<hbm>>
      %dma_start3A_173 = arith.constant 0 : i32
      %dma_start3A_174 = arith.constant 0 : i32
      %dma_start3A_175 = tpu.memref_slice %arg3[%add3A, %dma_start3A_173, %dma_start3A_174] : memref<32x80x128xi32, #tpu.memory_space<hbm>> -> memref<1x80x128xi32, #tpu.memory_space<hbm>>
      %dma_start3A_176 = tpu.memref_squeeze %dma_start3A_175 : memref<1x80x128xi32, #tpu.memory_space<hbm>> -> memref<80x128xi32, #tpu.memory_space<hbm>>
      tpu.enqueue_dma source(%dma_start3A_176 : memref<80x128xi32, #tpu.memory_space<hbm>>) target(%arg6 : memref<80x128xi32, #tpu.memory_space<vmem>>) target_semaphore(%run_scoped3A : memref<!tpu.dma_semaphore, #tpu.memory_space<semaphore_mem>>)
      %dma_wait3A = arith.constant 0 : i32
      %dma_wait3A_177 = arith.constant 0 : i32
      %dma_wait3A_178 = tpu.memref_slice %arg3[%add3A, %dma_wait3A, %dma_wait3A_177] : memref<32x80x128xi32, #tpu.memory_space<hbm>> -> memref<1x80x128xi32, #tpu.memory_space<hbm>>
      %dma_wait3A_179 = tpu.memref_squeeze %dma_wait3A_178 : memref<1x80x128xi32, #tpu.memory_space<hbm>> -> memref<80x128xi32, #tpu.memory_space<hbm>>
      %dma_wait3A_180 = arith.constant 0 : i32
      %dma_wait3A_181 = arith.constant 0 : i32
      %dma_wait3A_182 = tpu.memref_slice %arg3[%add3A, %dma_wait3A_180, %dma_wait3A_181] : memref<32x80x128xi32, #tpu.memory_space<hbm>> -> memref<1x80x128xi32, #tpu.memory_space<hbm>>
      %dma_wait3A_183 = tpu.memref_squeeze %dma_wait3A_182 : memref<1x80x128xi32, #tpu.memory_space<hbm>> -> memref<80x128xi32, #tpu.memory_space<hbm>>
      tpu.wait_dma2 semaphore(%run_scoped3A : memref<!tpu.dma_semaphore, #tpu.memory_space<semaphore_mem>>) src(%dma_wait3A_183 : memref<80x128xi32, #tpu.memory_space<hbm>>) dst(%arg6 : memref<80x128xi32, #tpu.memory_space<vmem>>)
      tpu.yield
    }) : () -> ()
    %get3A = arith.constant 0 : i32
    %get3A_1 = arith.index_cast %get3A : i32 to index
    %get3A_2 = arith.constant 0 : index
    %get3A_3 = tpu.vector_load %arg6[%get3A_1, %get3A_2] {strides = array<i32>} : memref<80x128xi32, #tpu.memory_space<vmem>>, vector<1x16xi32>,
    %get3A_4 = vector.shape_cast %get3A_3 : vector<1x16xi32> to vector<16xi32>
    %and3A = arith.constant 65535 : i32
    %and3A_5 = vector.broadcast %and3A : i32 to vector<16xi32>
    %and3A_6 = arith.andi %get3A_4, %and3A_5 : vector<16xi32>
    %swap3A = arith.constant 0 : index
    %swap3A_7 = tpu.vector_load %arg7[%swap3A] {strides = array<i32>} : memref<128xi32, #tpu.memory_space<vmem>>, vector<16xi32>,
    %swap3A_8 = vector.shape_cast %swap3A_7 : vector<16xi32> to vector<16xi32>
    %swap3A_9 = vector.shape_cast %and3A_6 : vector<16xi32> to vector<16xi32>
    tpu.vector_store %arg7[%swap3A], %swap3A_9 {strides = array<i32>} : memref<128xi32, #tpu.memory_space<vmem>>, vector<16xi32>,
    %shift_right_logical3A = arith.constant 16 : i32
    %shift_right_logical3A_10 = vector.broadcast %shift_right_logical3A : i32 to vector<16xi32>
    %shift_right_logical3A_11 = arith.shrui %get3A_4, %shift_right_logical3A_10 : vector<16xi32>
    %swap3A_12 = arith.constant 0 : index
    %swap3A_13 = tpu.vector_load %arg9[%swap3A_12] {strides = array<i32>} : memref<128xi32, #tpu.memory_space<vmem>>, vector<16xi32>,
    %swap3A_14 = vector.shape_cast %swap3A_13 : vector<16xi32> to vector<16xi32>
    %swap3A_15 = vector.shape_cast %shift_right_logical3A_11 : vector<16xi32> to vector<16xi32>
    tpu.vector_store %arg9[%swap3A_12], %swap3A_15 {strides = array<i32>} : memref<128xi32, #tpu.memory_space<vmem>>, vector<16xi32>,
    %get3A_16 = arith.constant 0 : i32
    %get3A_17 = arith.index_cast %get3A_16 : i32 to index
    %get3A_18 = arith.constant 16 : index
    %get3A_19 = tpu.vector_load %arg6[%get3A_17, %get3A_18] {strides = array<i32>} : memref<80x128xi32, #tpu.memory_space<vmem>>, vector<1x16xi32>,
    %get3A_20 = vector.shape_cast %get3A_19 : vector<1x16xi32> to vector<16xi32>
    %and3A_21 = arith.constant 65535 : i32
    %and3A_22 = vector.broadcast %and3A_21 : i32 to vector<16xi32>
    %and3A_23 = arith.andi %get3A_20, %and3A_22 : vector<16xi32>
    %swap3A_24 = arith.constant 16 : index
    %swap3A_25 = tpu.vector_load %arg7[%swap3A_24] {strides = array<i32>} : memref<128xi32, #tpu.memory_space<vmem>>, vector<16xi32>,
    %swap3A_26 = vector.shape_cast %swap3A_25 : vector<16xi32> to vector<16xi32>
    %swap3A_27 = vector.shape_cast %and3A_23 : vector<16xi32> to vector<16xi32>
    tpu.vector_store %arg7[%swap3A_24], %swap3A_27 {strides = array<i32>} : memref<128xi32, #tpu.memory_space<vmem>>, vector<16xi32>,
    %shift_right_logical3A_28 = arith.constant 16 : i32
    %shift_right_logical3A_29 = vector.broadcast %shift_right_logical3A_28 : i32 to vector<16xi32>
    %shift_right_logical3A_30 = arith.shrui %get3A_20, %shift_right_logical3A_29 : vector<16xi32>
    %swap3A_31 = arith.constant 16 : index
    %swap3A_32 = tpu.vector_load %arg9[%swap3A_31] {strides = array<i32>} : memref<128xi32, #tpu.memory_space<vmem>>, vector<16xi32>,
    %swap3A_33 = vector.shape_cast %swap3A_32 : vector<16xi32> to vector<16xi32>
    %swap3A_34 = vector.shape_cast %shift_right_logical3A_30 : vector<16xi32> to vector<16xi32>
    tpu.vector_store %arg9[%swap3A_31], %swap3A_34 {strides = array<i32>} : memref<128xi32, #tpu.memory_space<vmem>>, vector<16xi32>,
    %get3A_35 = arith.constant 0 : i32
    %get3A_36 = arith.index_cast %get3A_35 : i32 to index
    %get3A_37 = arith.constant 32 : index
    %get3A_38 = tpu.vector_load %arg6[%get3A_36, %get3A_37] {strides = array<i32>} : memref<80x128xi32, #tpu.memory_space<vmem>>, vector<1x16xi32>,
    %get3A_39 = vector.shape_cast %get3A_38 : vector<1x16xi32> to vector<16xi32>
    %and3A_40 = arith.constant 65535 : i32
    %and3A_41 = vector.broadcast %and3A_40 : i32 to vector<16xi32>
    %and3A_42 = arith.andi %get3A_39, %and3A_41 : vector<16xi32>
    %swap3A_43 = arith.constant 32 : index
    %swap3A_44 = tpu.vector_load %arg7[%swap3A_43] {strides = array<i32>} : memref<128xi32, #tpu.memory_space<vmem>>, vector<16xi32>,
    %swap3A_45 = vector.shape_cast %swap3A_44 : vector<16xi32> to vector<16xi32>
    %swap3A_46 = vector.shape_cast %and3A_42 : vector<16xi32> to vector<16xi32>
    tpu.vector_store %arg7[%swap3A_43], %swap3A_46 {strides = array<i32>} : memref<128xi32, #tpu.memory_space<vmem>>, vector<16xi32>,
    %shift_right_logical3A_47 = arith.constant 16 : i32
    %shift_right_logical3A_48 = vector.broadcast %shift_right_logical3A_47 : i32 to vector<16xi32>
    %shift_right_logical3A_49 = arith.shrui %get3A_39, %shift_right_logical3A_48 : vector<16xi32>
    %swap3A_50 = arith.constant 32 : index
    %swap3A_51 = tpu.vector_load %arg9[%swap3A_50] {strides = array<i32>} : memref<128xi32, #tpu.memory_space<vmem>>, vector<16xi32>,
    %swap3A_52 = vector.shape_cast %swap3A_51 : vector<16xi32> to vector<16xi32>
    %swap3A_53 = vector.shape_cast %shift_right_logical3A_49 : vector<16xi32> to vector<16xi32>
    tpu.vector_store %arg9[%swap3A_50], %swap3A_53 {strides = array<i32>} : memref<128xi32, #tpu.memory_space<vmem>>, vector<16xi32>,
    %get3A_54 = arith.constant 0 : i32
    %get3A_55 = arith.index_cast %get3A_54 : i32 to index
    %get3A_56 = arith.constant 48 : index
    %get3A_57 = tpu.vector_load %arg6[%get3A_55, %get3A_56] {strides = array<i32>} : memref<80x128xi32, #tpu.memory_space<vmem>>, vector<1x16xi32>,
    %get3A_58 = vector.shape_cast %get3A_57 : vector<1x16xi32> to vector<16xi32>
    %and3A_59 = arith.constant 65535 : i32
    %and3A_60 = vector.broadcast %and3A_59 : i32 to vector<16xi32>
    %and3A_61 = arith.andi %get3A_58, %and3A_60 : vector<16xi32>
    %swap3A_62 = arith.constant 48 : index
    %swap3A_63 = tpu.vector_load %arg7[%swap3A_62] {strides = array<i32>} : memref<128xi32, #tpu.memory_space<vmem>>, vector<16xi32>,
    %swap3A_64 = vector.shape_cast %swap3A_63 : vector<16xi32> to vector<16xi32>
    %swap3A_65 = vector.shape_cast %and3A_61 : vector<16xi32> to vector<16xi32>
    tpu.vector_store %arg7[%swap3A_62], %swap3A_65 {strides = array<i32>} : memref<128xi32, #tpu.memory_space<vmem>>, vector<16xi32>,
    %shift_right_logical3A_66 = arith.constant 16 : i32
    %shift_right_logical3A_67 = vector.broadcast %shift_right_logical3A_66 : i32 to vector<16xi32>
    %shift_right_logical3A_68 = arith.shrui %get3A_58, %shift_right_logical3A_67 : vector<16xi32>
    %swap3A_69 = arith.constant 48 : index
    %swap3A_70 = tpu.vector_load %arg9[%swap3A_69] {strides = array<i32>} : memref<128xi32, #tpu.memory_space<vmem>>, vector<16xi32>,
    %swap3A_71 = vector.shape_cast %swap3A_70 : vector<16xi32> to vector<16xi32>
    %swap3A_72 = vector.shape_cast %shift_right_logical3A_68 : vector<16xi32> to vector<16xi32>
    tpu.vector_store %arg9[%swap3A_69], %swap3A_72 {strides = array<i32>} : memref<128xi32, #tpu.memory_space<vmem>>, vector<16xi32>,
    %get3A_73 = arith.constant 0 : i32
    %get3A_74 = arith.index_cast %get3A_73 : i32 to index
    %get3A_75 = arith.constant 64 : index
    %get3A_76 = tpu.vector_load %arg6[%get3A_74, %get3A_75] {strides = array<i32>} : memref<80x128xi32, #tpu.memory_space<vmem>>, vector<1x16xi32>,
    %get3A_77 = vector.shape_cast %get3A_76 : vector<1x16xi32> to vector<16xi32>
    %and3A_78 = arith.constant 65535 : i32
    %and3A_79 = vector.broadcast %and3A_78 : i32 to vector<16xi32>
    %and3A_80 = arith.andi %get3A_77, %and3A_79 : vector<16xi32>
    %swap3A_81 = arith.constant 64 : index
    %swap3A_82 = tpu.vector_load %arg7[%swap3A_81] {strides = array<i32>} : memref<128xi32, #tpu.memory_space<vmem>>, vector<16xi32>,
    %swap3A_83 = vector.shape_cast %swap3A_82 : vector<16xi32> to vector<16xi32>
    %swap3A_84 = vector.shape_cast %and3A_80 : vector<16xi32> to vector<16xi32>
    tpu.vector_store %arg7[%swap3A_81], %swap3A_84 {strides = array<i32>} : memref<128xi32, #tpu.memory_space<vmem>>, vector<16xi32>,
    %shift_right_logical3A_85 = arith.constant 16 : i32
    %shift_right_logical3A_86 = vector.broadcast %shift_right_logical3A_85 : i32 to vector<16xi32>
    %shift_right_logical3A_87 = arith.shrui %get3A_77, %shift_right_logical3A_86 : vector<16xi32>
    %swap3A_88 = arith.constant 64 : index
    %swap3A_89 = tpu.vector_load %arg9[%swap3A_88] {strides = array<i32>} : memref<128xi32, #tpu.memory_space<vmem>>, vector<16xi32>,
    %swap3A_90 = vector.shape_cast %swap3A_89 : vector<16xi32> to vector<16xi32>
    %swap3A_91 = vector.shape_cast %shift_right_logical3A_87 : vector<16xi32> to vector<16xi32>
    tpu.vector_store %arg9[%swap3A_88], %swap3A_91 {strides = array<i32>} : memref<128xi32, #tpu.memory_space<vmem>>, vector<16xi32>,
    %get3A_92 = arith.constant 0 : i32
    %get3A_93 = arith.index_cast %get3A_92 : i32 to index
    %get3A_94 = arith.constant 80 : index
    %get3A_95 = tpu.vector_load %arg6[%get3A_93, %get3A_94] {strides = array<i32>} : memref<80x128xi32, #tpu.memory_space<vmem>>, vector<1x16xi32>,
    %get3A_96 = vector.shape_cast %get3A_95 : vector<1x16xi32> to vector<16xi32>
    %and3A_97 = arith.constant 65535 : i32
    %and3A_98 = vector.broadcast %and3A_97 : i32 to vector<16xi32>
    %and3A_99 = arith.andi %get3A_96, %and3A_98 : vector<16xi32>
    %swap3A_100 = arith.constant 80 : index
    %swap3A_101 = tpu.vector_load %arg7[%swap3A_100] {strides = array<i32>} : memref<128xi32, #tpu.memory_space<vmem>>, vector<16xi32>,
    %swap3A_102 = vector.shape_cast %swap3A_101 : vector<16xi32> to vector<16xi32>
    %swap3A_103 = vector.shape_cast %and3A_99 : vector<16xi32> to vector<16xi32>
    tpu.vector_store %arg7[%swap3A_100], %swap3A_103 {strides = array<i32>} : memref<128xi32, #tpu.memory_space<vmem>>, vector<16xi32>,
    %shift_right_logical3A_104 = arith.constant 16 : i32
    %shift_right_logical3A_105 = vector.broadcast %shift_right_logical3A_104 : i32 to vector<16xi32>
    %shift_right_logical3A_106 = arith.shrui %get3A_96, %shift_right_logical3A_105 : vector<16xi32>
    %swap3A_107 = arith.constant 80 : index
    %swap3A_108 = tpu.vector_load %arg9[%swap3A_107] {strides = array<i32>} : memref<128xi32, #tpu.memory_space<vmem>>, vector<16xi32>,
    %swap3A_109 = vector.shape_cast %swap3A_108 : vector<16xi32> to vector<16xi32>
    %swap3A_110 = vector.shape_cast %shift_right_logical3A_106 : vector<16xi32> to vector<16xi32>
    tpu.vector_store %arg9[%swap3A_107], %swap3A_110 {strides = array<i32>} : memref<128xi32, #tpu.memory_space<vmem>>, vector<16xi32>,
    %get3A_111 = arith.constant 0 : i32
    %get3A_112 = arith.index_cast %get3A_111 : i32 to index
    %get3A_113 = arith.constant 96 : index
    %get3A_114 = tpu.vector_load %arg6[%get3A_112, %get3A_113] {strides = array<i32>} : memref<80x128xi32, #tpu.memory_space<vmem>>, vector<1x16xi32>,
    %get3A_115 = vector.shape_cast %get3A_114 : vector<1x16xi32> to vector<16xi32>
    %and3A_116 = arith.constant 65535 : i32
    %and3A_117 = vector.broadcast %and3A_116 : i32 to vector<16xi32>
    %and3A_118 = arith.andi %get3A_115, %and3A_117 : vector<16xi32>
    %swap3A_119 = arith.constant 96 : index
    %swap3A_120 = tpu.vector_load %arg7[%swap3A_119] {strides = array<i32>} : memref<128xi32, #tpu.memory_space<vmem>>, vector<16xi32>,
    %swap3A_121 = vector.shape_cast %swap3A_120 : vector<16xi32> to vector<16xi32>
    %swap3A_122 = vector.shape_cast %and3A_118 : vector<16xi32> to vector<16xi32>
    tpu.vector_store %arg7[%swap3A_119], %swap3A_122 {strides = array<i32>} : memref<128xi32, #tpu.memory_space<vmem>>, vector<16xi32>,
    %shift_right_logical3A_123 = arith.constant 16 : i32
    %shift_right_logical3A_124 = vector.broadcast %shift_right_logical3A_123 : i32 to vector<16xi32>
    %shift_right_logical3A_125 = arith.shrui %get3A_115, %shift_right_logical3A_124 : vector<16xi32>
    %swap3A_126 = arith.constant 96 : index
    %swap3A_127 = tpu.vector_load %arg9[%swap3A_126] {strides = array<i32>} : memref<128xi32, #tpu.memory_space<vmem>>, vector<16xi32>,
    %swap3A_128 = vector.shape_cast %swap3A_127 : vector<16xi32> to vector<16xi32>
    %swap3A_129 = vector.shape_cast %shift_right_logical3A_125 : vector<16xi32> to vector<16xi32>
    tpu.vector_store %arg9[%swap3A_126], %swap3A_129 {strides = array<i32>} : memref<128xi32, #tpu.memory_space<vmem>>, vector<16xi32>,
    %get3A_130 = arith.constant 0 : i32
    %get3A_131 = arith.index_cast %get3A_130 : i32 to index
    %get3A_132 = arith.constant 112 : index
    %get3A_133 = tpu.vector_load %arg6[%get3A_131, %get3A_132] {strides = array<i32>} : memref<80x128xi32, #tpu.memory_space<vmem>>, vector<1x16xi32>,
    %get3A_134 = vector.shape_cast %get3A_133 : vector<1x16xi32> to vector<16xi32>
    %and3A_135 = arith.constant 65535 : i32
    %and3A_136 = vector.broadcast %and3A_135 : i32 to vector<16xi32>
    %and3A_137 = arith.andi %get3A_134, %and3A_136 : vector<16xi32>
    %swap3A_138 = arith.constant 112 : index
    %swap3A_139 = tpu.vector_load %arg7[%swap3A_138] {strides = array<i32>} : memref<128xi32, #tpu.memory_space<vmem>>, vector<16xi32>,
    %swap3A_140 = vector.shape_cast %swap3A_139 : vector<16xi32> to vector<16xi32>
    %swap3A_141 = vector.shape_cast %and3A_137 : vector<16xi32> to vector<16xi32>
    tpu.vector_store %arg7[%swap3A_138], %swap3A_141 {strides = array<i32>} : memref<128xi32, #tpu.memory_space<vmem>>, vector<16xi32>,
    %shift_right_logical3A_142 = arith.constant 16 : i32
    %shift_right_logical3A_143 = vector.broadcast %shift_right_logical3A_142 : i32 to vector<16xi32>
    %shift_right_logical3A_144 = arith.shrui %get3A_134, %shift_right_logical3A_143 : vector<16xi32>
    %swap3A_145 = arith.constant 112 : index
    %swap3A_146 = tpu.vector_load %arg9[%swap3A_145] {strides = array<i32>} : memref<128xi32, #tpu.memory_space<vmem>>, vector<16xi32>,
    %swap3A_147 = vector.shape_cast %swap3A_146 : vector<16xi32> to vector<16xi32>
    %swap3A_148 = vector.shape_cast %shift_right_logical3A_144 : vector<16xi32> to vector<16xi32>
    tpu.vector_store %arg9[%swap3A_145], %swap3A_148 {strides = array<i32>} : memref<128xi32, #tpu.memory_space<vmem>>, vector<16xi32>,
    %dma_start3A = arith.constant 0 : i32
    %dma_start3A_149 = arith.constant 0 : i32
    %dma_start3A_150 = tpu.memref_slice %arg2[%dma_start3A, %dma_start3A_149] : memref<10000x128xf32, #tpu.memory_space<hbm>> -> memref<10000x128xf32, #tpu.memory_space<hbm>>
    tpu.enqueue_indirect_dma source(%dma_start3A_150 : memref<10000x128xf32, #tpu.memory_space<hbm>>) target(%arg11 : memref<128x128xf32, #tpu.memory_space<vmem>>) offsets(%arg7 : memref<128xi32, #tpu.memory_space<vmem>>) semaphore(%arg14 : memref<!tpu.dma_semaphore, #tpu.memory_space<semaphore_mem>>)
    %mul3A_151 = arith.constant 632 : i32
    %mul3A_152 = arith.muli %arg1, %mul3A_151 : i32
    %mul3A_153 = arith.constant 632 : i32
    %mul3A_154 = arith.muli %arg1, %mul3A_153 : i32
    "tpu.region"() ({
      %run_scoped3A = tpu.sem_alloc : memref<!tpu.dma_semaphore, #tpu.memory_space<semaphore_mem>>
      %dma_start3A_169 = arith.constant 0 : i32
      %dma_start3A_170 = tpu.memref_slice %arg13[%mul3A_154, %dma_start3A_169] : memref<10112x128xf32, #tpu.memory_space<vmem_shared>> -> memref<632x128xf32, #tpu.memory_space<vmem_shared>>
      %dma_start3A_171 = arith.constant 0 : i32
      %dma_start3A_172 = tpu.memref_slice %arg4[%mul3A_152, %dma_start3A_171] : memref<10112x128xf32, #tpu.memory_space<hbm>> -> memref<632x128xf32, #tpu.memory_space<hbm>>
      tpu.enqueue_dma source(%dma_start3A_172 : memref<632x128xf32, #tpu.memory_space<hbm>>) target(%dma_start3A_170 : memref<632x128xf32, #tpu.memory_space<vmem_shared>>) target_semaphore(%run_scoped3A : memref<!tpu.dma_semaphore, #tpu.memory_space<semaphore_mem>>)
      %dma_wait3A = arith.constant 0 : i32
      %dma_wait3A_173 = tpu.memref_slice %arg13[%mul3A_154, %dma_wait3A] : memref<10112x128xf32, #tpu.memory_space<vmem_shared>> -> memref<632x128xf32, #tpu.memory_space<vmem_shared>>
      %dma_wait3A_174 = arith.constant 0 : i32
      %dma_wait3A_175 = tpu.memref_slice %arg4[%mul3A_152, %dma_wait3A_174] : memref<10112x128xf32, #tpu.memory_space<hbm>> -> memref<632x128xf32, #tpu.memory_space<hbm>>
      tpu.wait_dma2 semaphore(%run_scoped3A : memref<!tpu.dma_semaphore, #tpu.memory_space<semaphore_mem>>) src(%dma_wait3A_175 : memref<632x128xf32, #tpu.memory_space<hbm>>) dst(%dma_wait3A_173 : memref<632x128xf32, #tpu.memory_space<vmem_shared>>)
      tpu.yield
    }) : () -> ()
    %barrier3A = arith.constant 0 : index
    tpu.barrier barrier_id(%barrier3A)
    %scan3A = arith.constant 0 : i32
    %scan3A_155 = arith.constant 40 : i32
    %scan3A_156 = arith.addi %scan3A, %scan3A_155 : i32
    %scan3A_157 = arith.constant 1 : i32
    scf.for %scan3A_169 = %scan3A to %scan3A_156 step %scan3A_157  : i32 {
      %mul3A_170 = arith.constant 1 : i32
      %mul3A_171 = arith.muli %scan3A_169, %mul3A_170 : i32
      %add3A_172 = arith.constant 0 : i32
      %add3A_173 = arith.addi %add3A_172, %mul3A_171 : i32
      %mul3A_174 = arith.constant 2 : i32
      %mul3A_175 = arith.muli %mul3A_174, %add3A_173 : i32
      %add3A_176 = arith.constant 1 : i32
      %add3A_177 = arith.addi %mul3A_175, %add3A_176 : i32
      %get3A_178 = arith.index_cast %add3A_177 : i32 to index
      %get3A_179 = arith.constant 0 : index
      %get3A_180 = tpu.vector_load %arg6[%get3A_178, %get3A_179] {strides = array<i32>} : memref<80x128xi32, #tpu.memory_space<vmem>>, vector<1x16xi32>,
      %get3A_181 = vector.shape_cast %get3A_180 : vector<1x16xi32> to vector<16xi32>
      %and3A_182 = arith.constant 65535 : i32
      %and3A_183 = vector.broadcast %and3A_182 : i32 to vector<16xi32>
      %and3A_184 = arith.andi %get3A_181, %and3A_183 : vector<16xi32>
      %swap3A_185 = arith.constant 0 : index
      %swap3A_186 = tpu.vector_load %arg8[%swap3A_185] {strides = array<i32>} : memref<128xi32, #tpu.memory_space<vmem>>, vector<16xi32>,
      %swap3A_187 = vector.shape_cast %swap3A_186 : vector<16xi32> to vector<16xi32>
      %swap3A_188 = vector.shape_cast %and3A_184 : vector<16xi32> to vector<16xi32>
      tpu.vector_store %arg8[%swap3A_185], %swap3A_188 {strides = array<i32>} : memref<128xi32, #tpu.memory_space<vmem>>, vector<16xi32>,
      %shift_right_logical3A_189 = arith.constant 16 : i32
      %shift_right_logical3A_190 = vector.broadcast %shift_right_logical3A_189 : i32 to vector<16xi32>
      %shift_right_logical3A_191 = arith.shrui %get3A_181, %shift_right_logical3A_190 : vector<16xi32>
      %swap3A_192 = arith.constant 0 : index
      %swap3A_193 = tpu.vector_load %arg10[%swap3A_192] {strides = array<i32>} : memref<128xi32, #tpu.memory_space<vmem>>, vector<16xi32>,
      %swap3A_194 = vector.shape_cast %swap3A_193 : vector<16xi32> to vector<16xi32>
      %swap3A_195 = vector.shape_cast %shift_right_logical3A_191 : vector<16xi32> to vector<16xi32>
      tpu.vector_store %arg10[%swap3A_192], %swap3A_195 {strides = array<i32>} : memref<128xi32, #tpu.memory_space<vmem>>, vector<16xi32>,
      %get3A_196 = arith.index_cast %add3A_177 : i32 to index
      %get3A_197 = arith.constant 16 : index
      %get3A_198 = tpu.vector_load %arg6[%get3A_196, %get3A_197] {strides = array<i32>} : memref<80x128xi32, #tpu.memory_space<vmem>>, vector<1x16xi32>,
      %get3A_199 = vector.shape_cast %get3A_198 : vector<1x16xi32> to vector<16xi32>
      %and3A_200 = arith.constant 65535 : i32
      %and3A_201 = vector.broadcast %and3A_200 : i32 to vector<16xi32>
      %and3A_202 = arith.andi %get3A_199, %and3A_201 : vector<16xi32>
      %swap3A_203 = arith.constant 16 : index
      %swap3A_204 = tpu.vector_load %arg8[%swap3A_203] {strides = array<i32>} : memref<128xi32, #tpu.memory_space<vmem>>, vector<16xi32>,
      %swap3A_205 = vector.shape_cast %swap3A_204 : vector<16xi32> to vector<16xi32>
      %swap3A_206 = vector.shape_cast %and3A_202 : vector<16xi32> to vector<16xi32>
      tpu.vector_store %arg8[%swap3A_203], %swap3A_206 {strides = array<i32>} : memref<128xi32, #tpu.memory_space<vmem>>, vector<16xi32>,
      %shift_right_logical3A_207 = arith.constant 16 : i32
      %shift_right_logical3A_208 = vector.broadcast %shift_right_logical3A_207 : i32 to vector<16xi32>
      %shift_right_logical3A_209 = arith.shrui %get3A_199, %shift_right_logical3A_208 : vector<16xi32>
      %swap3A_210 = arith.constant 16 : index
      %swap3A_211 = tpu.vector_load %arg10[%swap3A_210] {strides = array<i32>} : memref<128xi32, #tpu.memory_space<vmem>>, vector<16xi32>,
      %swap3A_212 = vector.shape_cast %swap3A_211 : vector<16xi32> to vector<16xi32>
      %swap3A_213 = vector.shape_cast %shift_right_logical3A_209 : vector<16xi32> to vector<16xi32>
      tpu.vector_store %arg10[%swap3A_210], %swap3A_213 {strides = array<i32>} : memref<128xi32, #tpu.memory_space<vmem>>, vector<16xi32>,
      %get3A_214 = arith.index_cast %add3A_177 : i32 to index
      %get3A_215 = arith.constant 32 : index
      %get3A_216 = tpu.vector_load %arg6[%get3A_214, %get3A_215] {strides = array<i32>} : memref<80x128xi32, #tpu.memory_space<vmem>>, vector<1x16xi32>,
      %get3A_217 = vector.shape_cast %get3A_216 : vector<1x16xi32> to vector<16xi32>
      %and3A_218 = arith.constant 65535 : i32
      %and3A_219 = vector.broadcast %and3A_218 : i32 to vector<16xi32>
      %and3A_220 = arith.andi %get3A_217, %and3A_219 : vector<16xi32>
      %swap3A_221 = arith.constant 32 : index
      %swap3A_222 = tpu.vector_load %arg8[%swap3A_221] {strides = array<i32>} : memref<128xi32, #tpu.memory_space<vmem>>, vector<16xi32>,
      %swap3A_223 = vector.shape_cast %swap3A_222 : vector<16xi32> to vector<16xi32>
      %swap3A_224 = vector.shape_cast %and3A_220 : vector<16xi32> to vector<16xi32>
      tpu.vector_store %arg8[%swap3A_221], %swap3A_224 {strides = array<i32>} : memref<128xi32, #tpu.memory_space<vmem>>, vector<16xi32>,
      %shift_right_logical3A_225 = arith.constant 16 : i32
      %shift_right_logical3A_226 = vector.broadcast %shift_right_logical3A_225 : i32 to vector<16xi32>
      %shift_right_logical3A_227 = arith.shrui %get3A_217, %shift_right_logical3A_226 : vector<16xi32>
      %swap3A_228 = arith.constant 32 : index
      %swap3A_229 = tpu.vector_load %arg10[%swap3A_228] {strides = array<i32>} : memref<128xi32, #tpu.memory_space<vmem>>, vector<16xi32>,
      %swap3A_230 = vector.shape_cast %swap3A_229 : vector<16xi32> to vector<16xi32>
      %swap3A_231 = vector.shape_cast %shift_right_logical3A_227 : vector<16xi32> to vector<16xi32>
      tpu.vector_store %arg10[%swap3A_228], %swap3A_231 {strides = array<i32>} : memref<128xi32, #tpu.memory_space<vmem>>, vector<16xi32>,
      %get3A_232 = arith.index_cast %add3A_177 : i32 to index
      %get3A_233 = arith.constant 48 : index
      %get3A_234 = tpu.vector_load %arg6[%get3A_232, %get3A_233] {strides = array<i32>} : memref<80x128xi32, #tpu.memory_space<vmem>>, vector<1x16xi32>,
      %get3A_235 = vector.shape_cast %get3A_234 : vector<1x16xi32> to vector<16xi32>
      %and3A_236 = arith.constant 65535 : i32
      %and3A_237 = vector.broadcast %and3A_236 : i32 to vector<16xi32>
      %and3A_238 = arith.andi %get3A_235, %and3A_237 : vector<16xi32>
      %swap3A_239 = arith.constant 48 : index
      %swap3A_240 = tpu.vector_load %arg8[%swap3A_239] {strides = array<i32>} : memref<128xi32, #tpu.memory_space<vmem>>, vector<16xi32>,
      %swap3A_241 = vector.shape_cast %swap3A_240 : vector<16xi32> to vector<16xi32>
      %swap3A_242 = vector.shape_cast %and3A_238 : vector<16xi32> to vector<16xi32>
      tpu.vector_store %arg8[%swap3A_239], %swap3A_242 {strides = array<i32>} : memref<128xi32, #tpu.memory_space<vmem>>, vector<16xi32>,
      %shift_right_logical3A_243 = arith.constant 16 : i32
      %shift_right_logical3A_244 = vector.broadcast %shift_right_logical3A_243 : i32 to vector<16xi32>
      %shift_right_logical3A_245 = arith.shrui %get3A_235, %shift_right_logical3A_244 : vector<16xi32>
      %swap3A_246 = arith.constant 48 : index
      %swap3A_247 = tpu.vector_load %arg10[%swap3A_246] {strides = array<i32>} : memref<128xi32, #tpu.memory_space<vmem>>, vector<16xi32>,
      %swap3A_248 = vector.shape_cast %swap3A_247 : vector<16xi32> to vector<16xi32>
      %swap3A_249 = vector.shape_cast %shift_right_logical3A_245 : vector<16xi32> to vector<16xi32>
      tpu.vector_store %arg10[%swap3A_246], %swap3A_249 {strides = array<i32>} : memref<128xi32, #tpu.memory_space<vmem>>, vector<16xi32>,
      %get3A_250 = arith.index_cast %add3A_177 : i32 to index
      %get3A_251 = arith.constant 64 : index
      %get3A_252 = tpu.vector_load %arg6[%get3A_250, %get3A_251] {strides = array<i32>} : memref<80x128xi32, #tpu.memory_space<vmem>>, vector<1x16xi32>,
      %get3A_253 = vector.shape_cast %get3A_252 : vector<1x16xi32> to vector<16xi32>
      %and3A_254 = arith.constant 65535 : i32
      %and3A_255 = vector.broadcast %and3A_254 : i32 to vector<16xi32>
      %and3A_256 = arith.andi %get3A_253, %and3A_255 : vector<16xi32>
      %swap3A_257 = arith.constant 64 : index
      %swap3A_258 = tpu.vector_load %arg8[%swap3A_257] {strides = array<i32>} : memref<128xi32, #tpu.memory_space<vmem>>, vector<16xi32>,
      %swap3A_259 = vector.shape_cast %swap3A_258 : vector<16xi32> to vector<16xi32>
      %swap3A_260 = vector.shape_cast %and3A_256 : vector<16xi32> to vector<16xi32>
      tpu.vector_store %arg8[%swap3A_257], %swap3A_260 {strides = array<i32>} : memref<128xi32, #tpu.memory_space<vmem>>, vector<16xi32>,
      %shift_right_logical3A_261 = arith.constant 16 : i32
      %shift_right_logical3A_262 = vector.broadcast %shift_right_logical3A_261 : i32 to vector<16xi32>
      %shift_right_logical3A_263 = arith.shrui %get3A_253, %shift_right_logical3A_262 : vector<16xi32>
      %swap3A_264 = arith.constant 64 : index
      %swap3A_265 = tpu.vector_load %arg10[%swap3A_264] {strides = array<i32>} : memref<128xi32, #tpu.memory_space<vmem>>, vector<16xi32>,
      %swap3A_266 = vector.shape_cast %swap3A_265 : vector<16xi32> to vector<16xi32>
      %swap3A_267 = vector.shape_cast %shift_right_logical3A_263 : vector<16xi32> to vector<16xi32>
      tpu.vector_store %arg10[%swap3A_264], %swap3A_267 {strides = array<i32>} : memref<128xi32, #tpu.memory_space<vmem>>, vector<16xi32>,
      %get3A_268 = arith.index_cast %add3A_177 : i32 to index
      %get3A_269 = arith.constant 80 : index
      %get3A_270 = tpu.vector_load %arg6[%get3A_268, %get3A_269] {strides = array<i32>} : memref<80x128xi32, #tpu.memory_space<vmem>>, vector<1x16xi32>,
      %get3A_271 = vector.shape_cast %get3A_270 : vector<1x16xi32> to vector<16xi32>
      %and3A_272 = arith.constant 65535 : i32
      %and3A_273 = vector.broadcast %and3A_272 : i32 to vector<16xi32>
      %and3A_274 = arith.andi %get3A_271, %and3A_273 : vector<16xi32>
      %swap3A_275 = arith.constant 80 : index
      %swap3A_276 = tpu.vector_load %arg8[%swap3A_275] {strides = array<i32>} : memref<128xi32, #tpu.memory_space<vmem>>, vector<16xi32>,
      %swap3A_277 = vector.shape_cast %swap3A_276 : vector<16xi32> to vector<16xi32>
      %swap3A_278 = vector.shape_cast %and3A_274 : vector<16xi32> to vector<16xi32>
      tpu.vector_store %arg8[%swap3A_275], %swap3A_278 {strides = array<i32>} : memref<128xi32, #tpu.memory_space<vmem>>, vector<16xi32>,
      %shift_right_logical3A_279 = arith.constant 16 : i32
      %shift_right_logical3A_280 = vector.broadcast %shift_right_logical3A_279 : i32 to vector<16xi32>
      %shift_right_logical3A_281 = arith.shrui %get3A_271, %shift_right_logical3A_280 : vector<16xi32>
      %swap3A_282 = arith.constant 80 : index
      %swap3A_283 = tpu.vector_load %arg10[%swap3A_282] {strides = array<i32>} : memref<128xi32, #tpu.memory_space<vmem>>, vector<16xi32>,
      %swap3A_284 = vector.shape_cast %swap3A_283 : vector<16xi32> to vector<16xi32>
      %swap3A_285 = vector.shape_cast %shift_right_logical3A_281 : vector<16xi32> to vector<16xi32>
      tpu.vector_store %arg10[%swap3A_282], %swap3A_285 {strides = array<i32>} : memref<128xi32, #tpu.memory_space<vmem>>, vector<16xi32>,
      %get3A_286 = arith.index_cast %add3A_177 : i32 to index
      %get3A_287 = arith.constant 96 : index
      %get3A_288 = tpu.vector_load %arg6[%get3A_286, %get3A_287] {strides = array<i32>} : memref<80x128xi32, #tpu.memory_space<vmem>>, vector<1x16xi32>,
      %get3A_289 = vector.shape_cast %get3A_288 : vector<1x16xi32> to vector<16xi32>
      %and3A_290 = arith.constant 65535 : i32
      %and3A_291 = vector.broadcast %and3A_290 : i32 to vector<16xi32>
      %and3A_292 = arith.andi %get3A_289, %and3A_291 : vector<16xi32>
      %swap3A_293 = arith.constant 96 : index
      %swap3A_294 = tpu.vector_load %arg8[%swap3A_293] {strides = array<i32>} : memref<128xi32, #tpu.memory_space<vmem>>, vector<16xi32>,
      %swap3A_295 = vector.shape_cast %swap3A_294 : vector<16xi32> to vector<16xi32>
      %swap3A_296 = vector.shape_cast %and3A_292 : vector<16xi32> to vector<16xi32>
      tpu.vector_store %arg8[%swap3A_293], %swap3A_296 {strides = array<i32>} : memref<128xi32, #tpu.memory_space<vmem>>, vector<16xi32>,
      %shift_right_logical3A_297 = arith.constant 16 : i32
      %shift_right_logical3A_298 = vector.broadcast %shift_right_logical3A_297 : i32 to vector<16xi32>
      %shift_right_logical3A_299 = arith.shrui %get3A_289, %shift_right_logical3A_298 : vector<16xi32>
      %swap3A_300 = arith.constant 96 : index
      %swap3A_301 = tpu.vector_load %arg10[%swap3A_300] {strides = array<i32>} : memref<128xi32, #tpu.memory_space<vmem>>, vector<16xi32>,
      %swap3A_302 = vector.shape_cast %swap3A_301 : vector<16xi32> to vector<16xi32>
      %swap3A_303 = vector.shape_cast %shift_right_logical3A_299 : vector<16xi32> to vector<16xi32>
      tpu.vector_store %arg10[%swap3A_300], %swap3A_303 {strides = array<i32>} : memref<128xi32, #tpu.memory_space<vmem>>, vector<16xi32>,
      %get3A_304 = arith.index_cast %add3A_177 : i32 to index
      %get3A_305 = arith.constant 112 : index
      %get3A_306 = tpu.vector_load %arg6[%get3A_304, %get3A_305] {strides = array<i32>} : memref<80x128xi32, #tpu.memory_space<vmem>>, vector<1x16xi32>,
      %get3A_307 = vector.shape_cast %get3A_306 : vector<1x16xi32> to vector<16xi32>
      %and3A_308 = arith.constant 65535 : i32
      %and3A_309 = vector.broadcast %and3A_308 : i32 to vector<16xi32>
      %and3A_310 = arith.andi %get3A_307, %and3A_309 : vector<16xi32>
      %swap3A_311 = arith.constant 112 : index
      %swap3A_312 = tpu.vector_load %arg8[%swap3A_311] {strides = array<i32>} : memref<128xi32, #tpu.memory_space<vmem>>, vector<16xi32>,
      %swap3A_313 = vector.shape_cast %swap3A_312 : vector<16xi32> to vector<16xi32>
      %swap3A_314 = vector.shape_cast %and3A_310 : vector<16xi32> to vector<16xi32>
      tpu.vector_store %arg8[%swap3A_311], %swap3A_314 {strides = array<i32>} : memref<128xi32, #tpu.memory_space<vmem>>, vector<16xi32>,
      %shift_right_logical3A_315 = arith.constant 16 : i32
      %shift_right_logical3A_316 = vector.broadcast %shift_right_logical3A_315 : i32 to vector<16xi32>
      %shift_right_logical3A_317 = arith.shrui %get3A_307, %shift_right_logical3A_316 : vector<16xi32>
      %swap3A_318 = arith.constant 112 : index
      %swap3A_319 = tpu.vector_load %arg10[%swap3A_318] {strides = array<i32>} : memref<128xi32, #tpu.memory_space<vmem>>, vector<16xi32>,
      %swap3A_320 = vector.shape_cast %swap3A_319 : vector<16xi32> to vector<16xi32>
      %swap3A_321 = vector.shape_cast %shift_right_logical3A_317 : vector<16xi32> to vector<16xi32>
      tpu.vector_store %arg10[%swap3A_318], %swap3A_321 {strides = array<i32>} : memref<128xi32, #tpu.memory_space<vmem>>, vector<16xi32>,
      %dma_start3A_322 = arith.constant 0 : i32
      %dma_start3A_323 = arith.constant 0 : i32
      %dma_start3A_324 = tpu.memref_slice %arg2[%dma_start3A_322, %dma_start3A_323] : memref<10000x128xf32, #tpu.memory_space<hbm>> -> memref<10000x128xf32, #tpu.memory_space<hbm>>
      tpu.enqueue_indirect_dma source(%dma_start3A_324 : memref<10000x128xf32, #tpu.memory_space<hbm>>) target(%arg12 : memref<128x128xf32, #tpu.memory_space<vmem>>) offsets(%arg8 : memref<128xi32, #tpu.memory_space<vmem>>) semaphore(%arg15 : memref<!tpu.dma_semaphore, #tpu.memory_space<semaphore_mem>>)
      %dma_wait3A = arith.constant 0 : i32
      %dma_wait3A_325 = arith.constant 0 : i32
      %dma_wait3A_326 = tpu.memref_slice %arg2[%dma_wait3A, %dma_wait3A_325] : memref<10000x128xf32, #tpu.memory_space<hbm>> -> memref<10000x128xf32, #tpu.memory_space<hbm>>
      tpu.wait_indirect_dma semaphore(%arg14 : memref<!tpu.dma_semaphore, #tpu.memory_space<semaphore_mem>>) src(%dma_wait3A_326 : memref<10000x128xf32, #tpu.memory_space<hbm>>) dst(%arg11 : memref<128x128xf32, #tpu.memory_space<vmem>>)
      "tpu.region"() ({
        %run_scoped3A = tpu.sem_alloc : memref<!tpu.dma_semaphore, #tpu.memory_space<semaphore_mem>>
        %dma_start3A_334 = arith.constant 0 : i32
        %dma_start3A_335 = arith.constant 0 : i32
        %dma_start3A_336 = tpu.memref_slice %arg13[%dma_start3A_334, %dma_start3A_335] : memref<10112x128xf32, #tpu.memory_space<vmem_shared>> -> memref<10112x128xf32, #tpu.memory_space<vmem_shared>>
        tpu.enqueue_indirect_dma source(%arg11 : memref<128x128xf32, #tpu.memory_space<vmem>>) target(%dma_start3A_336 : memref<10112x128xf32, #tpu.memory_space<vmem_shared>>) offsets(%arg9 : memref<128xi32, #tpu.memory_space<vmem>>) semaphore(%run_scoped3A : memref<!tpu.dma_semaphore, #tpu.memory_space<semaphore_mem>>) {add = true}
        %dma_wait3A_337 = arith.constant 0 : i32
        %dma_wait3A_338 = arith.constant 0 : i32
        %dma_wait3A_339 = tpu.memref_slice %arg13[%dma_wait3A_337, %dma_wait3A_338] : memref<10112x128xf32, #tpu.memory_space<vmem_shared>> -> memref<10112x128xf32, #tpu.memory_space<vmem_shared>>
        tpu.wait_indirect_dma semaphore(%run_scoped3A : memref<!tpu.dma_semaphore, #tpu.memory_space<semaphore_mem>>) src(%arg11 : memref<128x128xf32, #tpu.memory_space<vmem>>) dst(%dma_wait3A_339 : memref<10112x128xf32, #tpu.memory_space<vmem_shared>>)
        tpu.yield
      }) : () -> ()
      %lt3A = arith.constant 39 : i32
      %lt3A_327 = arith.cmpi slt, %add3A_173, %lt3A : i32
      %convert_element_type3A_328 = arith.extui %lt3A_327 : i1 to i32
      %cond3A_329 = arith.constant 0 : i32
      %cond3A_330 = arith.cmpi ne, %convert_element_type3A_328, %cond3A_329 : i32
      scf.if %cond3A_330 {
        %add3A_334 = arith.constant 2 : i32
        %add3A_335 = arith.addi %mul3A_175, %add3A_334 : i32
        %get3A_336 = arith.index_cast %add3A_335 : i32 to index
        %get3A_337 = arith.constant 0 : index
        %get3A_338 = tpu.vector_load %arg6[%get3A_336, %get3A_337] {strides = array<i32>} : memref<80x128xi32, #tpu.memory_space<vmem>>, vector<1x16xi32>,
        %get3A_339 = vector.shape_cast %get3A_338 : vector<1x16xi32> to vector<16xi32>
        %and3A_340 = arith.constant 65535 : i32
        %and3A_341 = vector.broadcast %and3A_340 : i32 to vector<16xi32>
        %and3A_342 = arith.andi %get3A_339, %and3A_341 : vector<16xi32>
        %swap3A_343 = arith.constant 0 : index
        %swap3A_344 = tpu.vector_load %arg7[%swap3A_343] {strides = array<i32>} : memref<128xi32, #tpu.memory_space<vmem>>, vector<16xi32>,
        %swap3A_345 = vector.shape_cast %swap3A_344 : vector<16xi32> to vector<16xi32>
        %swap3A_346 = vector.shape_cast %and3A_342 : vector<16xi32> to vector<16xi32>
        tpu.vector_store %arg7[%swap3A_343], %swap3A_346 {strides = array<i32>} : memref<128xi32, #tpu.memory_space<vmem>>, vector<16xi32>,
        %shift_right_logical3A_347 = arith.constant 16 : i32
        %shift_right_logical3A_348 = vector.broadcast %shift_right_logical3A_347 : i32 to vector<16xi32>
        %shift_right_logical3A_349 = arith.shrui %get3A_339, %shift_right_logical3A_348 : vector<16xi32>
        %swap3A_350 = arith.constant 0 : index
        %swap3A_351 = tpu.vector_load %arg9[%swap3A_350] {strides = array<i32>} : memref<128xi32, #tpu.memory_space<vmem>>, vector<16xi32>,
        %swap3A_352 = vector.shape_cast %swap3A_351 : vector<16xi32> to vector<16xi32>
        %swap3A_353 = vector.shape_cast %shift_right_logical3A_349 : vector<16xi32> to vector<16xi32>
        tpu.vector_store %arg9[%swap3A_350], %swap3A_353 {strides = array<i32>} : memref<128xi32, #tpu.memory_space<vmem>>, vector<16xi32>,
        %get3A_354 = arith.index_cast %add3A_335 : i32 to index
        %get3A_355 = arith.constant 16 : index
        %get3A_356 = tpu.vector_load %arg6[%get3A_354, %get3A_355] {strides = array<i32>} : memref<80x128xi32, #tpu.memory_space<vmem>>, vector<1x16xi32>,
        %get3A_357 = vector.shape_cast %get3A_356 : vector<1x16xi32> to vector<16xi32>
        %and3A_358 = arith.constant 65535 : i32
        %and3A_359 = vector.broadcast %and3A_358 : i32 to vector<16xi32>
        %and3A_360 = arith.andi %get3A_357, %and3A_359 : vector<16xi32>
        %swap3A_361 = arith.constant 16 : index
        %swap3A_362 = tpu.vector_load %arg7[%swap3A_361] {strides = array<i32>} : memref<128xi32, #tpu.memory_space<vmem>>, vector<16xi32>,
        %swap3A_363 = vector.shape_cast %swap3A_362 : vector<16xi32> to vector<16xi32>
        %swap3A_364 = vector.shape_cast %and3A_360 : vector<16xi32> to vector<16xi32>
        tpu.vector_store %arg7[%swap3A_361], %swap3A_364 {strides = array<i32>} : memref<128xi32, #tpu.memory_space<vmem>>, vector<16xi32>,
        %shift_right_logical3A_365 = arith.constant 16 : i32
        %shift_right_logical3A_366 = vector.broadcast %shift_right_logical3A_365 : i32 to vector<16xi32>
        %shift_right_logical3A_367 = arith.shrui %get3A_357, %shift_right_logical3A_366 : vector<16xi32>
        %swap3A_368 = arith.constant 16 : index
        %swap3A_369 = tpu.vector_load %arg9[%swap3A_368] {strides = array<i32>} : memref<128xi32, #tpu.memory_space<vmem>>, vector<16xi32>,
        %swap3A_370 = vector.shape_cast %swap3A_369 : vector<16xi32> to vector<16xi32>
        %swap3A_371 = vector.shape_cast %shift_right_logical3A_367 : vector<16xi32> to vector<16xi32>
        tpu.vector_store %arg9[%swap3A_368], %swap3A_371 {strides = array<i32>} : memref<128xi32, #tpu.memory_space<vmem>>, vector<16xi32>,
        %get3A_372 = arith.index_cast %add3A_335 : i32 to index
        %get3A_373 = arith.constant 32 : index
        %get3A_374 = tpu.vector_load %arg6[%get3A_372, %get3A_373] {strides = array<i32>} : memref<80x128xi32, #tpu.memory_space<vmem>>, vector<1x16xi32>,
        %get3A_375 = vector.shape_cast %get3A_374 : vector<1x16xi32> to vector<16xi32>
        %and3A_376 = arith.constant 65535 : i32
        %and3A_377 = vector.broadcast %and3A_376 : i32 to vector<16xi32>
        %and3A_378 = arith.andi %get3A_375, %and3A_377 : vector<16xi32>
        %swap3A_379 = arith.constant 32 : index
        %swap3A_380 = tpu.vector_load %arg7[%swap3A_379] {strides = array<i32>} : memref<128xi32, #tpu.memory_space<vmem>>, vector<16xi32>,
        %swap3A_381 = vector.shape_cast %swap3A_380 : vector<16xi32> to vector<16xi32>
        %swap3A_382 = vector.shape_cast %and3A_378 : vector<16xi32> to vector<16xi32>
        tpu.vector_store %arg7[%swap3A_379], %swap3A_382 {strides = array<i32>} : memref<128xi32, #tpu.memory_space<vmem>>, vector<16xi32>,
        %shift_right_logical3A_383 = arith.constant 16 : i32
        %shift_right_logical3A_384 = vector.broadcast %shift_right_logical3A_383 : i32 to vector<16xi32>
        %shift_right_logical3A_385 = arith.shrui %get3A_375, %shift_right_logical3A_384 : vector<16xi32>
        %swap3A_386 = arith.constant 32 : index
        %swap3A_387 = tpu.vector_load %arg9[%swap3A_386] {strides = array<i32>} : memref<128xi32, #tpu.memory_space<vmem>>, vector<16xi32>,
        %swap3A_388 = vector.shape_cast %swap3A_387 : vector<16xi32> to vector<16xi32>
        %swap3A_389 = vector.shape_cast %shift_right_logical3A_385 : vector<16xi32> to vector<16xi32>
        tpu.vector_store %arg9[%swap3A_386], %swap3A_389 {strides = array<i32>} : memref<128xi32, #tpu.memory_space<vmem>>, vector<16xi32>,
        %get3A_390 = arith.index_cast %add3A_335 : i32 to index
        %get3A_391 = arith.constant 48 : index
        %get3A_392 = tpu.vector_load %arg6[%get3A_390, %get3A_391] {strides = array<i32>} : memref<80x128xi32, #tpu.memory_space<vmem>>, vector<1x16xi32>,
        %get3A_393 = vector.shape_cast %get3A_392 : vector<1x16xi32> to vector<16xi32>
        %and3A_394 = arith.constant 65535 : i32
        %and3A_395 = vector.broadcast %and3A_394 : i32 to vector<16xi32>
        %and3A_396 = arith.andi %get3A_393, %and3A_395 : vector<16xi32>
        %swap3A_397 = arith.constant 48 : index
        %swap3A_398 = tpu.vector_load %arg7[%swap3A_397] {strides = array<i32>} : memref<128xi32, #tpu.memory_space<vmem>>, vector<16xi32>,
        %swap3A_399 = vector.shape_cast %swap3A_398 : vector<16xi32> to vector<16xi32>
        %swap3A_400 = vector.shape_cast %and3A_396 : vector<16xi32> to vector<16xi32>
        tpu.vector_store %arg7[%swap3A_397], %swap3A_400 {strides = array<i32>} : memref<128xi32, #tpu.memory_space<vmem>>, vector<16xi32>,
        %shift_right_logical3A_401 = arith.constant 16 : i32
        %shift_right_logical3A_402 = vector.broadcast %shift_right_logical3A_401 : i32 to vector<16xi32>
        %shift_right_logical3A_403 = arith.shrui %get3A_393, %shift_right_logical3A_402 : vector<16xi32>
        %swap3A_404 = arith.constant 48 : index
        %swap3A_405 = tpu.vector_load %arg9[%swap3A_404] {strides = array<i32>} : memref<128xi32, #tpu.memory_space<vmem>>, vector<16xi32>,
        %swap3A_406 = vector.shape_cast %swap3A_405 : vector<16xi32> to vector<16xi32>
        %swap3A_407 = vector.shape_cast %shift_right_logical3A_403 : vector<16xi32> to vector<16xi32>
        tpu.vector_store %arg9[%swap3A_404], %swap3A_407 {strides = array<i32>} : memref<128xi32, #tpu.memory_space<vmem>>, vector<16xi32>,
        %get3A_408 = arith.index_cast %add3A_335 : i32 to index
        %get3A_409 = arith.constant 64 : index
        %get3A_410 = tpu.vector_load %arg6[%get3A_408, %get3A_409] {strides = array<i32>} : memref<80x128xi32, #tpu.memory_space<vmem>>, vector<1x16xi32>,
        %get3A_411 = vector.shape_cast %get3A_410 : vector<1x16xi32> to vector<16xi32>
        %and3A_412 = arith.constant 65535 : i32
        %and3A_413 = vector.broadcast %and3A_412 : i32 to vector<16xi32>
        %and3A_414 = arith.andi %get3A_411, %and3A_413 : vector<16xi32>
        %swap3A_415 = arith.constant 64 : index
        %swap3A_416 = tpu.vector_load %arg7[%swap3A_415] {strides = array<i32>} : memref<128xi32, #tpu.memory_space<vmem>>, vector<16xi32>,
        %swap3A_417 = vector.shape_cast %swap3A_416 : vector<16xi32> to vector<16xi32>
        %swap3A_418 = vector.shape_cast %and3A_414 : vector<16xi32> to vector<16xi32>
        tpu.vector_store %arg7[%swap3A_415], %swap3A_418 {strides = array<i32>} : memref<128xi32, #tpu.memory_space<vmem>>, vector<16xi32>,
        %shift_right_logical3A_419 = arith.constant 16 : i32
        %shift_right_logical3A_420 = vector.broadcast %shift_right_logical3A_419 : i32 to vector<16xi32>
        %shift_right_logical3A_421 = arith.shrui %get3A_411, %shift_right_logical3A_420 : vector<16xi32>
        %swap3A_422 = arith.constant 64 : index
        %swap3A_423 = tpu.vector_load %arg9[%swap3A_422] {strides = array<i32>} : memref<128xi32, #tpu.memory_space<vmem>>, vector<16xi32>,
        %swap3A_424 = vector.shape_cast %swap3A_423 : vector<16xi32> to vector<16xi32>
        %swap3A_425 = vector.shape_cast %shift_right_logical3A_421 : vector<16xi32> to vector<16xi32>
        tpu.vector_store %arg9[%swap3A_422], %swap3A_425 {strides = array<i32>} : memref<128xi32, #tpu.memory_space<vmem>>, vector<16xi32>,
        %get3A_426 = arith.index_cast %add3A_335 : i32 to index
        %get3A_427 = arith.constant 80 : index
        %get3A_428 = tpu.vector_load %arg6[%get3A_426, %get3A_427] {strides = array<i32>} : memref<80x128xi32, #tpu.memory_space<vmem>>, vector<1x16xi32>,
        %get3A_429 = vector.shape_cast %get3A_428 : vector<1x16xi32> to vector<16xi32>
        %and3A_430 = arith.constant 65535 : i32
        %and3A_431 = vector.broadcast %and3A_430 : i32 to vector<16xi32>
        %and3A_432 = arith.andi %get3A_429, %and3A_431 : vector<16xi32>
        %swap3A_433 = arith.constant 80 : index
        %swap3A_434 = tpu.vector_load %arg7[%swap3A_433] {strides = array<i32>} : memref<128xi32, #tpu.memory_space<vmem>>, vector<16xi32>,
        %swap3A_435 = vector.shape_cast %swap3A_434 : vector<16xi32> to vector<16xi32>
        %swap3A_436 = vector.shape_cast %and3A_432 : vector<16xi32> to vector<16xi32>
        tpu.vector_store %arg7[%swap3A_433], %swap3A_436 {strides = array<i32>} : memref<128xi32, #tpu.memory_space<vmem>>, vector<16xi32>,
        %shift_right_logical3A_437 = arith.constant 16 : i32
        %shift_right_logical3A_438 = vector.broadcast %shift_right_logical3A_437 : i32 to vector<16xi32>
        %shift_right_logical3A_439 = arith.shrui %get3A_429, %shift_right_logical3A_438 : vector<16xi32>
        %swap3A_440 = arith.constant 80 : index
        %swap3A_441 = tpu.vector_load %arg9[%swap3A_440] {strides = array<i32>} : memref<128xi32, #tpu.memory_space<vmem>>, vector<16xi32>,
        %swap3A_442 = vector.shape_cast %swap3A_441 : vector<16xi32> to vector<16xi32>
        %swap3A_443 = vector.shape_cast %shift_right_logical3A_439 : vector<16xi32> to vector<16xi32>
        tpu.vector_store %arg9[%swap3A_440], %swap3A_443 {strides = array<i32>} : memref<128xi32, #tpu.memory_space<vmem>>, vector<16xi32>,
        %get3A_444 = arith.index_cast %add3A_335 : i32 to index
        %get3A_445 = arith.constant 96 : index
        %get3A_446 = tpu.vector_load %arg6[%get3A_444, %get3A_445] {strides = array<i32>} : memref<80x128xi32, #tpu.memory_space<vmem>>, vector<1x16xi32>,
        %get3A_447 = vector.shape_cast %get3A_446 : vector<1x16xi32> to vector<16xi32>
        %and3A_448 = arith.constant 65535 : i32
        %and3A_449 = vector.broadcast %and3A_448 : i32 to vector<16xi32>
        %and3A_450 = arith.andi %get3A_447, %and3A_449 : vector<16xi32>
        %swap3A_451 = arith.constant 96 : index
        %swap3A_452 = tpu.vector_load %arg7[%swap3A_451] {strides = array<i32>} : memref<128xi32, #tpu.memory_space<vmem>>, vector<16xi32>,
        %swap3A_453 = vector.shape_cast %swap3A_452 : vector<16xi32> to vector<16xi32>
        %swap3A_454 = vector.shape_cast %and3A_450 : vector<16xi32> to vector<16xi32>
        tpu.vector_store %arg7[%swap3A_451], %swap3A_454 {strides = array<i32>} : memref<128xi32, #tpu.memory_space<vmem>>, vector<16xi32>,
        %shift_right_logical3A_455 = arith.constant 16 : i32
        %shift_right_logical3A_456 = vector.broadcast %shift_right_logical3A_455 : i32 to vector<16xi32>
        %shift_right_logical3A_457 = arith.shrui %get3A_447, %shift_right_logical3A_456 : vector<16xi32>
        %swap3A_458 = arith.constant 96 : index
        %swap3A_459 = tpu.vector_load %arg9[%swap3A_458] {strides = array<i32>} : memref<128xi32, #tpu.memory_space<vmem>>, vector<16xi32>,
        %swap3A_460 = vector.shape_cast %swap3A_459 : vector<16xi32> to vector<16xi32>
        %swap3A_461 = vector.shape_cast %shift_right_logical3A_457 : vector<16xi32> to vector<16xi32>
        tpu.vector_store %arg9[%swap3A_458], %swap3A_461 {strides = array<i32>} : memref<128xi32, #tpu.memory_space<vmem>>, vector<16xi32>,
        %get3A_462 = arith.index_cast %add3A_335 : i32 to index
        %get3A_463 = arith.constant 112 : index
        %get3A_464 = tpu.vector_load %arg6[%get3A_462, %get3A_463] {strides = array<i32>} : memref<80x128xi32, #tpu.memory_space<vmem>>, vector<1x16xi32>,
        %get3A_465 = vector.shape_cast %get3A_464 : vector<1x16xi32> to vector<16xi32>
        %and3A_466 = arith.constant 65535 : i32
        %and3A_467 = vector.broadcast %and3A_466 : i32 to vector<16xi32>
        %and3A_468 = arith.andi %get3A_465, %and3A_467 : vector<16xi32>
        %swap3A_469 = arith.constant 112 : index
        %swap3A_470 = tpu.vector_load %arg7[%swap3A_469] {strides = array<i32>} : memref<128xi32, #tpu.memory_space<vmem>>, vector<16xi32>,
        %swap3A_471 = vector.shape_cast %swap3A_470 : vector<16xi32> to vector<16xi32>
        %swap3A_472 = vector.shape_cast %and3A_468 : vector<16xi32> to vector<16xi32>
        tpu.vector_store %arg7[%swap3A_469], %swap3A_472 {strides = array<i32>} : memref<128xi32, #tpu.memory_space<vmem>>, vector<16xi32>,
        %shift_right_logical3A_473 = arith.constant 16 : i32
        %shift_right_logical3A_474 = vector.broadcast %shift_right_logical3A_473 : i32 to vector<16xi32>
        %shift_right_logical3A_475 = arith.shrui %get3A_465, %shift_right_logical3A_474 : vector<16xi32>
        %swap3A_476 = arith.constant 112 : index
        %swap3A_477 = tpu.vector_load %arg9[%swap3A_476] {strides = array<i32>} : memref<128xi32, #tpu.memory_space<vmem>>, vector<16xi32>,
        %swap3A_478 = vector.shape_cast %swap3A_477 : vector<16xi32> to vector<16xi32>
        %swap3A_479 = vector.shape_cast %shift_right_logical3A_475 : vector<16xi32> to vector<16xi32>
        tpu.vector_store %arg9[%swap3A_476], %swap3A_479 {strides = array<i32>} : memref<128xi32, #tpu.memory_space<vmem>>, vector<16xi32>,
        %dma_start3A_480 = arith.constant 0 : i32
        %dma_start3A_481 = arith.constant 0 : i32
        %dma_start3A_482 = tpu.memref_slice %arg2[%dma_start3A_480, %dma_start3A_481] : memref<10000x128xf32, #tpu.memory_space<hbm>> -> memref<10000x128xf32, #tpu.memory_space<hbm>>
        tpu.enqueue_indirect_dma source(%dma_start3A_482 : memref<10000x128xf32, #tpu.memory_space<hbm>>) target(%arg11 : memref<128x128xf32, #tpu.memory_space<vmem>>) offsets(%arg7 : memref<128xi32, #tpu.memory_space<vmem>>) semaphore(%arg14 : memref<!tpu.dma_semaphore, #tpu.memory_space<semaphore_mem>>)
      } else {
      }
      %dma_wait3A_331 = arith.constant 0 : i32
      %dma_wait3A_332 = arith.constant 0 : i32
      %dma_wait3A_333 = tpu.memref_slice %arg2[%dma_wait3A_331, %dma_wait3A_332] : memref<10000x128xf32, #tpu.memory_space<hbm>> -> memref<10000x128xf32, #tpu.memory_space<hbm>>
      tpu.wait_indirect_dma semaphore(%arg15 : memref<!tpu.dma_semaphore, #tpu.memory_space<semaphore_mem>>) src(%dma_wait3A_333 : memref<10000x128xf32, #tpu.memory_space<hbm>>) dst(%arg12 : memref<128x128xf32, #tpu.memory_space<vmem>>)
      "tpu.region"() ({
        %run_scoped3A = tpu.sem_alloc : memref<!tpu.dma_semaphore, #tpu.memory_space<semaphore_mem>>
        %dma_start3A_334 = arith.constant 0 : i32
        %dma_start3A_335 = arith.constant 0 : i32
        %dma_start3A_336 = tpu.memref_slice %arg13[%dma_start3A_334, %dma_start3A_335] : memref<10112x128xf32, #tpu.memory_space<vmem_shared>> -> memref<10112x128xf32, #tpu.memory_space<vmem_shared>>
        tpu.enqueue_indirect_dma source(%arg12 : memref<128x128xf32, #tpu.memory_space<vmem>>) target(%dma_start3A_336 : memref<10112x128xf32, #tpu.memory_space<vmem_shared>>) offsets(%arg10 : memref<128xi32, #tpu.memory_space<vmem>>) semaphore(%run_scoped3A : memref<!tpu.dma_semaphore, #tpu.memory_space<semaphore_mem>>) {add = true}
        %dma_wait3A_337 = arith.constant 0 : i32
        %dma_wait3A_338 = arith.constant 0 : i32
        %dma_wait3A_339 = tpu.memref_slice %arg13[%dma_wait3A_337, %dma_wait3A_338] : memref<10112x128xf32, #tpu.memory_space<vmem_shared>> -> memref<10112x128xf32, #tpu.memory_space<vmem_shared>>
        tpu.wait_indirect_dma semaphore(%run_scoped3A : memref<!tpu.dma_semaphore, #tpu.memory_space<semaphore_mem>>) src(%arg12 : memref<128x128xf32, #tpu.memory_space<vmem>>) dst(%dma_wait3A_339 : memref<10112x128xf32, #tpu.memory_space<vmem_shared>>)
        tpu.yield
      }) : () -> ()
    }
    %scan3A_158 = arith.constant 40 : i32
    %barrier3A_159 = arith.constant 0 : index
    tpu.barrier barrier_id(%barrier3A_159)
    %mul3A_160 = arith.constant 624 : i32
    %mul3A_161 = arith.muli %arg1, %mul3A_160 : i32
    %mul3A_162 = arith.constant 10000 : i32
    %mul3A_163 = arith.muli %arg0, %mul3A_162 : i32
    %mul3A_164 = arith.constant 624 : i32
    %mul3A_165 = arith.muli %arg1, %mul3A_164 : i32
    %add3A_166 = arith.addi %mul3A_163, %mul3A_165 : i32
    "tpu.region"() ({
      %run_scoped3A = tpu.sem_alloc : memref<!tpu.dma_semaphore, #tpu.memory_space<semaphore_mem>>
      %dma_start3A_169 = arith.constant 0 : i32
      %dma_start3A_170 = tpu.memref_slice %arg5[%add3A_166, %dma_start3A_169] : memref<20000x128xf32, #tpu.memory_space<hbm>> -> memref<624x128xf32, #tpu.memory_space<hbm>>
      %dma_start3A_171 = arith.constant 0 : i32
      %dma_start3A_172 = tpu.memref_slice %arg13[%mul3A_161, %dma_start3A_171] : memref<10112x128xf32, #tpu.memory_space<vmem_shared>> -> memref<624x128xf32, #tpu.memory_space<vmem_shared>>
      tpu.enqueue_dma source(%dma_start3A_172 : memref<624x128xf32, #tpu.memory_space<vmem_shared>>) target(%dma_start3A_170 : memref<624x128xf32, #tpu.memory_space<hbm>>) target_semaphore(%run_scoped3A : memref<!tpu.dma_semaphore, #tpu.memory_space<semaphore_mem>>)
      %dma_wait3A = arith.constant 0 : i32
      %dma_wait3A_173 = tpu.memref_slice %arg5[%add3A_166, %dma_wait3A] : memref<20000x128xf32, #tpu.memory_space<hbm>> -> memref<624x128xf32, #tpu.memory_space<hbm>>
      %dma_wait3A_174 = arith.constant 0 : i32
      %dma_wait3A_175 = tpu.memref_slice %arg13[%mul3A_161, %dma_wait3A_174] : memref<10112x128xf32, #tpu.memory_space<vmem_shared>> -> memref<624x128xf32, #tpu.memory_space<vmem_shared>>
      tpu.wait_dma2 semaphore(%run_scoped3A : memref<!tpu.dma_semaphore, #tpu.memory_space<semaphore_mem>>) src(%dma_wait3A_175 : memref<624x128xf32, #tpu.memory_space<vmem_shared>>) dst(%dma_wait3A_173 : memref<624x128xf32, #tpu.memory_space<hbm>>)
      tpu.yield
    }) : () -> ()
    %eq3A = arith.constant 15 : i32
    %eq3A_167 = arith.cmpi eq, %arg1, %eq3A : i32
    %convert_element_type3A = arith.extui %eq3A_167 : i1 to i32
    %cond3A = arith.constant 0 : i32
    %cond3A_168 = arith.cmpi ne, %convert_element_type3A, %cond3A : i32
    scf.if %cond3A_168 {
      %mul3A_169 = arith.constant 10000 : i32
      %mul3A_170 = arith.muli %arg0, %mul3A_169 : i32
      %add3A_171 = arith.constant 9984 : i32
      %add3A_172 = arith.addi %mul3A_170, %add3A_171 : i32
      "tpu.region"() ({
        %run_scoped3A = tpu.sem_alloc : memref<!tpu.dma_semaphore, #tpu.memory_space<semaphore_mem>>
        %dma_start3A_173 = arith.constant 0 : i32
        %dma_start3A_174 = tpu.memref_slice %arg5[%add3A_172, %dma_start3A_173] : memref<20000x128xf32, #tpu.memory_space<hbm>> -> memref<16x128xf32, #tpu.memory_space<hbm>>
        %dma_start3A_175 = arith.constant 9984 : i32
        %dma_start3A_176 = arith.constant 0 : i32
        %dma_start3A_177 = tpu.memref_slice %arg13[%dma_start3A_175, %dma_start3A_176] : memref<10112x128xf32, #tpu.memory_space<vmem_shared>> -> memref<16x128xf32, #tpu.memory_space<vmem_shared>>
        tpu.enqueue_dma source(%dma_start3A_177 : memref<16x128xf32, #tpu.memory_space<vmem_shared>>) target(%dma_start3A_174 : memref<16x128xf32, #tpu.memory_space<hbm>>) target_semaphore(%run_scoped3A : memref<!tpu.dma_semaphore, #tpu.memory_space<semaphore_mem>>)
        %dma_wait3A = arith.constant 0 : i32
        %dma_wait3A_178 = tpu.memref_slice %arg5[%add3A_172, %dma_wait3A] : memref<20000x128xf32, #tpu.memory_space<hbm>> -> memref<16x128xf32, #tpu.memory_space<hbm>>
        %dma_wait3A_179 = arith.constant 9984 : i32
        %dma_wait3A_180 = arith.constant 0 : i32
        %dma_wait3A_181 = tpu.memref_slice %arg13[%dma_wait3A_179, %dma_wait3A_180] : memref<10112x128xf32, #tpu.memory_space<vmem_shared>> -> memref<16x128xf32, #tpu.memory_space<vmem_shared>>
        tpu.wait_dma2 semaphore(%run_scoped3A : memref<!tpu.dma_semaphore, #tpu.memory_space<semaphore_mem>>) src(%dma_wait3A_181 : memref<16x128xf32, #tpu.memory_space<vmem_shared>>) dst(%dma_wait3A_178 : memref<16x128xf32, #tpu.memory_space<hbm>>)
        tpu.yield
      }) : () -> ()
    } else {
    }
    return
  }
}

#map = affine_map<(d0, d1) -> (0, 0)>
#map1 = affine_map<(d0, d1) -> (0, 0, 0)>
module attributes {stable_mosaic.version = 14 : i64} {
  func.func @k(%arg0: i32, %arg1: i32, %arg2: memref<10000x128xf32, #tpu.memory_space<hbm>>, %arg3: memref<32x80x128xi32, #tpu.memory_space<hbm>>, %arg4: memref<10112x128xf32, #tpu.memory_space<hbm>>, %arg5: memref<20000x128xf32, #tpu.memory_space<hbm>>, %arg6: memref<80x128xi32, #tpu.memory_space<vmem>>, %arg7: memref<128xi32, #tpu.memory_space<vmem>>, %arg8: memref<128xi32, #tpu.memory_space<vmem>>, %arg9: memref<128xi32, #tpu.memory_space<vmem>>, %arg10: memref<128xi32, #tpu.memory_space<vmem>>, %arg11: memref<128x128xf32, #tpu.memory_space<vmem>>, %arg12: memref<128x128xf32, #tpu.memory_space<vmem>>, %arg13: memref<10112x128xf32, #tpu.memory_space<vmem_shared>>, %arg14: memref<!tpu.dma_semaphore, #tpu.memory_space<semaphore_mem>>, %arg15: memref<!tpu.dma_semaphore, #tpu.memory_space<semaphore_mem>>) attributes {dimension_semantics = [#tpu.dimension_semantics<core_parallel>, #tpu.dimension_semantics<subcore_parallel>], iteration_bounds = array<i64: 2, 16>, scalar_prefetch = 0 : i64, scratch_operands = 10 : i64, tpu.core_type = #tpu.core_type<sc_vector_subcore>, window_params = [{transform_indices = #map}, {transform_indices = #map1}, {transform_indices = #map}, {transform_indices = #map}]} {
    %mul3A = arith.constant 2 : i32
    %mul3A_0 = arith.muli %arg1, %mul3A : i32
    %add3A = arith.addi %mul3A_0, %arg0 : i32
    "tpu.region"() ({
      %run_scoped3A = tpu.sem_alloc : memref<!tpu.dma_semaphore, #tpu.memory_space<semaphore_mem>>
      %dma_start3A_169 = arith.constant 0 : i32
      %dma_start3A_170 = arith.constant 0 : i32
      %dma_start3A_171 = tpu.memref_slice %arg3[%add3A, %dma_start3A_169, %dma_start3A_170] : memref<32x80x128xi32, #tpu.memory_space<hbm>> -> memref<1x80x128xi32, #tpu.memory_space<hbm>>
      %dma_start3A_172 = tpu.memref_squeeze %dma_start3A_171 : memref<1x80x128xi32, #tpu.memory_space<hbm>> -> memref<80x128xi32, #tpu.memory_space<hbm>>
      %dma_start3A_173 = arith.constant 0 : i32
      %dma_start3A_174 = arith.constant 0 : i32
      %dma_start3A_175 = tpu.memref_slice %arg3[%add3A, %dma_start3A_173, %dma_start3A_174] : memref<32x80x128xi32, #tpu.memory_space<hbm>> -> memref<1x80x128xi32, #tpu.memory_space<hbm>>
      %dma_start3A_176 = tpu.memref_squeeze %dma_start3A_175 : memref<1x80x128xi32, #tpu.memory_space<hbm>> -> memref<80x128xi32, #tpu.memory_space<hbm>>
      tpu.enqueue_dma source(%dma_start3A_176 : memref<80x128xi32, #tpu.memory_space<hbm>>) target(%arg6 : memref<80x128xi32, #tpu.memory_space<vmem>>) target_semaphore(%run_scoped3A : memref<!tpu.dma_semaphore, #tpu.memory_space<semaphore_mem>>)
      %dma_wait3A = arith.constant 0 : i32
      %dma_wait3A_177 = arith.constant 0 : i32
      %dma_wait3A_178 = tpu.memref_slice %arg3[%add3A, %dma_wait3A, %dma_wait3A_177] : memref<32x80x128xi32, #tpu.memory_space<hbm>> -> memref<1x80x128xi32, #tpu.memory_space<hbm>>
      %dma_wait3A_179 = tpu.memref_squeeze %dma_wait3A_178 : memref<1x80x128xi32, #tpu.memory_space<hbm>> -> memref<80x128xi32, #tpu.memory_space<hbm>>
      %dma_wait3A_180 = arith.constant 0 : i32
      %dma_wait3A_181 = arith.constant 0 : i32
      %dma_wait3A_182 = tpu.memref_slice %arg3[%add3A, %dma_wait3A_180, %dma_wait3A_181] : memref<32x80x128xi32, #tpu.memory_space<hbm>> -> memref<1x80x128xi32, #tpu.memory_space<hbm>>
      %dma_wait3A_183 = tpu.memref_squeeze %dma_wait3A_182 : memref<1x80x128xi32, #tpu.memory_space<hbm>> -> memref<80x128xi32, #tpu.memory_space<hbm>>
      tpu.wait_dma2 semaphore(%run_scoped3A : memref<!tpu.dma_semaphore, #tpu.memory_space<semaphore_mem>>) src(%dma_wait3A_183 : memref<80x128xi32, #tpu.memory_space<hbm>>) dst(%arg6 : memref<80x128xi32, #tpu.memory_space<vmem>>)
      tpu.yield
    }) : () -> ()
    %get3A = arith.constant 0 : i32
    %get3A_1 = arith.index_cast %get3A : i32 to index
    %get3A_2 = arith.constant 0 : index
    %get3A_3 = tpu.vector_load %arg6[%get3A_1, %get3A_2] {strides = array<i32>} : memref<80x128xi32, #tpu.memory_space<vmem>>, vector<1x16xi32>,
    %get3A_4 = vector.shape_cast %get3A_3 : vector<1x16xi32> to vector<16xi32>
    %and3A = arith.constant 65535 : i32
    %and3A_5 = vector.broadcast %and3A : i32 to vector<16xi32>
    %and3A_6 = arith.andi %get3A_4, %and3A_5 : vector<16xi32>
    %swap3A = arith.constant 0 : index
    %swap3A_7 = tpu.vector_load %arg7[%swap3A] {strides = array<i32>} : memref<128xi32, #tpu.memory_space<vmem>>, vector<16xi32>,
    %swap3A_8 = vector.shape_cast %swap3A_7 : vector<16xi32> to vector<16xi32>
    %swap3A_9 = vector.shape_cast %and3A_6 : vector<16xi32> to vector<16xi32>
    tpu.vector_store %arg7[%swap3A], %swap3A_9 {strides = array<i32>} : memref<128xi32, #tpu.memory_space<vmem>>, vector<16xi32>,
    %shift_right_logical3A = arith.constant 16 : i32
    %shift_right_logical3A_10 = vector.broadcast %shift_right_logical3A : i32 to vector<16xi32>
    %shift_right_logical3A_11 = arith.shrui %get3A_4, %shift_right_logical3A_10 : vector<16xi32>
    %swap3A_12 = arith.constant 0 : index
    %swap3A_13 = tpu.vector_load %arg9[%swap3A_12] {strides = array<i32>} : memref<128xi32, #tpu.memory_space<vmem>>, vector<16xi32>,
    %swap3A_14 = vector.shape_cast %swap3A_13 : vector<16xi32> to vector<16xi32>
    %swap3A_15 = vector.shape_cast %shift_right_logical3A_11 : vector<16xi32> to vector<16xi32>
    tpu.vector_store %arg9[%swap3A_12], %swap3A_15 {strides = array<i32>} : memref<128xi32, #tpu.memory_space<vmem>>, vector<16xi32>,
    %get3A_16 = arith.constant 0 : i32
    %get3A_17 = arith.index_cast %get3A_16 : i32 to index
    %get3A_18 = arith.constant 16 : index
    %get3A_19 = tpu.vector_load %arg6[%get3A_17, %get3A_18] {strides = array<i32>} : memref<80x128xi32, #tpu.memory_space<vmem>>, vector<1x16xi32>,
    %get3A_20 = vector.shape_cast %get3A_19 : vector<1x16xi32> to vector<16xi32>
    %and3A_21 = arith.constant 65535 : i32
    %and3A_22 = vector.broadcast %and3A_21 : i32 to vector<16xi32>
    %and3A_23 = arith.andi %get3A_20, %and3A_22 : vector<16xi32>
    %swap3A_24 = arith.constant 16 : index
    %swap3A_25 = tpu.vector_load %arg7[%swap3A_24] {strides = array<i32>} : memref<128xi32, #tpu.memory_space<vmem>>, vector<16xi32>,
    %swap3A_26 = vector.shape_cast %swap3A_25 : vector<16xi32> to vector<16xi32>
    %swap3A_27 = vector.shape_cast %and3A_23 : vector<16xi32> to vector<16xi32>
    tpu.vector_store %arg7[%swap3A_24], %swap3A_27 {strides = array<i32>} : memref<128xi32, #tpu.memory_space<vmem>>, vector<16xi32>,
    %shift_right_logical3A_28 = arith.constant 16 : i32
    %shift_right_logical3A_29 = vector.broadcast %shift_right_logical3A_28 : i32 to vector<16xi32>
    %shift_right_logical3A_30 = arith.shrui %get3A_20, %shift_right_logical3A_29 : vector<16xi32>
    %swap3A_31 = arith.constant 16 : index
    %swap3A_32 = tpu.vector_load %arg9[%swap3A_31] {strides = array<i32>} : memref<128xi32, #tpu.memory_space<vmem>>, vector<16xi32>,
    %swap3A_33 = vector.shape_cast %swap3A_32 : vector<16xi32> to vector<16xi32>
    %swap3A_34 = vector.shape_cast %shift_right_logical3A_30 : vector<16xi32> to vector<16xi32>
    tpu.vector_store %arg9[%swap3A_31], %swap3A_34 {strides = array<i32>} : memref<128xi32, #tpu.memory_space<vmem>>, vector<16xi32>,
    %get3A_35 = arith.constant 0 : i32
    %get3A_36 = arith.index_cast %get3A_35 : i32 to index
    %get3A_37 = arith.constant 32 : index
    %get3A_38 = tpu.vector_load %arg6[%get3A_36, %get3A_37] {strides = array<i32>} : memref<80x128xi32, #tpu.memory_space<vmem>>, vector<1x16xi32>,
    %get3A_39 = vector.shape_cast %get3A_38 : vector<1x16xi32> to vector<16xi32>
    %and3A_40 = arith.constant 65535 : i32
    %and3A_41 = vector.broadcast %and3A_40 : i32 to vector<16xi32>
    %and3A_42 = arith.andi %get3A_39, %and3A_41 : vector<16xi32>
    %swap3A_43 = arith.constant 32 : index
    %swap3A_44 = tpu.vector_load %arg7[%swap3A_43] {strides = array<i32>} : memref<128xi32, #tpu.memory_space<vmem>>, vector<16xi32>,
    %swap3A_45 = vector.shape_cast %swap3A_44 : vector<16xi32> to vector<16xi32>
    %swap3A_46 = vector.shape_cast %and3A_42 : vector<16xi32> to vector<16xi32>
    tpu.vector_store %arg7[%swap3A_43], %swap3A_46 {strides = array<i32>} : memref<128xi32, #tpu.memory_space<vmem>>, vector<16xi32>,
    %shift_right_logical3A_47 = arith.constant 16 : i32
    %shift_right_logical3A_48 = vector.broadcast %shift_right_logical3A_47 : i32 to vector<16xi32>
    %shift_right_logical3A_49 = arith.shrui %get3A_39, %shift_right_logical3A_48 : vector<16xi32>
    %swap3A_50 = arith.constant 32 : index
    %swap3A_51 = tpu.vector_load %arg9[%swap3A_50] {strides = array<i32>} : memref<128xi32, #tpu.memory_space<vmem>>, vector<16xi32>,
    %swap3A_52 = vector.shape_cast %swap3A_51 : vector<16xi32> to vector<16xi32>
    %swap3A_53 = vector.shape_cast %shift_right_logical3A_49 : vector<16xi32> to vector<16xi32>
    tpu.vector_store %arg9[%swap3A_50], %swap3A_53 {strides = array<i32>} : memref<128xi32, #tpu.memory_space<vmem>>, vector<16xi32>,
    %get3A_54 = arith.constant 0 : i32
    %get3A_55 = arith.index_cast %get3A_54 : i32 to index
    %get3A_56 = arith.constant 48 : index
    %get3A_57 = tpu.vector_load %arg6[%get3A_55, %get3A_56] {strides = array<i32>} : memref<80x128xi32, #tpu.memory_space<vmem>>, vector<1x16xi32>,
    %get3A_58 = vector.shape_cast %get3A_57 : vector<1x16xi32> to vector<16xi32>
    %and3A_59 = arith.constant 65535 : i32
    %and3A_60 = vector.broadcast %and3A_59 : i32 to vector<16xi32>
    %and3A_61 = arith.andi %get3A_58, %and3A_60 : vector<16xi32>
    %swap3A_62 = arith.constant 48 : index
    %swap3A_63 = tpu.vector_load %arg7[%swap3A_62] {strides = array<i32>} : memref<128xi32, #tpu.memory_space<vmem>>, vector<16xi32>,
    %swap3A_64 = vector.shape_cast %swap3A_63 : vector<16xi32> to vector<16xi32>
    %swap3A_65 = vector.shape_cast %and3A_61 : vector<16xi32> to vector<16xi32>
    tpu.vector_store %arg7[%swap3A_62], %swap3A_65 {strides = array<i32>} : memref<128xi32, #tpu.memory_space<vmem>>, vector<16xi32>,
    %shift_right_logical3A_66 = arith.constant 16 : i32
    %shift_right_logical3A_67 = vector.broadcast %shift_right_logical3A_66 : i32 to vector<16xi32>
    %shift_right_logical3A_68 = arith.shrui %get3A_58, %shift_right_logical3A_67 : vector<16xi32>
    %swap3A_69 = arith.constant 48 : index
    %swap3A_70 = tpu.vector_load %arg9[%swap3A_69] {strides = array<i32>} : memref<128xi32, #tpu.memory_space<vmem>>, vector<16xi32>,
    %swap3A_71 = vector.shape_cast %swap3A_70 : vector<16xi32> to vector<16xi32>
    %swap3A_72 = vector.shape_cast %shift_right_logical3A_68 : vector<16xi32> to vector<16xi32>
    tpu.vector_store %arg9[%swap3A_69], %swap3A_72 {strides = array<i32>} : memref<128xi32, #tpu.memory_space<vmem>>, vector<16xi32>,
    %get3A_73 = arith.constant 0 : i32
    %get3A_74 = arith.index_cast %get3A_73 : i32 to index
    %get3A_75 = arith.constant 64 : index
    %get3A_76 = tpu.vector_load %arg6[%get3A_74, %get3A_75] {strides = array<i32>} : memref<80x128xi32, #tpu.memory_space<vmem>>, vector<1x16xi32>,
    %get3A_77 = vector.shape_cast %get3A_76 : vector<1x16xi32> to vector<16xi32>
    %and3A_78 = arith.constant 65535 : i32
    %and3A_79 = vector.broadcast %and3A_78 : i32 to vector<16xi32>
    %and3A_80 = arith.andi %get3A_77, %and3A_79 : vector<16xi32>
    %swap3A_81 = arith.constant 64 : index
    %swap3A_82 = tpu.vector_load %arg7[%swap3A_81] {strides = array<i32>} : memref<128xi32, #tpu.memory_space<vmem>>, vector<16xi32>,
    %swap3A_83 = vector.shape_cast %swap3A_82 : vector<16xi32> to vector<16xi32>
    %swap3A_84 = vector.shape_cast %and3A_80 : vector<16xi32> to vector<16xi32>
    tpu.vector_store %arg7[%swap3A_81], %swap3A_84 {strides = array<i32>} : memref<128xi32, #tpu.memory_space<vmem>>, vector<16xi32>,
    %shift_right_logical3A_85 = arith.constant 16 : i32
    %shift_right_logical3A_86 = vector.broadcast %shift_right_logical3A_85 : i32 to vector<16xi32>
    %shift_right_logical3A_87 = arith.shrui %get3A_77, %shift_right_logical3A_86 : vector<16xi32>
    %swap3A_88 = arith.constant 64 : index
    %swap3A_89 = tpu.vector_load %arg9[%swap3A_88] {strides = array<i32>} : memref<128xi32, #tpu.memory_space<vmem>>, vector<16xi32>,
    %swap3A_90 = vector.shape_cast %swap3A_89 : vector<16xi32> to vector<16xi32>
    %swap3A_91 = vector.shape_cast %shift_right_logical3A_87 : vector<16xi32> to vector<16xi32>
    tpu.vector_store %arg9[%swap3A_88], %swap3A_91 {strides = array<i32>} : memref<128xi32, #tpu.memory_space<vmem>>, vector<16xi32>,
    %get3A_92 = arith.constant 0 : i32
    %get3A_93 = arith.index_cast %get3A_92 : i32 to index
    %get3A_94 = arith.constant 80 : index
    %get3A_95 = tpu.vector_load %arg6[%get3A_93, %get3A_94] {strides = array<i32>} : memref<80x128xi32, #tpu.memory_space<vmem>>, vector<1x16xi32>,
    %get3A_96 = vector.shape_cast %get3A_95 : vector<1x16xi32> to vector<16xi32>
    %and3A_97 = arith.constant 65535 : i32
    %and3A_98 = vector.broadcast %and3A_97 : i32 to vector<16xi32>
    %and3A_99 = arith.andi %get3A_96, %and3A_98 : vector<16xi32>
    %swap3A_100 = arith.constant 80 : index
    %swap3A_101 = tpu.vector_load %arg7[%swap3A_100] {strides = array<i32>} : memref<128xi32, #tpu.memory_space<vmem>>, vector<16xi32>,
    %swap3A_102 = vector.shape_cast %swap3A_101 : vector<16xi32> to vector<16xi32>
    %swap3A_103 = vector.shape_cast %and3A_99 : vector<16xi32> to vector<16xi32>
    tpu.vector_store %arg7[%swap3A_100], %swap3A_103 {strides = array<i32>} : memref<128xi32, #tpu.memory_space<vmem>>, vector<16xi32>,
    %shift_right_logical3A_104 = arith.constant 16 : i32
    %shift_right_logical3A_105 = vector.broadcast %shift_right_logical3A_104 : i32 to vector<16xi32>
    %shift_right_logical3A_106 = arith.shrui %get3A_96, %shift_right_logical3A_105 : vector<16xi32>
    %swap3A_107 = arith.constant 80 : index
    %swap3A_108 = tpu.vector_load %arg9[%swap3A_107] {strides = array<i32>} : memref<128xi32, #tpu.memory_space<vmem>>, vector<16xi32>,
    %swap3A_109 = vector.shape_cast %swap3A_108 : vector<16xi32> to vector<16xi32>
    %swap3A_110 = vector.shape_cast %shift_right_logical3A_106 : vector<16xi32> to vector<16xi32>
    tpu.vector_store %arg9[%swap3A_107], %swap3A_110 {strides = array<i32>} : memref<128xi32, #tpu.memory_space<vmem>>, vector<16xi32>,
    %get3A_111 = arith.constant 0 : i32
    %get3A_112 = arith.index_cast %get3A_111 : i32 to index
    %get3A_113 = arith.constant 96 : index
    %get3A_114 = tpu.vector_load %arg6[%get3A_112, %get3A_113] {strides = array<i32>} : memref<80x128xi32, #tpu.memory_space<vmem>>, vector<1x16xi32>,
    %get3A_115 = vector.shape_cast %get3A_114 : vector<1x16xi32> to vector<16xi32>
    %and3A_116 = arith.constant 65535 : i32
    %and3A_117 = vector.broadcast %and3A_116 : i32 to vector<16xi32>
    %and3A_118 = arith.andi %get3A_115, %and3A_117 : vector<16xi32>
    %swap3A_119 = arith.constant 96 : index
    %swap3A_120 = tpu.vector_load %arg7[%swap3A_119] {strides = array<i32>} : memref<128xi32, #tpu.memory_space<vmem>>, vector<16xi32>,
    %swap3A_121 = vector.shape_cast %swap3A_120 : vector<16xi32> to vector<16xi32>
    %swap3A_122 = vector.shape_cast %and3A_118 : vector<16xi32> to vector<16xi32>
    tpu.vector_store %arg7[%swap3A_119], %swap3A_122 {strides = array<i32>} : memref<128xi32, #tpu.memory_space<vmem>>, vector<16xi32>,
    %shift_right_logical3A_123 = arith.constant 16 : i32
    %shift_right_logical3A_124 = vector.broadcast %shift_right_logical3A_123 : i32 to vector<16xi32>
    %shift_right_logical3A_125 = arith.shrui %get3A_115, %shift_right_logical3A_124 : vector<16xi32>
    %swap3A_126 = arith.constant 96 : index
    %swap3A_127 = tpu.vector_load %arg9[%swap3A_126] {strides = array<i32>} : memref<128xi32, #tpu.memory_space<vmem>>, vector<16xi32>,
    %swap3A_128 = vector.shape_cast %swap3A_127 : vector<16xi32> to vector<16xi32>
    %swap3A_129 = vector.shape_cast %shift_right_logical3A_125 : vector<16xi32> to vector<16xi32>
    tpu.vector_store %arg9[%swap3A_126], %swap3A_129 {strides = array<i32>} : memref<128xi32, #tpu.memory_space<vmem>>, vector<16xi32>,
    %get3A_130 = arith.constant 0 : i32
    %get3A_131 = arith.index_cast %get3A_130 : i32 to index
    %get3A_132 = arith.constant 112 : index
    %get3A_133 = tpu.vector_load %arg6[%get3A_131, %get3A_132] {strides = array<i32>} : memref<80x128xi32, #tpu.memory_space<vmem>>, vector<1x16xi32>,
    %get3A_134 = vector.shape_cast %get3A_133 : vector<1x16xi32> to vector<16xi32>
    %and3A_135 = arith.constant 65535 : i32
    %and3A_136 = vector.broadcast %and3A_135 : i32 to vector<16xi32>
    %and3A_137 = arith.andi %get3A_134, %and3A_136 : vector<16xi32>
    %swap3A_138 = arith.constant 112 : index
    %swap3A_139 = tpu.vector_load %arg7[%swap3A_138] {strides = array<i32>} : memref<128xi32, #tpu.memory_space<vmem>>, vector<16xi32>,
    %swap3A_140 = vector.shape_cast %swap3A_139 : vector<16xi32> to vector<16xi32>
    %swap3A_141 = vector.shape_cast %and3A_137 : vector<16xi32> to vector<16xi32>
    tpu.vector_store %arg7[%swap3A_138], %swap3A_141 {strides = array<i32>} : memref<128xi32, #tpu.memory_space<vmem>>, vector<16xi32>,
    %shift_right_logical3A_142 = arith.constant 16 : i32
    %shift_right_logical3A_143 = vector.broadcast %shift_right_logical3A_142 : i32 to vector<16xi32>
    %shift_right_logical3A_144 = arith.shrui %get3A_134, %shift_right_logical3A_143 : vector<16xi32>
    %swap3A_145 = arith.constant 112 : index
    %swap3A_146 = tpu.vector_load %arg9[%swap3A_145] {strides = array<i32>} : memref<128xi32, #tpu.memory_space<vmem>>, vector<16xi32>,
    %swap3A_147 = vector.shape_cast %swap3A_146 : vector<16xi32> to vector<16xi32>
    %swap3A_148 = vector.shape_cast %shift_right_logical3A_144 : vector<16xi32> to vector<16xi32>
    tpu.vector_store %arg9[%swap3A_145], %swap3A_148 {strides = array<i32>} : memref<128xi32, #tpu.memory_space<vmem>>, vector<16xi32>,
    %dma_start3A = arith.constant 0 : i32
    %dma_start3A_149 = arith.constant 0 : i32
    %dma_start3A_150 = tpu.memref_slice %arg2[%dma_start3A, %dma_start3A_149] : memref<10000x128xf32, #tpu.memory_space<hbm>> -> memref<10000x128xf32, #tpu.memory_space<hbm>>
    tpu.enqueue_indirect_dma source(%dma_start3A_150 : memref<10000x128xf32, #tpu.memory_space<hbm>>) target(%arg11 : memref<128x128xf32, #tpu.memory_space<vmem>>) offsets(%arg7 : memref<128xi32, #tpu.memory_space<vmem>>) semaphore(%arg14 : memref<!tpu.dma_semaphore, #tpu.memory_space<semaphore_mem>>)
    %mul3A_151 = arith.constant 632 : i32
    %mul3A_152 = arith.muli %arg1, %mul3A_151 : i32
    %mul3A_153 = arith.constant 632 : i32
    %mul3A_154 = arith.muli %arg1, %mul3A_153 : i32
    "tpu.region"() ({
      %run_scoped3A = tpu.sem_alloc : memref<!tpu.dma_semaphore, #tpu.memory_space<semaphore_mem>>
      %dma_start3A_169 = arith.constant 0 : i32
      %dma_start3A_170 = tpu.memref_slice %arg13[%mul3A_154, %dma_start3A_169] : memref<10112x128xf32, #tpu.memory_space<vmem_shared>> -> memref<632x128xf32, #tpu.memory_space<vmem_shared>>
      %dma_start3A_171 = arith.constant 0 : i32
      %dma_start3A_172 = tpu.memref_slice %arg4[%mul3A_152, %dma_start3A_171] : memref<10112x128xf32, #tpu.memory_space<hbm>> -> memref<632x128xf32, #tpu.memory_space<hbm>>
      tpu.enqueue_dma source(%dma_start3A_172 : memref<632x128xf32, #tpu.memory_space<hbm>>) target(%dma_start3A_170 : memref<632x128xf32, #tpu.memory_space<vmem_shared>>) target_semaphore(%run_scoped3A : memref<!tpu.dma_semaphore, #tpu.memory_space<semaphore_mem>>)
      %dma_wait3A = arith.constant 0 : i32
      %dma_wait3A_173 = tpu.memref_slice %arg13[%mul3A_154, %dma_wait3A] : memref<10112x128xf32, #tpu.memory_space<vmem_shared>> -> memref<632x128xf32, #tpu.memory_space<vmem_shared>>
      %dma_wait3A_174 = arith.constant 0 : i32
      %dma_wait3A_175 = tpu.memref_slice %arg4[%mul3A_152, %dma_wait3A_174] : memref<10112x128xf32, #tpu.memory_space<hbm>> -> memref<632x128xf32, #tpu.memory_space<hbm>>
      tpu.wait_dma2 semaphore(%run_scoped3A : memref<!tpu.dma_semaphore, #tpu.memory_space<semaphore_mem>>) src(%dma_wait3A_175 : memref<632x128xf32, #tpu.memory_space<hbm>>) dst(%dma_wait3A_173 : memref<632x128xf32, #tpu.memory_space<vmem_shared>>)
      tpu.yield
    }) : () -> ()
    %barrier3A = arith.constant 0 : index
    tpu.barrier barrier_id(%barrier3A)
    %scan3A = arith.constant 0 : i32
    %scan3A_155 = arith.constant 40 : i32
    %scan3A_156 = arith.addi %scan3A, %scan3A_155 : i32
    %scan3A_157 = arith.constant 1 : i32
    scf.for %scan3A_169 = %scan3A to %scan3A_156 step %scan3A_157  : i32 {
      %mul3A_170 = arith.constant 1 : i32
      %mul3A_171 = arith.muli %scan3A_169, %mul3A_170 : i32
      %add3A_172 = arith.constant 0 : i32
      %add3A_173 = arith.addi %add3A_172, %mul3A_171 : i32
      %mul3A_174 = arith.constant 2 : i32
      %mul3A_175 = arith.muli %mul3A_174, %add3A_173 : i32
      %add3A_176 = arith.constant 1 : i32
      %add3A_177 = arith.addi %mul3A_175, %add3A_176 : i32
      %get3A_178 = arith.index_cast %add3A_177 : i32 to index
      %get3A_179 = arith.constant 0 : index
      %get3A_180 = tpu.vector_load %arg6[%get3A_178, %get3A_179] {strides = array<i32>} : memref<80x128xi32, #tpu.memory_space<vmem>>, vector<1x16xi32>,
      %get3A_181 = vector.shape_cast %get3A_180 : vector<1x16xi32> to vector<16xi32>
      %and3A_182 = arith.constant 65535 : i32
      %and3A_183 = vector.broadcast %and3A_182 : i32 to vector<16xi32>
      %and3A_184 = arith.andi %get3A_181, %and3A_183 : vector<16xi32>
      %swap3A_185 = arith.constant 0 : index
      %swap3A_186 = tpu.vector_load %arg8[%swap3A_185] {strides = array<i32>} : memref<128xi32, #tpu.memory_space<vmem>>, vector<16xi32>,
      %swap3A_187 = vector.shape_cast %swap3A_186 : vector<16xi32> to vector<16xi32>
      %swap3A_188 = vector.shape_cast %and3A_184 : vector<16xi32> to vector<16xi32>
      tpu.vector_store %arg8[%swap3A_185], %swap3A_188 {strides = array<i32>} : memref<128xi32, #tpu.memory_space<vmem>>, vector<16xi32>,
      %shift_right_logical3A_189 = arith.constant 16 : i32
      %shift_right_logical3A_190 = vector.broadcast %shift_right_logical3A_189 : i32 to vector<16xi32>
      %shift_right_logical3A_191 = arith.shrui %get3A_181, %shift_right_logical3A_190 : vector<16xi32>
      %swap3A_192 = arith.constant 0 : index
      %swap3A_193 = tpu.vector_load %arg10[%swap3A_192] {strides = array<i32>} : memref<128xi32, #tpu.memory_space<vmem>>, vector<16xi32>,
      %swap3A_194 = vector.shape_cast %swap3A_193 : vector<16xi32> to vector<16xi32>
      %swap3A_195 = vector.shape_cast %shift_right_logical3A_191 : vector<16xi32> to vector<16xi32>
      tpu.vector_store %arg10[%swap3A_192], %swap3A_195 {strides = array<i32>} : memref<128xi32, #tpu.memory_space<vmem>>, vector<16xi32>,
      %get3A_196 = arith.index_cast %add3A_177 : i32 to index
      %get3A_197 = arith.constant 16 : index
      %get3A_198 = tpu.vector_load %arg6[%get3A_196, %get3A_197] {strides = array<i32>} : memref<80x128xi32, #tpu.memory_space<vmem>>, vector<1x16xi32>,
      %get3A_199 = vector.shape_cast %get3A_198 : vector<1x16xi32> to vector<16xi32>
      %and3A_200 = arith.constant 65535 : i32
      %and3A_201 = vector.broadcast %and3A_200 : i32 to vector<16xi32>
      %and3A_202 = arith.andi %get3A_199, %and3A_201 : vector<16xi32>
      %swap3A_203 = arith.constant 16 : index
      %swap3A_204 = tpu.vector_load %arg8[%swap3A_203] {strides = array<i32>} : memref<128xi32, #tpu.memory_space<vmem>>, vector<16xi32>,
      %swap3A_205 = vector.shape_cast %swap3A_204 : vector<16xi32> to vector<16xi32>
      %swap3A_206 = vector.shape_cast %and3A_202 : vector<16xi32> to vector<16xi32>
      tpu.vector_store %arg8[%swap3A_203], %swap3A_206 {strides = array<i32>} : memref<128xi32, #tpu.memory_space<vmem>>, vector<16xi32>,
      %shift_right_logical3A_207 = arith.constant 16 : i32
      %shift_right_logical3A_208 = vector.broadcast %shift_right_logical3A_207 : i32 to vector<16xi32>
      %shift_right_logical3A_209 = arith.shrui %get3A_199, %shift_right_logical3A_208 : vector<16xi32>
      %swap3A_210 = arith.constant 16 : index
      %swap3A_211 = tpu.vector_load %arg10[%swap3A_210] {strides = array<i32>} : memref<128xi32, #tpu.memory_space<vmem>>, vector<16xi32>,
      %swap3A_212 = vector.shape_cast %swap3A_211 : vector<16xi32> to vector<16xi32>
      %swap3A_213 = vector.shape_cast %shift_right_logical3A_209 : vector<16xi32> to vector<16xi32>
      tpu.vector_store %arg10[%swap3A_210], %swap3A_213 {strides = array<i32>} : memref<128xi32, #tpu.memory_space<vmem>>, vector<16xi32>,
      %get3A_214 = arith.index_cast %add3A_177 : i32 to index
      %get3A_215 = arith.constant 32 : index
      %get3A_216 = tpu.vector_load %arg6[%get3A_214, %get3A_215] {strides = array<i32>} : memref<80x128xi32, #tpu.memory_space<vmem>>, vector<1x16xi32>,
      %get3A_217 = vector.shape_cast %get3A_216 : vector<1x16xi32> to vector<16xi32>
      %and3A_218 = arith.constant 65535 : i32
      %and3A_219 = vector.broadcast %and3A_218 : i32 to vector<16xi32>
      %and3A_220 = arith.andi %get3A_217, %and3A_219 : vector<16xi32>
      %swap3A_221 = arith.constant 32 : index
      %swap3A_222 = tpu.vector_load %arg8[%swap3A_221] {strides = array<i32>} : memref<128xi32, #tpu.memory_space<vmem>>, vector<16xi32>,
      %swap3A_223 = vector.shape_cast %swap3A_222 : vector<16xi32> to vector<16xi32>
      %swap3A_224 = vector.shape_cast %and3A_220 : vector<16xi32> to vector<16xi32>
      tpu.vector_store %arg8[%swap3A_221], %swap3A_224 {strides = array<i32>} : memref<128xi32, #tpu.memory_space<vmem>>, vector<16xi32>,
      %shift_right_logical3A_225 = arith.constant 16 : i32
      %shift_right_logical3A_226 = vector.broadcast %shift_right_logical3A_225 : i32 to vector<16xi32>
      %shift_right_logical3A_227 = arith.shrui %get3A_217, %shift_right_logical3A_226 : vector<16xi32>
      %swap3A_228 = arith.constant 32 : index
      %swap3A_229 = tpu.vector_load %arg10[%swap3A_228] {strides = array<i32>} : memref<128xi32, #tpu.memory_space<vmem>>, vector<16xi32>,
      %swap3A_230 = vector.shape_cast %swap3A_229 : vector<16xi32> to vector<16xi32>
      %swap3A_231 = vector.shape_cast %shift_right_logical3A_227 : vector<16xi32> to vector<16xi32>
      tpu.vector_store %arg10[%swap3A_228], %swap3A_231 {strides = array<i32>} : memref<128xi32, #tpu.memory_space<vmem>>, vector<16xi32>,
      %get3A_232 = arith.index_cast %add3A_177 : i32 to index
      %get3A_233 = arith.constant 48 : index
      %get3A_234 = tpu.vector_load %arg6[%get3A_232, %get3A_233] {strides = array<i32>} : memref<80x128xi32, #tpu.memory_space<vmem>>, vector<1x16xi32>,
      %get3A_235 = vector.shape_cast %get3A_234 : vector<1x16xi32> to vector<16xi32>
      %and3A_236 = arith.constant 65535 : i32
      %and3A_237 = vector.broadcast %and3A_236 : i32 to vector<16xi32>
      %and3A_238 = arith.andi %get3A_235, %and3A_237 : vector<16xi32>
      %swap3A_239 = arith.constant 48 : index
      %swap3A_240 = tpu.vector_load %arg8[%swap3A_239] {strides = array<i32>} : memref<128xi32, #tpu.memory_space<vmem>>, vector<16xi32>,
      %swap3A_241 = vector.shape_cast %swap3A_240 : vector<16xi32> to vector<16xi32>
      %swap3A_242 = vector.shape_cast %and3A_238 : vector<16xi32> to vector<16xi32>
      tpu.vector_store %arg8[%swap3A_239], %swap3A_242 {strides = array<i32>} : memref<128xi32, #tpu.memory_space<vmem>>, vector<16xi32>,
      %shift_right_logical3A_243 = arith.constant 16 : i32
      %shift_right_logical3A_244 = vector.broadcast %shift_right_logical3A_243 : i32 to vector<16xi32>
      %shift_right_logical3A_245 = arith.shrui %get3A_235, %shift_right_logical3A_244 : vector<16xi32>
      %swap3A_246 = arith.constant 48 : index
      %swap3A_247 = tpu.vector_load %arg10[%swap3A_246] {strides = array<i32>} : memref<128xi32, #tpu.memory_space<vmem>>, vector<16xi32>,
      %swap3A_248 = vector.shape_cast %swap3A_247 : vector<16xi32> to vector<16xi32>
      %swap3A_249 = vector.shape_cast %shift_right_logical3A_245 : vector<16xi32> to vector<16xi32>
      tpu.vector_store %arg10[%swap3A_246], %swap3A_249 {strides = array<i32>} : memref<128xi32, #tpu.memory_space<vmem>>, vector<16xi32>,
      %get3A_250 = arith.index_cast %add3A_177 : i32 to index
      %get3A_251 = arith.constant 64 : index
      %get3A_252 = tpu.vector_load %arg6[%get3A_250, %get3A_251] {strides = array<i32>} : memref<80x128xi32, #tpu.memory_space<vmem>>, vector<1x16xi32>,
      %get3A_253 = vector.shape_cast %get3A_252 : vector<1x16xi32> to vector<16xi32>
      %and3A_254 = arith.constant 65535 : i32
      %and3A_255 = vector.broadcast %and3A_254 : i32 to vector<16xi32>
      %and3A_256 = arith.andi %get3A_253, %and3A_255 : vector<16xi32>
      %swap3A_257 = arith.constant 64 : index
      %swap3A_258 = tpu.vector_load %arg8[%swap3A_257] {strides = array<i32>} : memref<128xi32, #tpu.memory_space<vmem>>, vector<16xi32>,
      %swap3A_259 = vector.shape_cast %swap3A_258 : vector<16xi32> to vector<16xi32>
      %swap3A_260 = vector.shape_cast %and3A_256 : vector<16xi32> to vector<16xi32>
      tpu.vector_store %arg8[%swap3A_257], %swap3A_260 {strides = array<i32>} : memref<128xi32, #tpu.memory_space<vmem>>, vector<16xi32>,
      %shift_right_logical3A_261 = arith.constant 16 : i32
      %shift_right_logical3A_262 = vector.broadcast %shift_right_logical3A_261 : i32 to vector<16xi32>
      %shift_right_logical3A_263 = arith.shrui %get3A_253, %shift_right_logical3A_262 : vector<16xi32>
      %swap3A_264 = arith.constant 64 : index
      %swap3A_265 = tpu.vector_load %arg10[%swap3A_264] {strides = array<i32>} : memref<128xi32, #tpu.memory_space<vmem>>, vector<16xi32>,
      %swap3A_266 = vector.shape_cast %swap3A_265 : vector<16xi32> to vector<16xi32>
      %swap3A_267 = vector.shape_cast %shift_right_logical3A_263 : vector<16xi32> to vector<16xi32>
      tpu.vector_store %arg10[%swap3A_264], %swap3A_267 {strides = array<i32>} : memref<128xi32, #tpu.memory_space<vmem>>, vector<16xi32>,
      %get3A_268 = arith.index_cast %add3A_177 : i32 to index
      %get3A_269 = arith.constant 80 : index
      %get3A_270 = tpu.vector_load %arg6[%get3A_268, %get3A_269] {strides = array<i32>} : memref<80x128xi32, #tpu.memory_space<vmem>>, vector<1x16xi32>,
      %get3A_271 = vector.shape_cast %get3A_270 : vector<1x16xi32> to vector<16xi32>
      %and3A_272 = arith.constant 65535 : i32
      %and3A_273 = vector.broadcast %and3A_272 : i32 to vector<16xi32>
      %and3A_274 = arith.andi %get3A_271, %and3A_273 : vector<16xi32>
      %swap3A_275 = arith.constant 80 : index
      %swap3A_276 = tpu.vector_load %arg8[%swap3A_275] {strides = array<i32>} : memref<128xi32, #tpu.memory_space<vmem>>, vector<16xi32>,
      %swap3A_277 = vector.shape_cast %swap3A_276 : vector<16xi32> to vector<16xi32>
      %swap3A_278 = vector.shape_cast %and3A_274 : vector<16xi32> to vector<16xi32>
      tpu.vector_store %arg8[%swap3A_275], %swap3A_278 {strides = array<i32>} : memref<128xi32, #tpu.memory_space<vmem>>, vector<16xi32>,
      %shift_right_logical3A_279 = arith.constant 16 : i32
      %shift_right_logical3A_280 = vector.broadcast %shift_right_logical3A_279 : i32 to vector<16xi32>
      %shift_right_logical3A_281 = arith.shrui %get3A_271, %shift_right_logical3A_280 : vector<16xi32>
      %swap3A_282 = arith.constant 80 : index
      %swap3A_283 = tpu.vector_load %arg10[%swap3A_282] {strides = array<i32>} : memref<128xi32, #tpu.memory_space<vmem>>, vector<16xi32>,
      %swap3A_284 = vector.shape_cast %swap3A_283 : vector<16xi32> to vector<16xi32>
      %swap3A_285 = vector.shape_cast %shift_right_logical3A_281 : vector<16xi32> to vector<16xi32>
      tpu.vector_store %arg10[%swap3A_282], %swap3A_285 {strides = array<i32>} : memref<128xi32, #tpu.memory_space<vmem>>, vector<16xi32>,
      %get3A_286 = arith.index_cast %add3A_177 : i32 to index
      %get3A_287 = arith.constant 96 : index
      %get3A_288 = tpu.vector_load %arg6[%get3A_286, %get3A_287] {strides = array<i32>} : memref<80x128xi32, #tpu.memory_space<vmem>>, vector<1x16xi32>,
      %get3A_289 = vector.shape_cast %get3A_288 : vector<1x16xi32> to vector<16xi32>
      %and3A_290 = arith.constant 65535 : i32
      %and3A_291 = vector.broadcast %and3A_290 : i32 to vector<16xi32>
      %and3A_292 = arith.andi %get3A_289, %and3A_291 : vector<16xi32>
      %swap3A_293 = arith.constant 96 : index
      %swap3A_294 = tpu.vector_load %arg8[%swap3A_293] {strides = array<i32>} : memref<128xi32, #tpu.memory_space<vmem>>, vector<16xi32>,
      %swap3A_295 = vector.shape_cast %swap3A_294 : vector<16xi32> to vector<16xi32>
      %swap3A_296 = vector.shape_cast %and3A_292 : vector<16xi32> to vector<16xi32>
      tpu.vector_store %arg8[%swap3A_293], %swap3A_296 {strides = array<i32>} : memref<128xi32, #tpu.memory_space<vmem>>, vector<16xi32>,
      %shift_right_logical3A_297 = arith.constant 16 : i32
      %shift_right_logical3A_298 = vector.broadcast %shift_right_logical3A_297 : i32 to vector<16xi32>
      %shift_right_logical3A_299 = arith.shrui %get3A_289, %shift_right_logical3A_298 : vector<16xi32>
      %swap3A_300 = arith.constant 96 : index
      %swap3A_301 = tpu.vector_load %arg10[%swap3A_300] {strides = array<i32>} : memref<128xi32, #tpu.memory_space<vmem>>, vector<16xi32>,
      %swap3A_302 = vector.shape_cast %swap3A_301 : vector<16xi32> to vector<16xi32>
      %swap3A_303 = vector.shape_cast %shift_right_logical3A_299 : vector<16xi32> to vector<16xi32>
      tpu.vector_store %arg10[%swap3A_300], %swap3A_303 {strides = array<i32>} : memref<128xi32, #tpu.memory_space<vmem>>, vector<16xi32>,
      %get3A_304 = arith.index_cast %add3A_177 : i32 to index
      %get3A_305 = arith.constant 112 : index
      %get3A_306 = tpu.vector_load %arg6[%get3A_304, %get3A_305] {strides = array<i32>} : memref<80x128xi32, #tpu.memory_space<vmem>>, vector<1x16xi32>,
      %get3A_307 = vector.shape_cast %get3A_306 : vector<1x16xi32> to vector<16xi32>
      %and3A_308 = arith.constant 65535 : i32
      %and3A_309 = vector.broadcast %and3A_308 : i32 to vector<16xi32>
      %and3A_310 = arith.andi %get3A_307, %and3A_309 : vector<16xi32>
      %swap3A_311 = arith.constant 112 : index
      %swap3A_312 = tpu.vector_load %arg8[%swap3A_311] {strides = array<i32>} : memref<128xi32, #tpu.memory_space<vmem>>, vector<16xi32>,
      %swap3A_313 = vector.shape_cast %swap3A_312 : vector<16xi32> to vector<16xi32>
      %swap3A_314 = vector.shape_cast %and3A_310 : vector<16xi32> to vector<16xi32>
      tpu.vector_store %arg8[%swap3A_311], %swap3A_314 {strides = array<i32>} : memref<128xi32, #tpu.memory_space<vmem>>, vector<16xi32>,
      %shift_right_logical3A_315 = arith.constant 16 : i32
      %shift_right_logical3A_316 = vector.broadcast %shift_right_logical3A_315 : i32 to vector<16xi32>
      %shift_right_logical3A_317 = arith.shrui %get3A_307, %shift_right_logical3A_316 : vector<16xi32>
      %swap3A_318 = arith.constant 112 : index
      %swap3A_319 = tpu.vector_load %arg10[%swap3A_318] {strides = array<i32>} : memref<128xi32, #tpu.memory_space<vmem>>, vector<16xi32>,
      %swap3A_320 = vector.shape_cast %swap3A_319 : vector<16xi32> to vector<16xi32>
      %swap3A_321 = vector.shape_cast %shift_right_logical3A_317 : vector<16xi32> to vector<16xi32>
      tpu.vector_store %arg10[%swap3A_318], %swap3A_321 {strides = array<i32>} : memref<128xi32, #tpu.memory_space<vmem>>, vector<16xi32>,
      %dma_start3A_322 = arith.constant 0 : i32
      %dma_start3A_323 = arith.constant 0 : i32
      %dma_start3A_324 = tpu.memref_slice %arg2[%dma_start3A_322, %dma_start3A_323] : memref<10000x128xf32, #tpu.memory_space<hbm>> -> memref<10000x128xf32, #tpu.memory_space<hbm>>
      tpu.enqueue_indirect_dma source(%dma_start3A_324 : memref<10000x128xf32, #tpu.memory_space<hbm>>) target(%arg12 : memref<128x128xf32, #tpu.memory_space<vmem>>) offsets(%arg8 : memref<128xi32, #tpu.memory_space<vmem>>) semaphore(%arg15 : memref<!tpu.dma_semaphore, #tpu.memory_space<semaphore_mem>>)
      %dma_wait3A = arith.constant 0 : i32
      %dma_wait3A_325 = arith.constant 0 : i32
      %dma_wait3A_326 = tpu.memref_slice %arg2[%dma_wait3A, %dma_wait3A_325] : memref<10000x128xf32, #tpu.memory_space<hbm>> -> memref<10000x128xf32, #tpu.memory_space<hbm>>
      tpu.wait_indirect_dma semaphore(%arg14 : memref<!tpu.dma_semaphore, #tpu.memory_space<semaphore_mem>>) src(%dma_wait3A_326 : memref<10000x128xf32, #tpu.memory_space<hbm>>) dst(%arg11 : memref<128x128xf32, #tpu.memory_space<vmem>>)
      "tpu.region"() ({
        %run_scoped3A = tpu.sem_alloc : memref<!tpu.dma_semaphore, #tpu.memory_space<semaphore_mem>>
        %dma_start3A_334 = arith.constant 0 : i32
        %dma_start3A_335 = arith.constant 0 : i32
        %dma_start3A_336 = tpu.memref_slice %arg13[%dma_start3A_334, %dma_start3A_335] : memref<10112x128xf32, #tpu.memory_space<vmem_shared>> -> memref<10112x128xf32, #tpu.memory_space<vmem_shared>>
        tpu.enqueue_indirect_dma source(%arg11 : memref<128x128xf32, #tpu.memory_space<vmem>>) target(%dma_start3A_336 : memref<10112x128xf32, #tpu.memory_space<vmem_shared>>) offsets(%arg9 : memref<128xi32, #tpu.memory_space<vmem>>) semaphore(%run_scoped3A : memref<!tpu.dma_semaphore, #tpu.memory_space<semaphore_mem>>) {add = true}
        %dma_wait3A_337 = arith.constant 0 : i32
        %dma_wait3A_338 = arith.constant 0 : i32
        %dma_wait3A_339 = tpu.memref_slice %arg13[%dma_wait3A_337, %dma_wait3A_338] : memref<10112x128xf32, #tpu.memory_space<vmem_shared>> -> memref<10112x128xf32, #tpu.memory_space<vmem_shared>>
        tpu.wait_indirect_dma semaphore(%run_scoped3A : memref<!tpu.dma_semaphore, #tpu.memory_space<semaphore_mem>>) src(%arg11 : memref<128x128xf32, #tpu.memory_space<vmem>>) dst(%dma_wait3A_339 : memref<10112x128xf32, #tpu.memory_space<vmem_shared>>)
        tpu.yield
      }) : () -> ()
      %lt3A = arith.constant 39 : i32
      %lt3A_327 = arith.cmpi slt, %add3A_173, %lt3A : i32
      %convert_element_type3A_328 = arith.extui %lt3A_327 : i1 to i32
      %cond3A_329 = arith.constant 0 : i32
      %cond3A_330 = arith.cmpi ne, %convert_element_type3A_328, %cond3A_329 : i32
      scf.if %cond3A_330 {
        %add3A_334 = arith.constant 2 : i32
        %add3A_335 = arith.addi %mul3A_175, %add3A_334 : i32
        %get3A_336 = arith.index_cast %add3A_335 : i32 to index
        %get3A_337 = arith.constant 0 : index
        %get3A_338 = tpu.vector_load %arg6[%get3A_336, %get3A_337] {strides = array<i32>} : memref<80x128xi32, #tpu.memory_space<vmem>>, vector<1x16xi32>,
        %get3A_339 = vector.shape_cast %get3A_338 : vector<1x16xi32> to vector<16xi32>
        %and3A_340 = arith.constant 65535 : i32
        %and3A_341 = vector.broadcast %and3A_340 : i32 to vector<16xi32>
        %and3A_342 = arith.andi %get3A_339, %and3A_341 : vector<16xi32>
        %swap3A_343 = arith.constant 0 : index
        %swap3A_344 = tpu.vector_load %arg7[%swap3A_343] {strides = array<i32>} : memref<128xi32, #tpu.memory_space<vmem>>, vector<16xi32>,
        %swap3A_345 = vector.shape_cast %swap3A_344 : vector<16xi32> to vector<16xi32>
        %swap3A_346 = vector.shape_cast %and3A_342 : vector<16xi32> to vector<16xi32>
        tpu.vector_store %arg7[%swap3A_343], %swap3A_346 {strides = array<i32>} : memref<128xi32, #tpu.memory_space<vmem>>, vector<16xi32>,
        %shift_right_logical3A_347 = arith.constant 16 : i32
        %shift_right_logical3A_348 = vector.broadcast %shift_right_logical3A_347 : i32 to vector<16xi32>
        %shift_right_logical3A_349 = arith.shrui %get3A_339, %shift_right_logical3A_348 : vector<16xi32>
        %swap3A_350 = arith.constant 0 : index
        %swap3A_351 = tpu.vector_load %arg9[%swap3A_350] {strides = array<i32>} : memref<128xi32, #tpu.memory_space<vmem>>, vector<16xi32>,
        %swap3A_352 = vector.shape_cast %swap3A_351 : vector<16xi32> to vector<16xi32>
        %swap3A_353 = vector.shape_cast %shift_right_logical3A_349 : vector<16xi32> to vector<16xi32>
        tpu.vector_store %arg9[%swap3A_350], %swap3A_353 {strides = array<i32>} : memref<128xi32, #tpu.memory_space<vmem>>, vector<16xi32>,
        %get3A_354 = arith.index_cast %add3A_335 : i32 to index
        %get3A_355 = arith.constant 16 : index
        %get3A_356 = tpu.vector_load %arg6[%get3A_354, %get3A_355] {strides = array<i32>} : memref<80x128xi32, #tpu.memory_space<vmem>>, vector<1x16xi32>,
        %get3A_357 = vector.shape_cast %get3A_356 : vector<1x16xi32> to vector<16xi32>
        %and3A_358 = arith.constant 65535 : i32
        %and3A_359 = vector.broadcast %and3A_358 : i32 to vector<16xi32>
        %and3A_360 = arith.andi %get3A_357, %and3A_359 : vector<16xi32>
        %swap3A_361 = arith.constant 16 : index
        %swap3A_362 = tpu.vector_load %arg7[%swap3A_361] {strides = array<i32>} : memref<128xi32, #tpu.memory_space<vmem>>, vector<16xi32>,
        %swap3A_363 = vector.shape_cast %swap3A_362 : vector<16xi32> to vector<16xi32>
        %swap3A_364 = vector.shape_cast %and3A_360 : vector<16xi32> to vector<16xi32>
        tpu.vector_store %arg7[%swap3A_361], %swap3A_364 {strides = array<i32>} : memref<128xi32, #tpu.memory_space<vmem>>, vector<16xi32>,
        %shift_right_logical3A_365 = arith.constant 16 : i32
        %shift_right_logical3A_366 = vector.broadcast %shift_right_logical3A_365 : i32 to vector<16xi32>
        %shift_right_logical3A_367 = arith.shrui %get3A_357, %shift_right_logical3A_366 : vector<16xi32>
        %swap3A_368 = arith.constant 16 : index
        %swap3A_369 = tpu.vector_load %arg9[%swap3A_368] {strides = array<i32>} : memref<128xi32, #tpu.memory_space<vmem>>, vector<16xi32>,
        %swap3A_370 = vector.shape_cast %swap3A_369 : vector<16xi32> to vector<16xi32>
        %swap3A_371 = vector.shape_cast %shift_right_logical3A_367 : vector<16xi32> to vector<16xi32>
        tpu.vector_store %arg9[%swap3A_368], %swap3A_371 {strides = array<i32>} : memref<128xi32, #tpu.memory_space<vmem>>, vector<16xi32>,
        %get3A_372 = arith.index_cast %add3A_335 : i32 to index
        %get3A_373 = arith.constant 32 : index
        %get3A_374 = tpu.vector_load %arg6[%get3A_372, %get3A_373] {strides = array<i32>} : memref<80x128xi32, #tpu.memory_space<vmem>>, vector<1x16xi32>,
        %get3A_375 = vector.shape_cast %get3A_374 : vector<1x16xi32> to vector<16xi32>
        %and3A_376 = arith.constant 65535 : i32
        %and3A_377 = vector.broadcast %and3A_376 : i32 to vector<16xi32>
        %and3A_378 = arith.andi %get3A_375, %and3A_377 : vector<16xi32>
        %swap3A_379 = arith.constant 32 : index
        %swap3A_380 = tpu.vector_load %arg7[%swap3A_379] {strides = array<i32>} : memref<128xi32, #tpu.memory_space<vmem>>, vector<16xi32>,
        %swap3A_381 = vector.shape_cast %swap3A_380 : vector<16xi32> to vector<16xi32>
        %swap3A_382 = vector.shape_cast %and3A_378 : vector<16xi32> to vector<16xi32>
        tpu.vector_store %arg7[%swap3A_379], %swap3A_382 {strides = array<i32>} : memref<128xi32, #tpu.memory_space<vmem>>, vector<16xi32>,
        %shift_right_logical3A_383 = arith.constant 16 : i32
        %shift_right_logical3A_384 = vector.broadcast %shift_right_logical3A_383 : i32 to vector<16xi32>
        %shift_right_logical3A_385 = arith.shrui %get3A_375, %shift_right_logical3A_384 : vector<16xi32>
        %swap3A_386 = arith.constant 32 : index
        %swap3A_387 = tpu.vector_load %arg9[%swap3A_386] {strides = array<i32>} : memref<128xi32, #tpu.memory_space<vmem>>, vector<16xi32>,
        %swap3A_388 = vector.shape_cast %swap3A_387 : vector<16xi32> to vector<16xi32>
        %swap3A_389 = vector.shape_cast %shift_right_logical3A_385 : vector<16xi32> to vector<16xi32>
        tpu.vector_store %arg9[%swap3A_386], %swap3A_389 {strides = array<i32>} : memref<128xi32, #tpu.memory_space<vmem>>, vector<16xi32>,
        %get3A_390 = arith.index_cast %add3A_335 : i32 to index
        %get3A_391 = arith.constant 48 : index
        %get3A_392 = tpu.vector_load %arg6[%get3A_390, %get3A_391] {strides = array<i32>} : memref<80x128xi32, #tpu.memory_space<vmem>>, vector<1x16xi32>,
        %get3A_393 = vector.shape_cast %get3A_392 : vector<1x16xi32> to vector<16xi32>
        %and3A_394 = arith.constant 65535 : i32
        %and3A_395 = vector.broadcast %and3A_394 : i32 to vector<16xi32>
        %and3A_396 = arith.andi %get3A_393, %and3A_395 : vector<16xi32>
        %swap3A_397 = arith.constant 48 : index
        %swap3A_398 = tpu.vector_load %arg7[%swap3A_397] {strides = array<i32>} : memref<128xi32, #tpu.memory_space<vmem>>, vector<16xi32>,
        %swap3A_399 = vector.shape_cast %swap3A_398 : vector<16xi32> to vector<16xi32>
        %swap3A_400 = vector.shape_cast %and3A_396 : vector<16xi32> to vector<16xi32>
        tpu.vector_store %arg7[%swap3A_397], %swap3A_400 {strides = array<i32>} : memref<128xi32, #tpu.memory_space<vmem>>, vector<16xi32>,
        %shift_right_logical3A_401 = arith.constant 16 : i32
        %shift_right_logical3A_402 = vector.broadcast %shift_right_logical3A_401 : i32 to vector<16xi32>
        %shift_right_logical3A_403 = arith.shrui %get3A_393, %shift_right_logical3A_402 : vector<16xi32>
        %swap3A_404 = arith.constant 48 : index
        %swap3A_405 = tpu.vector_load %arg9[%swap3A_404] {strides = array<i32>} : memref<128xi32, #tpu.memory_space<vmem>>, vector<16xi32>,
        %swap3A_406 = vector.shape_cast %swap3A_405 : vector<16xi32> to vector<16xi32>
        %swap3A_407 = vector.shape_cast %shift_right_logical3A_403 : vector<16xi32> to vector<16xi32>
        tpu.vector_store %arg9[%swap3A_404], %swap3A_407 {strides = array<i32>} : memref<128xi32, #tpu.memory_space<vmem>>, vector<16xi32>,
        %get3A_408 = arith.index_cast %add3A_335 : i32 to index
        %get3A_409 = arith.constant 64 : index
        %get3A_410 = tpu.vector_load %arg6[%get3A_408, %get3A_409] {strides = array<i32>} : memref<80x128xi32, #tpu.memory_space<vmem>>, vector<1x16xi32>,
        %get3A_411 = vector.shape_cast %get3A_410 : vector<1x16xi32> to vector<16xi32>
        %and3A_412 = arith.constant 65535 : i32
        %and3A_413 = vector.broadcast %and3A_412 : i32 to vector<16xi32>
        %and3A_414 = arith.andi %get3A_411, %and3A_413 : vector<16xi32>
        %swap3A_415 = arith.constant 64 : index
        %swap3A_416 = tpu.vector_load %arg7[%swap3A_415] {strides = array<i32>} : memref<128xi32, #tpu.memory_space<vmem>>, vector<16xi32>,
        %swap3A_417 = vector.shape_cast %swap3A_416 : vector<16xi32> to vector<16xi32>
        %swap3A_418 = vector.shape_cast %and3A_414 : vector<16xi32> to vector<16xi32>
        tpu.vector_store %arg7[%swap3A_415], %swap3A_418 {strides = array<i32>} : memref<128xi32, #tpu.memory_space<vmem>>, vector<16xi32>,
        %shift_right_logical3A_419 = arith.constant 16 : i32
        %shift_right_logical3A_420 = vector.broadcast %shift_right_logical3A_419 : i32 to vector<16xi32>
        %shift_right_logical3A_421 = arith.shrui %get3A_411, %shift_right_logical3A_420 : vector<16xi32>
        %swap3A_422 = arith.constant 64 : index
        %swap3A_423 = tpu.vector_load %arg9[%swap3A_422] {strides = array<i32>} : memref<128xi32, #tpu.memory_space<vmem>>, vector<16xi32>,
        %swap3A_424 = vector.shape_cast %swap3A_423 : vector<16xi32> to vector<16xi32>
        %swap3A_425 = vector.shape_cast %shift_right_logical3A_421 : vector<16xi32> to vector<16xi32>
        tpu.vector_store %arg9[%swap3A_422], %swap3A_425 {strides = array<i32>} : memref<128xi32, #tpu.memory_space<vmem>>, vector<16xi32>,
        %get3A_426 = arith.index_cast %add3A_335 : i32 to index
        %get3A_427 = arith.constant 80 : index
        %get3A_428 = tpu.vector_load %arg6[%get3A_426, %get3A_427] {strides = array<i32>} : memref<80x128xi32, #tpu.memory_space<vmem>>, vector<1x16xi32>,
        %get3A_429 = vector.shape_cast %get3A_428 : vector<1x16xi32> to vector<16xi32>
        %and3A_430 = arith.constant 65535 : i32
        %and3A_431 = vector.broadcast %and3A_430 : i32 to vector<16xi32>
        %and3A_432 = arith.andi %get3A_429, %and3A_431 : vector<16xi32>
        %swap3A_433 = arith.constant 80 : index
        %swap3A_434 = tpu.vector_load %arg7[%swap3A_433] {strides = array<i32>} : memref<128xi32, #tpu.memory_space<vmem>>, vector<16xi32>,
        %swap3A_435 = vector.shape_cast %swap3A_434 : vector<16xi32> to vector<16xi32>
        %swap3A_436 = vector.shape_cast %and3A_432 : vector<16xi32> to vector<16xi32>
        tpu.vector_store %arg7[%swap3A_433], %swap3A_436 {strides = array<i32>} : memref<128xi32, #tpu.memory_space<vmem>>, vector<16xi32>,
        %shift_right_logical3A_437 = arith.constant 16 : i32
        %shift_right_logical3A_438 = vector.broadcast %shift_right_logical3A_437 : i32 to vector<16xi32>
        %shift_right_logical3A_439 = arith.shrui %get3A_429, %shift_right_logical3A_438 : vector<16xi32>
        %swap3A_440 = arith.constant 80 : index
        %swap3A_441 = tpu.vector_load %arg9[%swap3A_440] {strides = array<i32>} : memref<128xi32, #tpu.memory_space<vmem>>, vector<16xi32>,
        %swap3A_442 = vector.shape_cast %swap3A_441 : vector<16xi32> to vector<16xi32>
        %swap3A_443 = vector.shape_cast %shift_right_logical3A_439 : vector<16xi32> to vector<16xi32>
        tpu.vector_store %arg9[%swap3A_440], %swap3A_443 {strides = array<i32>} : memref<128xi32, #tpu.memory_space<vmem>>, vector<16xi32>,
        %get3A_444 = arith.index_cast %add3A_335 : i32 to index
        %get3A_445 = arith.constant 96 : index
        %get3A_446 = tpu.vector_load %arg6[%get3A_444, %get3A_445] {strides = array<i32>} : memref<80x128xi32, #tpu.memory_space<vmem>>, vector<1x16xi32>,
        %get3A_447 = vector.shape_cast %get3A_446 : vector<1x16xi32> to vector<16xi32>
        %and3A_448 = arith.constant 65535 : i32
        %and3A_449 = vector.broadcast %and3A_448 : i32 to vector<16xi32>
        %and3A_450 = arith.andi %get3A_447, %and3A_449 : vector<16xi32>
        %swap3A_451 = arith.constant 96 : index
        %swap3A_452 = tpu.vector_load %arg7[%swap3A_451] {strides = array<i32>} : memref<128xi32, #tpu.memory_space<vmem>>, vector<16xi32>,
        %swap3A_453 = vector.shape_cast %swap3A_452 : vector<16xi32> to vector<16xi32>
        %swap3A_454 = vector.shape_cast %and3A_450 : vector<16xi32> to vector<16xi32>
        tpu.vector_store %arg7[%swap3A_451], %swap3A_454 {strides = array<i32>} : memref<128xi32, #tpu.memory_space<vmem>>, vector<16xi32>,
        %shift_right_logical3A_455 = arith.constant 16 : i32
        %shift_right_logical3A_456 = vector.broadcast %shift_right_logical3A_455 : i32 to vector<16xi32>
        %shift_right_logical3A_457 = arith.shrui %get3A_447, %shift_right_logical3A_456 : vector<16xi32>
        %swap3A_458 = arith.constant 96 : index
        %swap3A_459 = tpu.vector_load %arg9[%swap3A_458] {strides = array<i32>} : memref<128xi32, #tpu.memory_space<vmem>>, vector<16xi32>,
        %swap3A_460 = vector.shape_cast %swap3A_459 : vector<16xi32> to vector<16xi32>
        %swap3A_461 = vector.shape_cast %shift_right_logical3A_457 : vector<16xi32> to vector<16xi32>
        tpu.vector_store %arg9[%swap3A_458], %swap3A_461 {strides = array<i32>} : memref<128xi32, #tpu.memory_space<vmem>>, vector<16xi32>,
        %get3A_462 = arith.index_cast %add3A_335 : i32 to index
        %get3A_463 = arith.constant 112 : index
        %get3A_464 = tpu.vector_load %arg6[%get3A_462, %get3A_463] {strides = array<i32>} : memref<80x128xi32, #tpu.memory_space<vmem>>, vector<1x16xi32>,
        %get3A_465 = vector.shape_cast %get3A_464 : vector<1x16xi32> to vector<16xi32>
        %and3A_466 = arith.constant 65535 : i32
        %and3A_467 = vector.broadcast %and3A_466 : i32 to vector<16xi32>
        %and3A_468 = arith.andi %get3A_465, %and3A_467 : vector<16xi32>
        %swap3A_469 = arith.constant 112 : index
        %swap3A_470 = tpu.vector_load %arg7[%swap3A_469] {strides = array<i32>} : memref<128xi32, #tpu.memory_space<vmem>>, vector<16xi32>,
        %swap3A_471 = vector.shape_cast %swap3A_470 : vector<16xi32> to vector<16xi32>
        %swap3A_472 = vector.shape_cast %and3A_468 : vector<16xi32> to vector<16xi32>
        tpu.vector_store %arg7[%swap3A_469], %swap3A_472 {strides = array<i32>} : memref<128xi32, #tpu.memory_space<vmem>>, vector<16xi32>,
        %shift_right_logical3A_473 = arith.constant 16 : i32
        %shift_right_logical3A_474 = vector.broadcast %shift_right_logical3A_473 : i32 to vector<16xi32>
        %shift_right_logical3A_475 = arith.shrui %get3A_465, %shift_right_logical3A_474 : vector<16xi32>
        %swap3A_476 = arith.constant 112 : index
        %swap3A_477 = tpu.vector_load %arg9[%swap3A_476] {strides = array<i32>} : memref<128xi32, #tpu.memory_space<vmem>>, vector<16xi32>,
        %swap3A_478 = vector.shape_cast %swap3A_477 : vector<16xi32> to vector<16xi32>
        %swap3A_479 = vector.shape_cast %shift_right_logical3A_475 : vector<16xi32> to vector<16xi32>
        tpu.vector_store %arg9[%swap3A_476], %swap3A_479 {strides = array<i32>} : memref<128xi32, #tpu.memory_space<vmem>>, vector<16xi32>,
        %dma_start3A_480 = arith.constant 0 : i32
        %dma_start3A_481 = arith.constant 0 : i32
        %dma_start3A_482 = tpu.memref_slice %arg2[%dma_start3A_480, %dma_start3A_481] : memref<10000x128xf32, #tpu.memory_space<hbm>> -> memref<10000x128xf32, #tpu.memory_space<hbm>>
        tpu.enqueue_indirect_dma source(%dma_start3A_482 : memref<10000x128xf32, #tpu.memory_space<hbm>>) target(%arg11 : memref<128x128xf32, #tpu.memory_space<vmem>>) offsets(%arg7 : memref<128xi32, #tpu.memory_space<vmem>>) semaphore(%arg14 : memref<!tpu.dma_semaphore, #tpu.memory_space<semaphore_mem>>)
      } else {
      }
      %dma_wait3A_331 = arith.constant 0 : i32
      %dma_wait3A_332 = arith.constant 0 : i32
      %dma_wait3A_333 = tpu.memref_slice %arg2[%dma_wait3A_331, %dma_wait3A_332] : memref<10000x128xf32, #tpu.memory_space<hbm>> -> memref<10000x128xf32, #tpu.memory_space<hbm>>
      tpu.wait_indirect_dma semaphore(%arg15 : memref<!tpu.dma_semaphore, #tpu.memory_space<semaphore_mem>>) src(%dma_wait3A_333 : memref<10000x128xf32, #tpu.memory_space<hbm>>) dst(%arg12 : memref<128x128xf32, #tpu.memory_space<vmem>>)
      "tpu.region"() ({
        %run_scoped3A = tpu.sem_alloc : memref<!tpu.dma_semaphore, #tpu.memory_space<semaphore_mem>>
        %dma_start3A_334 = arith.constant 0 : i32
        %dma_start3A_335 = arith.constant 0 : i32
        %dma_start3A_336 = tpu.memref_slice %arg13[%dma_start3A_334, %dma_start3A_335] : memref<10112x128xf32, #tpu.memory_space<vmem_shared>> -> memref<10112x128xf32, #tpu.memory_space<vmem_shared>>
        tpu.enqueue_indirect_dma source(%arg12 : memref<128x128xf32, #tpu.memory_space<vmem>>) target(%dma_start3A_336 : memref<10112x128xf32, #tpu.memory_space<vmem_shared>>) offsets(%arg10 : memref<128xi32, #tpu.memory_space<vmem>>) semaphore(%run_scoped3A : memref<!tpu.dma_semaphore, #tpu.memory_space<semaphore_mem>>) {add = true}
        %dma_wait3A_337 = arith.constant 0 : i32
        %dma_wait3A_338 = arith.constant 0 : i32
        %dma_wait3A_339 = tpu.memref_slice %arg13[%dma_wait3A_337, %dma_wait3A_338] : memref<10112x128xf32, #tpu.memory_space<vmem_shared>> -> memref<10112x128xf32, #tpu.memory_space<vmem_shared>>
        tpu.wait_indirect_dma semaphore(%run_scoped3A : memref<!tpu.dma_semaphore, #tpu.memory_space<semaphore_mem>>) src(%arg12 : memref<128x128xf32, #tpu.memory_space<vmem>>) dst(%dma_wait3A_339 : memref<10112x128xf32, #tpu.memory_space<vmem_shared>>)
        tpu.yield
      }) : () -> ()
    }
    %scan3A_158 = arith.constant 40 : i32
    %barrier3A_159 = arith.constant 0 : index
    tpu.barrier barrier_id(%barrier3A_159)
    %mul3A_160 = arith.constant 624 : i32
    %mul3A_161 = arith.muli %arg1, %mul3A_160 : i32
    %mul3A_162 = arith.constant 10000 : i32
    %mul3A_163 = arith.muli %arg0, %mul3A_162 : i32
    %mul3A_164 = arith.constant 624 : i32
    %mul3A_165 = arith.muli %arg1, %mul3A_164 : i32
    %add3A_166 = arith.addi %mul3A_163, %mul3A_165 : i32
    "tpu.region"() ({
      %run_scoped3A = tpu.sem_alloc : memref<!tpu.dma_semaphore, #tpu.memory_space<semaphore_mem>>
      %dma_start3A_169 = arith.constant 0 : i32
      %dma_start3A_170 = tpu.memref_slice %arg5[%add3A_166, %dma_start3A_169] : memref<20000x128xf32, #tpu.memory_space<hbm>> -> memref<624x128xf32, #tpu.memory_space<hbm>>
      %dma_start3A_171 = arith.constant 0 : i32
      %dma_start3A_172 = tpu.memref_slice %arg13[%mul3A_161, %dma_start3A_171] : memref<10112x128xf32, #tpu.memory_space<vmem_shared>> -> memref<624x128xf32, #tpu.memory_space<vmem_shared>>
      tpu.enqueue_dma source(%dma_start3A_172 : memref<624x128xf32, #tpu.memory_space<vmem_shared>>) target(%dma_start3A_170 : memref<624x128xf32, #tpu.memory_space<hbm>>) target_semaphore(%run_scoped3A : memref<!tpu.dma_semaphore, #tpu.memory_space<semaphore_mem>>)
      %dma_wait3A = arith.constant 0 : i32
      %dma_wait3A_173 = tpu.memref_slice %arg5[%add3A_166, %dma_wait3A] : memref<20000x128xf32, #tpu.memory_space<hbm>> -> memref<624x128xf32, #tpu.memory_space<hbm>>
      %dma_wait3A_174 = arith.constant 0 : i32
      %dma_wait3A_175 = tpu.memref_slice %arg13[%mul3A_161, %dma_wait3A_174] : memref<10112x128xf32, #tpu.memory_space<vmem_shared>> -> memref<624x128xf32, #tpu.memory_space<vmem_shared>>
      tpu.wait_dma2 semaphore(%run_scoped3A : memref<!tpu.dma_semaphore, #tpu.memory_space<semaphore_mem>>) src(%dma_wait3A_175 : memref<624x128xf32, #tpu.memory_space<vmem_shared>>) dst(%dma_wait3A_173 : memref<624x128xf32, #tpu.memory_space<hbm>>)
      tpu.yield
    }) : () -> ()
    %eq3A = arith.constant 15 : i32
    %eq3A_167 = arith.cmpi eq, %arg1, %eq3A : i32
    %convert_element_type3A = arith.extui %eq3A_167 : i1 to i32
    %cond3A = arith.constant 0 : i32
    %cond3A_168 = arith.cmpi ne, %convert_element_type3A, %cond3A : i32
    scf.if %cond3A_168 {
      %mul3A_169 = arith.constant 10000 : i32
      %mul3A_170 = arith.muli %arg0, %mul3A_169 : i32
      %add3A_171 = arith.constant 9984 : i32
      %add3A_172 = arith.addi %mul3A_170, %add3A_171 : i32
      "tpu.region"() ({
        %run_scoped3A = tpu.sem_alloc : memref<!tpu.dma_semaphore, #tpu.memory_space<semaphore_mem>>
        %dma_start3A_173 = arith.constant 0 : i32
        %dma_start3A_174 = tpu.memref_slice %arg5[%add3A_172, %dma_start3A_173] : memref<20000x128xf32, #tpu.memory_space<hbm>> -> memref<16x128xf32, #tpu.memory_space<hbm>>
        %dma_start3A_175 = arith.constant 9984 : i32
        %dma_start3A_176 = arith.constant 0 : i32
        %dma_start3A_177 = tpu.memref_slice %arg13[%dma_start3A_175, %dma_start3A_176] : memref<10112x128xf32, #tpu.memory_space<vmem_shared>> -> memref<16x128xf32, #tpu.memory_space<vmem_shared>>
        tpu.enqueue_dma source(%dma_start3A_177 : memref<16x128xf32, #tpu.memory_space<vmem_shared>>) target(%dma_start3A_174 : memref<16x128xf32, #tpu.memory_space<hbm>>) target_semaphore(%run_scoped3A : memref<!tpu.dma_semaphore, #tpu.memory_space<semaphore_mem>>)
        %dma_wait3A = arith.constant 0 : i32
        %dma_wait3A_178 = tpu.memref_slice %arg5[%add3A_172, %dma_wait3A] : memref<20000x128xf32, #tpu.memory_space<hbm>> -> memref<16x128xf32, #tpu.memory_space<hbm>>
        %dma_wait3A_179 = arith.constant 9984 : i32
        %dma_wait3A_180 = arith.constant 0 : i32
        %dma_wait3A_181 = tpu.memref_slice %arg13[%dma_wait3A_179, %dma_wait3A_180] : memref<10112x128xf32, #tpu.memory_space<vmem_shared>> -> memref<16x128xf32, #tpu.memory_space<vmem_shared>>
        tpu.wait_dma2 semaphore(%run_scoped3A : memref<!tpu.dma_semaphore, #tpu.memory_space<semaphore_mem>>) src(%dma_wait3A_181 : memref<16x128xf32, #tpu.memory_space<vmem_shared>>) dst(%dma_wait3A_178 : memref<16x128xf32, #tpu.memory_space<hbm>>)
        tpu.yield
      }) : () -> ()
    } else {
    }
    return
  }
}

#map = affine_map<(d0, d1) -> (0, 0)>
#map1 = affine_map<(d0, d1) -> (0, 0, 0)>
module attributes {stable_mosaic.version = 14 : i64} {
  func.func @k(%arg0: i32, %arg1: i32, %arg2: memref<10000x128xf32, #tpu.memory_space<hbm>>, %arg3: memref<32x80x128xi32, #tpu.memory_space<hbm>>, %arg4: memref<10112x128xf32, #tpu.memory_space<hbm>>, %arg5: memref<20000x128xf32, #tpu.memory_space<hbm>>, %arg6: memref<80x128xi32, #tpu.memory_space<vmem>>, %arg7: memref<128xi32, #tpu.memory_space<vmem>>, %arg8: memref<128xi32, #tpu.memory_space<vmem>>, %arg9: memref<128xi32, #tpu.memory_space<vmem>>, %arg10: memref<128xi32, #tpu.memory_space<vmem>>, %arg11: memref<128x128xf32, #tpu.memory_space<vmem>>, %arg12: memref<128x128xf32, #tpu.memory_space<vmem>>, %arg13: memref<10112x128xf32, #tpu.memory_space<vmem_shared>>, %arg14: memref<!tpu.dma_semaphore, #tpu.memory_space<semaphore_mem>>, %arg15: memref<!tpu.dma_semaphore, #tpu.memory_space<semaphore_mem>>) attributes {dimension_semantics = [#tpu.dimension_semantics<core_parallel>, #tpu.dimension_semantics<subcore_parallel>], iteration_bounds = array<i64: 2, 16>, scalar_prefetch = 0 : i64, scratch_operands = 10 : i64, tpu.core_type = #tpu.core_type<sc_vector_subcore>, window_params = [{transform_indices = #map}, {transform_indices = #map1}, {transform_indices = #map}, {transform_indices = #map}]} {
    %mul3A = arith.constant 2 : i32
    %mul3A_0 = arith.muli %arg1, %mul3A : i32
    %add3A = arith.addi %mul3A_0, %arg0 : i32
    "tpu.region"() ({
      %run_scoped3A = tpu.sem_alloc : memref<!tpu.dma_semaphore, #tpu.memory_space<semaphore_mem>>
      %dma_start3A_169 = arith.constant 0 : i32
      %dma_start3A_170 = arith.constant 0 : i32
      %dma_start3A_171 = tpu.memref_slice %arg3[%add3A, %dma_start3A_169, %dma_start3A_170] : memref<32x80x128xi32, #tpu.memory_space<hbm>> -> memref<1x80x128xi32, #tpu.memory_space<hbm>>
      %dma_start3A_172 = tpu.memref_squeeze %dma_start3A_171 : memref<1x80x128xi32, #tpu.memory_space<hbm>> -> memref<80x128xi32, #tpu.memory_space<hbm>>
      %dma_start3A_173 = arith.constant 0 : i32
      %dma_start3A_174 = arith.constant 0 : i32
      %dma_start3A_175 = tpu.memref_slice %arg3[%add3A, %dma_start3A_173, %dma_start3A_174] : memref<32x80x128xi32, #tpu.memory_space<hbm>> -> memref<1x80x128xi32, #tpu.memory_space<hbm>>
      %dma_start3A_176 = tpu.memref_squeeze %dma_start3A_175 : memref<1x80x128xi32, #tpu.memory_space<hbm>> -> memref<80x128xi32, #tpu.memory_space<hbm>>
      tpu.enqueue_dma source(%dma_start3A_176 : memref<80x128xi32, #tpu.memory_space<hbm>>) target(%arg6 : memref<80x128xi32, #tpu.memory_space<vmem>>) target_semaphore(%run_scoped3A : memref<!tpu.dma_semaphore, #tpu.memory_space<semaphore_mem>>)
      %dma_wait3A = arith.constant 0 : i32
      %dma_wait3A_177 = arith.constant 0 : i32
      %dma_wait3A_178 = tpu.memref_slice %arg3[%add3A, %dma_wait3A, %dma_wait3A_177] : memref<32x80x128xi32, #tpu.memory_space<hbm>> -> memref<1x80x128xi32, #tpu.memory_space<hbm>>
      %dma_wait3A_179 = tpu.memref_squeeze %dma_wait3A_178 : memref<1x80x128xi32, #tpu.memory_space<hbm>> -> memref<80x128xi32, #tpu.memory_space<hbm>>
      %dma_wait3A_180 = arith.constant 0 : i32
      %dma_wait3A_181 = arith.constant 0 : i32
      %dma_wait3A_182 = tpu.memref_slice %arg3[%add3A, %dma_wait3A_180, %dma_wait3A_181] : memref<32x80x128xi32, #tpu.memory_space<hbm>> -> memref<1x80x128xi32, #tpu.memory_space<hbm>>
      %dma_wait3A_183 = tpu.memref_squeeze %dma_wait3A_182 : memref<1x80x128xi32, #tpu.memory_space<hbm>> -> memref<80x128xi32, #tpu.memory_space<hbm>>
      tpu.wait_dma2 semaphore(%run_scoped3A : memref<!tpu.dma_semaphore, #tpu.memory_space<semaphore_mem>>) src(%dma_wait3A_183 : memref<80x128xi32, #tpu.memory_space<hbm>>) dst(%arg6 : memref<80x128xi32, #tpu.memory_space<vmem>>)
      tpu.yield
    }) : () -> ()
    %get3A = arith.constant 0 : i32
    %get3A_1 = arith.index_cast %get3A : i32 to index
    %get3A_2 = arith.constant 0 : index
    %get3A_3 = tpu.vector_load %arg6[%get3A_1, %get3A_2] {strides = array<i32>} : memref<80x128xi32, #tpu.memory_space<vmem>>, vector<1x16xi32>,
    %get3A_4 = vector.shape_cast %get3A_3 : vector<1x16xi32> to vector<16xi32>
    %and3A = arith.constant 65535 : i32
    %and3A_5 = vector.broadcast %and3A : i32 to vector<16xi32>
    %and3A_6 = arith.andi %get3A_4, %and3A_5 : vector<16xi32>
    %swap3A = arith.constant 0 : index
    %swap3A_7 = tpu.vector_load %arg7[%swap3A] {strides = array<i32>} : memref<128xi32, #tpu.memory_space<vmem>>, vector<16xi32>,
    %swap3A_8 = vector.shape_cast %swap3A_7 : vector<16xi32> to vector<16xi32>
    %swap3A_9 = vector.shape_cast %and3A_6 : vector<16xi32> to vector<16xi32>
    tpu.vector_store %arg7[%swap3A], %swap3A_9 {strides = array<i32>} : memref<128xi32, #tpu.memory_space<vmem>>, vector<16xi32>,
    %shift_right_logical3A = arith.constant 16 : i32
    %shift_right_logical3A_10 = vector.broadcast %shift_right_logical3A : i32 to vector<16xi32>
    %shift_right_logical3A_11 = arith.shrui %get3A_4, %shift_right_logical3A_10 : vector<16xi32>
    %swap3A_12 = arith.constant 0 : index
    %swap3A_13 = tpu.vector_load %arg9[%swap3A_12] {strides = array<i32>} : memref<128xi32, #tpu.memory_space<vmem>>, vector<16xi32>,
    %swap3A_14 = vector.shape_cast %swap3A_13 : vector<16xi32> to vector<16xi32>
    %swap3A_15 = vector.shape_cast %shift_right_logical3A_11 : vector<16xi32> to vector<16xi32>
    tpu.vector_store %arg9[%swap3A_12], %swap3A_15 {strides = array<i32>} : memref<128xi32, #tpu.memory_space<vmem>>, vector<16xi32>,
    %get3A_16 = arith.constant 0 : i32
    %get3A_17 = arith.index_cast %get3A_16 : i32 to index
    %get3A_18 = arith.constant 16 : index
    %get3A_19 = tpu.vector_load %arg6[%get3A_17, %get3A_18] {strides = array<i32>} : memref<80x128xi32, #tpu.memory_space<vmem>>, vector<1x16xi32>,
    %get3A_20 = vector.shape_cast %get3A_19 : vector<1x16xi32> to vector<16xi32>
    %and3A_21 = arith.constant 65535 : i32
    %and3A_22 = vector.broadcast %and3A_21 : i32 to vector<16xi32>
    %and3A_23 = arith.andi %get3A_20, %and3A_22 : vector<16xi32>
    %swap3A_24 = arith.constant 16 : index
    %swap3A_25 = tpu.vector_load %arg7[%swap3A_24] {strides = array<i32>} : memref<128xi32, #tpu.memory_space<vmem>>, vector<16xi32>,
    %swap3A_26 = vector.shape_cast %swap3A_25 : vector<16xi32> to vector<16xi32>
    %swap3A_27 = vector.shape_cast %and3A_23 : vector<16xi32> to vector<16xi32>
    tpu.vector_store %arg7[%swap3A_24], %swap3A_27 {strides = array<i32>} : memref<128xi32, #tpu.memory_space<vmem>>, vector<16xi32>,
    %shift_right_logical3A_28 = arith.constant 16 : i32
    %shift_right_logical3A_29 = vector.broadcast %shift_right_logical3A_28 : i32 to vector<16xi32>
    %shift_right_logical3A_30 = arith.shrui %get3A_20, %shift_right_logical3A_29 : vector<16xi32>
    %swap3A_31 = arith.constant 16 : index
    %swap3A_32 = tpu.vector_load %arg9[%swap3A_31] {strides = array<i32>} : memref<128xi32, #tpu.memory_space<vmem>>, vector<16xi32>,
    %swap3A_33 = vector.shape_cast %swap3A_32 : vector<16xi32> to vector<16xi32>
    %swap3A_34 = vector.shape_cast %shift_right_logical3A_30 : vector<16xi32> to vector<16xi32>
    tpu.vector_store %arg9[%swap3A_31], %swap3A_34 {strides = array<i32>} : memref<128xi32, #tpu.memory_space<vmem>>, vector<16xi32>,
    %get3A_35 = arith.constant 0 : i32
    %get3A_36 = arith.index_cast %get3A_35 : i32 to index
    %get3A_37 = arith.constant 32 : index
    %get3A_38 = tpu.vector_load %arg6[%get3A_36, %get3A_37] {strides = array<i32>} : memref<80x128xi32, #tpu.memory_space<vmem>>, vector<1x16xi32>,
    %get3A_39 = vector.shape_cast %get3A_38 : vector<1x16xi32> to vector<16xi32>
    %and3A_40 = arith.constant 65535 : i32
    %and3A_41 = vector.broadcast %and3A_40 : i32 to vector<16xi32>
    %and3A_42 = arith.andi %get3A_39, %and3A_41 : vector<16xi32>
    %swap3A_43 = arith.constant 32 : index
    %swap3A_44 = tpu.vector_load %arg7[%swap3A_43] {strides = array<i32>} : memref<128xi32, #tpu.memory_space<vmem>>, vector<16xi32>,
    %swap3A_45 = vector.shape_cast %swap3A_44 : vector<16xi32> to vector<16xi32>
    %swap3A_46 = vector.shape_cast %and3A_42 : vector<16xi32> to vector<16xi32>
    tpu.vector_store %arg7[%swap3A_43], %swap3A_46 {strides = array<i32>} : memref<128xi32, #tpu.memory_space<vmem>>, vector<16xi32>,
    %shift_right_logical3A_47 = arith.constant 16 : i32
    %shift_right_logical3A_48 = vector.broadcast %shift_right_logical3A_47 : i32 to vector<16xi32>
    %shift_right_logical3A_49 = arith.shrui %get3A_39, %shift_right_logical3A_48 : vector<16xi32>
    %swap3A_50 = arith.constant 32 : index
    %swap3A_51 = tpu.vector_load %arg9[%swap3A_50] {strides = array<i32>} : memref<128xi32, #tpu.memory_space<vmem>>, vector<16xi32>,
    %swap3A_52 = vector.shape_cast %swap3A_51 : vector<16xi32> to vector<16xi32>
    %swap3A_53 = vector.shape_cast %shift_right_logical3A_49 : vector<16xi32> to vector<16xi32>
    tpu.vector_store %arg9[%swap3A_50], %swap3A_53 {strides = array<i32>} : memref<128xi32, #tpu.memory_space<vmem>>, vector<16xi32>,
    %get3A_54 = arith.constant 0 : i32
    %get3A_55 = arith.index_cast %get3A_54 : i32 to index
    %get3A_56 = arith.constant 48 : index
    %get3A_57 = tpu.vector_load %arg6[%get3A_55, %get3A_56] {strides = array<i32>} : memref<80x128xi32, #tpu.memory_space<vmem>>, vector<1x16xi32>,
    %get3A_58 = vector.shape_cast %get3A_57 : vector<1x16xi32> to vector<16xi32>
    %and3A_59 = arith.constant 65535 : i32
    %and3A_60 = vector.broadcast %and3A_59 : i32 to vector<16xi32>
    %and3A_61 = arith.andi %get3A_58, %and3A_60 : vector<16xi32>
    %swap3A_62 = arith.constant 48 : index
    %swap3A_63 = tpu.vector_load %arg7[%swap3A_62] {strides = array<i32>} : memref<128xi32, #tpu.memory_space<vmem>>, vector<16xi32>,
    %swap3A_64 = vector.shape_cast %swap3A_63 : vector<16xi32> to vector<16xi32>
    %swap3A_65 = vector.shape_cast %and3A_61 : vector<16xi32> to vector<16xi32>
    tpu.vector_store %arg7[%swap3A_62], %swap3A_65 {strides = array<i32>} : memref<128xi32, #tpu.memory_space<vmem>>, vector<16xi32>,
    %shift_right_logical3A_66 = arith.constant 16 : i32
    %shift_right_logical3A_67 = vector.broadcast %shift_right_logical3A_66 : i32 to vector<16xi32>
    %shift_right_logical3A_68 = arith.shrui %get3A_58, %shift_right_logical3A_67 : vector<16xi32>
    %swap3A_69 = arith.constant 48 : index
    %swap3A_70 = tpu.vector_load %arg9[%swap3A_69] {strides = array<i32>} : memref<128xi32, #tpu.memory_space<vmem>>, vector<16xi32>,
    %swap3A_71 = vector.shape_cast %swap3A_70 : vector<16xi32> to vector<16xi32>
    %swap3A_72 = vector.shape_cast %shift_right_logical3A_68 : vector<16xi32> to vector<16xi32>
    tpu.vector_store %arg9[%swap3A_69], %swap3A_72 {strides = array<i32>} : memref<128xi32, #tpu.memory_space<vmem>>, vector<16xi32>,
    %get3A_73 = arith.constant 0 : i32
    %get3A_74 = arith.index_cast %get3A_73 : i32 to index
    %get3A_75 = arith.constant 64 : index
    %get3A_76 = tpu.vector_load %arg6[%get3A_74, %get3A_75] {strides = array<i32>} : memref<80x128xi32, #tpu.memory_space<vmem>>, vector<1x16xi32>,
    %get3A_77 = vector.shape_cast %get3A_76 : vector<1x16xi32> to vector<16xi32>
    %and3A_78 = arith.constant 65535 : i32
    %and3A_79 = vector.broadcast %and3A_78 : i32 to vector<16xi32>
    %and3A_80 = arith.andi %get3A_77, %and3A_79 : vector<16xi32>
    %swap3A_81 = arith.constant 64 : index
    %swap3A_82 = tpu.vector_load %arg7[%swap3A_81] {strides = array<i32>} : memref<128xi32, #tpu.memory_space<vmem>>, vector<16xi32>,
    %swap3A_83 = vector.shape_cast %swap3A_82 : vector<16xi32> to vector<16xi32>
    %swap3A_84 = vector.shape_cast %and3A_80 : vector<16xi32> to vector<16xi32>
    tpu.vector_store %arg7[%swap3A_81], %swap3A_84 {strides = array<i32>} : memref<128xi32, #tpu.memory_space<vmem>>, vector<16xi32>,
    %shift_right_logical3A_85 = arith.constant 16 : i32
    %shift_right_logical3A_86 = vector.broadcast %shift_right_logical3A_85 : i32 to vector<16xi32>
    %shift_right_logical3A_87 = arith.shrui %get3A_77, %shift_right_logical3A_86 : vector<16xi32>
    %swap3A_88 = arith.constant 64 : index
    %swap3A_89 = tpu.vector_load %arg9[%swap3A_88] {strides = array<i32>} : memref<128xi32, #tpu.memory_space<vmem>>, vector<16xi32>,
    %swap3A_90 = vector.shape_cast %swap3A_89 : vector<16xi32> to vector<16xi32>
    %swap3A_91 = vector.shape_cast %shift_right_logical3A_87 : vector<16xi32> to vector<16xi32>
    tpu.vector_store %arg9[%swap3A_88], %swap3A_91 {strides = array<i32>} : memref<128xi32, #tpu.memory_space<vmem>>, vector<16xi32>,
    %get3A_92 = arith.constant 0 : i32
    %get3A_93 = arith.index_cast %get3A_92 : i32 to index
    %get3A_94 = arith.constant 80 : index
    %get3A_95 = tpu.vector_load %arg6[%get3A_93, %get3A_94] {strides = array<i32>} : memref<80x128xi32, #tpu.memory_space<vmem>>, vector<1x16xi32>,
    %get3A_96 = vector.shape_cast %get3A_95 : vector<1x16xi32> to vector<16xi32>
    %and3A_97 = arith.constant 65535 : i32
    %and3A_98 = vector.broadcast %and3A_97 : i32 to vector<16xi32>
    %and3A_99 = arith.andi %get3A_96, %and3A_98 : vector<16xi32>
    %swap3A_100 = arith.constant 80 : index
    %swap3A_101 = tpu.vector_load %arg7[%swap3A_100] {strides = array<i32>} : memref<128xi32, #tpu.memory_space<vmem>>, vector<16xi32>,
    %swap3A_102 = vector.shape_cast %swap3A_101 : vector<16xi32> to vector<16xi32>
    %swap3A_103 = vector.shape_cast %and3A_99 : vector<16xi32> to vector<16xi32>
    tpu.vector_store %arg7[%swap3A_100], %swap3A_103 {strides = array<i32>} : memref<128xi32, #tpu.memory_space<vmem>>, vector<16xi32>,
    %shift_right_logical3A_104 = arith.constant 16 : i32
    %shift_right_logical3A_105 = vector.broadcast %shift_right_logical3A_104 : i32 to vector<16xi32>
    %shift_right_logical3A_106 = arith.shrui %get3A_96, %shift_right_logical3A_105 : vector<16xi32>
    %swap3A_107 = arith.constant 80 : index
    %swap3A_108 = tpu.vector_load %arg9[%swap3A_107] {strides = array<i32>} : memref<128xi32, #tpu.memory_space<vmem>>, vector<16xi32>,
    %swap3A_109 = vector.shape_cast %swap3A_108 : vector<16xi32> to vector<16xi32>
    %swap3A_110 = vector.shape_cast %shift_right_logical3A_106 : vector<16xi32> to vector<16xi32>
    tpu.vector_store %arg9[%swap3A_107], %swap3A_110 {strides = array<i32>} : memref<128xi32, #tpu.memory_space<vmem>>, vector<16xi32>,
    %get3A_111 = arith.constant 0 : i32
    %get3A_112 = arith.index_cast %get3A_111 : i32 to index
    %get3A_113 = arith.constant 96 : index
    %get3A_114 = tpu.vector_load %arg6[%get3A_112, %get3A_113] {strides = array<i32>} : memref<80x128xi32, #tpu.memory_space<vmem>>, vector<1x16xi32>,
    %get3A_115 = vector.shape_cast %get3A_114 : vector<1x16xi32> to vector<16xi32>
    %and3A_116 = arith.constant 65535 : i32
    %and3A_117 = vector.broadcast %and3A_116 : i32 to vector<16xi32>
    %and3A_118 = arith.andi %get3A_115, %and3A_117 : vector<16xi32>
    %swap3A_119 = arith.constant 96 : index
    %swap3A_120 = tpu.vector_load %arg7[%swap3A_119] {strides = array<i32>} : memref<128xi32, #tpu.memory_space<vmem>>, vector<16xi32>,
    %swap3A_121 = vector.shape_cast %swap3A_120 : vector<16xi32> to vector<16xi32>
    %swap3A_122 = vector.shape_cast %and3A_118 : vector<16xi32> to vector<16xi32>
    tpu.vector_store %arg7[%swap3A_119], %swap3A_122 {strides = array<i32>} : memref<128xi32, #tpu.memory_space<vmem>>, vector<16xi32>,
    %shift_right_logical3A_123 = arith.constant 16 : i32
    %shift_right_logical3A_124 = vector.broadcast %shift_right_logical3A_123 : i32 to vector<16xi32>
    %shift_right_logical3A_125 = arith.shrui %get3A_115, %shift_right_logical3A_124 : vector<16xi32>
    %swap3A_126 = arith.constant 96 : index
    %swap3A_127 = tpu.vector_load %arg9[%swap3A_126] {strides = array<i32>} : memref<128xi32, #tpu.memory_space<vmem>>, vector<16xi32>,
    %swap3A_128 = vector.shape_cast %swap3A_127 : vector<16xi32> to vector<16xi32>
    %swap3A_129 = vector.shape_cast %shift_right_logical3A_125 : vector<16xi32> to vector<16xi32>
    tpu.vector_store %arg9[%swap3A_126], %swap3A_129 {strides = array<i32>} : memref<128xi32, #tpu.memory_space<vmem>>, vector<16xi32>,
    %get3A_130 = arith.constant 0 : i32
    %get3A_131 = arith.index_cast %get3A_130 : i32 to index
    %get3A_132 = arith.constant 112 : index
    %get3A_133 = tpu.vector_load %arg6[%get3A_131, %get3A_132] {strides = array<i32>} : memref<80x128xi32, #tpu.memory_space<vmem>>, vector<1x16xi32>,
    %get3A_134 = vector.shape_cast %get3A_133 : vector<1x16xi32> to vector<16xi32>
    %and3A_135 = arith.constant 65535 : i32
    %and3A_136 = vector.broadcast %and3A_135 : i32 to vector<16xi32>
    %and3A_137 = arith.andi %get3A_134, %and3A_136 : vector<16xi32>
    %swap3A_138 = arith.constant 112 : index
    %swap3A_139 = tpu.vector_load %arg7[%swap3A_138] {strides = array<i32>} : memref<128xi32, #tpu.memory_space<vmem>>, vector<16xi32>,
    %swap3A_140 = vector.shape_cast %swap3A_139 : vector<16xi32> to vector<16xi32>
    %swap3A_141 = vector.shape_cast %and3A_137 : vector<16xi32> to vector<16xi32>
    tpu.vector_store %arg7[%swap3A_138], %swap3A_141 {strides = array<i32>} : memref<128xi32, #tpu.memory_space<vmem>>, vector<16xi32>,
    %shift_right_logical3A_142 = arith.constant 16 : i32
    %shift_right_logical3A_143 = vector.broadcast %shift_right_logical3A_142 : i32 to vector<16xi32>
    %shift_right_logical3A_144 = arith.shrui %get3A_134, %shift_right_logical3A_143 : vector<16xi32>
    %swap3A_145 = arith.constant 112 : index
    %swap3A_146 = tpu.vector_load %arg9[%swap3A_145] {strides = array<i32>} : memref<128xi32, #tpu.memory_space<vmem>>, vector<16xi32>,
    %swap3A_147 = vector.shape_cast %swap3A_146 : vector<16xi32> to vector<16xi32>
    %swap3A_148 = vector.shape_cast %shift_right_logical3A_144 : vector<16xi32> to vector<16xi32>
    tpu.vector_store %arg9[%swap3A_145], %swap3A_148 {strides = array<i32>} : memref<128xi32, #tpu.memory_space<vmem>>, vector<16xi32>,
    %dma_start3A = arith.constant 0 : i32
    %dma_start3A_149 = arith.constant 0 : i32
    %dma_start3A_150 = tpu.memref_slice %arg2[%dma_start3A, %dma_start3A_149] : memref<10000x128xf32, #tpu.memory_space<hbm>> -> memref<10000x128xf32, #tpu.memory_space<hbm>>
    tpu.enqueue_indirect_dma source(%dma_start3A_150 : memref<10000x128xf32, #tpu.memory_space<hbm>>) target(%arg11 : memref<128x128xf32, #tpu.memory_space<vmem>>) offsets(%arg7 : memref<128xi32, #tpu.memory_space<vmem>>) semaphore(%arg14 : memref<!tpu.dma_semaphore, #tpu.memory_space<semaphore_mem>>)
    %mul3A_151 = arith.constant 632 : i32
    %mul3A_152 = arith.muli %arg1, %mul3A_151 : i32
    %mul3A_153 = arith.constant 632 : i32
    %mul3A_154 = arith.muli %arg1, %mul3A_153 : i32
    "tpu.region"() ({
      %run_scoped3A = tpu.sem_alloc : memref<!tpu.dma_semaphore, #tpu.memory_space<semaphore_mem>>
      %dma_start3A_169 = arith.constant 0 : i32
      %dma_start3A_170 = tpu.memref_slice %arg13[%mul3A_154, %dma_start3A_169] : memref<10112x128xf32, #tpu.memory_space<vmem_shared>> -> memref<632x128xf32, #tpu.memory_space<vmem_shared>>
      %dma_start3A_171 = arith.constant 0 : i32
      %dma_start3A_172 = tpu.memref_slice %arg4[%mul3A_152, %dma_start3A_171] : memref<10112x128xf32, #tpu.memory_space<hbm>> -> memref<632x128xf32, #tpu.memory_space<hbm>>
      tpu.enqueue_dma source(%dma_start3A_172 : memref<632x128xf32, #tpu.memory_space<hbm>>) target(%dma_start3A_170 : memref<632x128xf32, #tpu.memory_space<vmem_shared>>) target_semaphore(%run_scoped3A : memref<!tpu.dma_semaphore, #tpu.memory_space<semaphore_mem>>)
      %dma_wait3A = arith.constant 0 : i32
      %dma_wait3A_173 = tpu.memref_slice %arg13[%mul3A_154, %dma_wait3A] : memref<10112x128xf32, #tpu.memory_space<vmem_shared>> -> memref<632x128xf32, #tpu.memory_space<vmem_shared>>
      %dma_wait3A_174 = arith.constant 0 : i32
      %dma_wait3A_175 = tpu.memref_slice %arg4[%mul3A_152, %dma_wait3A_174] : memref<10112x128xf32, #tpu.memory_space<hbm>> -> memref<632x128xf32, #tpu.memory_space<hbm>>
      tpu.wait_dma2 semaphore(%run_scoped3A : memref<!tpu.dma_semaphore, #tpu.memory_space<semaphore_mem>>) src(%dma_wait3A_175 : memref<632x128xf32, #tpu.memory_space<hbm>>) dst(%dma_wait3A_173 : memref<632x128xf32, #tpu.memory_space<vmem_shared>>)
      tpu.yield
    }) : () -> ()
    %barrier3A = arith.constant 0 : index
    tpu.barrier barrier_id(%barrier3A)
    %scan3A = arith.constant 0 : i32
    %scan3A_155 = arith.constant 40 : i32
    %scan3A_156 = arith.addi %scan3A, %scan3A_155 : i32
    %scan3A_157 = arith.constant 1 : i32
    scf.for %scan3A_169 = %scan3A to %scan3A_156 step %scan3A_157  : i32 {
      %mul3A_170 = arith.constant 1 : i32
      %mul3A_171 = arith.muli %scan3A_169, %mul3A_170 : i32
      %add3A_172 = arith.constant 0 : i32
      %add3A_173 = arith.addi %add3A_172, %mul3A_171 : i32
      %mul3A_174 = arith.constant 2 : i32
      %mul3A_175 = arith.muli %mul3A_174, %add3A_173 : i32
      %add3A_176 = arith.constant 1 : i32
      %add3A_177 = arith.addi %mul3A_175, %add3A_176 : i32
      %get3A_178 = arith.index_cast %add3A_177 : i32 to index
      %get3A_179 = arith.constant 0 : index
      %get3A_180 = tpu.vector_load %arg6[%get3A_178, %get3A_179] {strides = array<i32>} : memref<80x128xi32, #tpu.memory_space<vmem>>, vector<1x16xi32>,
      %get3A_181 = vector.shape_cast %get3A_180 : vector<1x16xi32> to vector<16xi32>
      %and3A_182 = arith.constant 65535 : i32
      %and3A_183 = vector.broadcast %and3A_182 : i32 to vector<16xi32>
      %and3A_184 = arith.andi %get3A_181, %and3A_183 : vector<16xi32>
      %swap3A_185 = arith.constant 0 : index
      %swap3A_186 = tpu.vector_load %arg8[%swap3A_185] {strides = array<i32>} : memref<128xi32, #tpu.memory_space<vmem>>, vector<16xi32>,
      %swap3A_187 = vector.shape_cast %swap3A_186 : vector<16xi32> to vector<16xi32>
      %swap3A_188 = vector.shape_cast %and3A_184 : vector<16xi32> to vector<16xi32>
      tpu.vector_store %arg8[%swap3A_185], %swap3A_188 {strides = array<i32>} : memref<128xi32, #tpu.memory_space<vmem>>, vector<16xi32>,
      %shift_right_logical3A_189 = arith.constant 16 : i32
      %shift_right_logical3A_190 = vector.broadcast %shift_right_logical3A_189 : i32 to vector<16xi32>
      %shift_right_logical3A_191 = arith.shrui %get3A_181, %shift_right_logical3A_190 : vector<16xi32>
      %swap3A_192 = arith.constant 0 : index
      %swap3A_193 = tpu.vector_load %arg10[%swap3A_192] {strides = array<i32>} : memref<128xi32, #tpu.memory_space<vmem>>, vector<16xi32>,
      %swap3A_194 = vector.shape_cast %swap3A_193 : vector<16xi32> to vector<16xi32>
      %swap3A_195 = vector.shape_cast %shift_right_logical3A_191 : vector<16xi32> to vector<16xi32>
      tpu.vector_store %arg10[%swap3A_192], %swap3A_195 {strides = array<i32>} : memref<128xi32, #tpu.memory_space<vmem>>, vector<16xi32>,
      %get3A_196 = arith.index_cast %add3A_177 : i32 to index
      %get3A_197 = arith.constant 16 : index
      %get3A_198 = tpu.vector_load %arg6[%get3A_196, %get3A_197] {strides = array<i32>} : memref<80x128xi32, #tpu.memory_space<vmem>>, vector<1x16xi32>,
      %get3A_199 = vector.shape_cast %get3A_198 : vector<1x16xi32> to vector<16xi32>
      %and3A_200 = arith.constant 65535 : i32
      %and3A_201 = vector.broadcast %and3A_200 : i32 to vector<16xi32>
      %and3A_202 = arith.andi %get3A_199, %and3A_201 : vector<16xi32>
      %swap3A_203 = arith.constant 16 : index
      %swap3A_204 = tpu.vector_load %arg8[%swap3A_203] {strides = array<i32>} : memref<128xi32, #tpu.memory_space<vmem>>, vector<16xi32>,
      %swap3A_205 = vector.shape_cast %swap3A_204 : vector<16xi32> to vector<16xi32>
      %swap3A_206 = vector.shape_cast %and3A_202 : vector<16xi32> to vector<16xi32>
      tpu.vector_store %arg8[%swap3A_203], %swap3A_206 {strides = array<i32>} : memref<128xi32, #tpu.memory_space<vmem>>, vector<16xi32>,
      %shift_right_logical3A_207 = arith.constant 16 : i32
      %shift_right_logical3A_208 = vector.broadcast %shift_right_logical3A_207 : i32 to vector<16xi32>
      %shift_right_logical3A_209 = arith.shrui %get3A_199, %shift_right_logical3A_208 : vector<16xi32>
      %swap3A_210 = arith.constant 16 : index
      %swap3A_211 = tpu.vector_load %arg10[%swap3A_210] {strides = array<i32>} : memref<128xi32, #tpu.memory_space<vmem>>, vector<16xi32>,
      %swap3A_212 = vector.shape_cast %swap3A_211 : vector<16xi32> to vector<16xi32>
      %swap3A_213 = vector.shape_cast %shift_right_logical3A_209 : vector<16xi32> to vector<16xi32>
      tpu.vector_store %arg10[%swap3A_210], %swap3A_213 {strides = array<i32>} : memref<128xi32, #tpu.memory_space<vmem>>, vector<16xi32>,
      %get3A_214 = arith.index_cast %add3A_177 : i32 to index
      %get3A_215 = arith.constant 32 : index
      %get3A_216 = tpu.vector_load %arg6[%get3A_214, %get3A_215] {strides = array<i32>} : memref<80x128xi32, #tpu.memory_space<vmem>>, vector<1x16xi32>,
      %get3A_217 = vector.shape_cast %get3A_216 : vector<1x16xi32> to vector<16xi32>
      %and3A_218 = arith.constant 65535 : i32
      %and3A_219 = vector.broadcast %and3A_218 : i32 to vector<16xi32>
      %and3A_220 = arith.andi %get3A_217, %and3A_219 : vector<16xi32>
      %swap3A_221 = arith.constant 32 : index
      %swap3A_222 = tpu.vector_load %arg8[%swap3A_221] {strides = array<i32>} : memref<128xi32, #tpu.memory_space<vmem>>, vector<16xi32>,
      %swap3A_223 = vector.shape_cast %swap3A_222 : vector<16xi32> to vector<16xi32>
      %swap3A_224 = vector.shape_cast %and3A_220 : vector<16xi32> to vector<16xi32>
      tpu.vector_store %arg8[%swap3A_221], %swap3A_224 {strides = array<i32>} : memref<128xi32, #tpu.memory_space<vmem>>, vector<16xi32>,
      %shift_right_logical3A_225 = arith.constant 16 : i32
      %shift_right_logical3A_226 = vector.broadcast %shift_right_logical3A_225 : i32 to vector<16xi32>
      %shift_right_logical3A_227 = arith.shrui %get3A_217, %shift_right_logical3A_226 : vector<16xi32>
      %swap3A_228 = arith.constant 32 : index
      %swap3A_229 = tpu.vector_load %arg10[%swap3A_228] {strides = array<i32>} : memref<128xi32, #tpu.memory_space<vmem>>, vector<16xi32>,
      %swap3A_230 = vector.shape_cast %swap3A_229 : vector<16xi32> to vector<16xi32>
      %swap3A_231 = vector.shape_cast %shift_right_logical3A_227 : vector<16xi32> to vector<16xi32>
      tpu.vector_store %arg10[%swap3A_228], %swap3A_231 {strides = array<i32>} : memref<128xi32, #tpu.memory_space<vmem>>, vector<16xi32>,
      %get3A_232 = arith.index_cast %add3A_177 : i32 to index
      %get3A_233 = arith.constant 48 : index
      %get3A_234 = tpu.vector_load %arg6[%get3A_232, %get3A_233] {strides = array<i32>} : memref<80x128xi32, #tpu.memory_space<vmem>>, vector<1x16xi32>,
      %get3A_235 = vector.shape_cast %get3A_234 : vector<1x16xi32> to vector<16xi32>
      %and3A_236 = arith.constant 65535 : i32
      %and3A_237 = vector.broadcast %and3A_236 : i32 to vector<16xi32>
      %and3A_238 = arith.andi %get3A_235, %and3A_237 : vector<16xi32>
      %swap3A_239 = arith.constant 48 : index
      %swap3A_240 = tpu.vector_load %arg8[%swap3A_239] {strides = array<i32>} : memref<128xi32, #tpu.memory_space<vmem>>, vector<16xi32>,
      %swap3A_241 = vector.shape_cast %swap3A_240 : vector<16xi32> to vector<16xi32>
      %swap3A_242 = vector.shape_cast %and3A_238 : vector<16xi32> to vector<16xi32>
      tpu.vector_store %arg8[%swap3A_239], %swap3A_242 {strides = array<i32>} : memref<128xi32, #tpu.memory_space<vmem>>, vector<16xi32>,
      %shift_right_logical3A_243 = arith.constant 16 : i32
      %shift_right_logical3A_244 = vector.broadcast %shift_right_logical3A_243 : i32 to vector<16xi32>
      %shift_right_logical3A_245 = arith.shrui %get3A_235, %shift_right_logical3A_244 : vector<16xi32>
      %swap3A_246 = arith.constant 48 : index
      %swap3A_247 = tpu.vector_load %arg10[%swap3A_246] {strides = array<i32>} : memref<128xi32, #tpu.memory_space<vmem>>, vector<16xi32>,
      %swap3A_248 = vector.shape_cast %swap3A_247 : vector<16xi32> to vector<16xi32>
      %swap3A_249 = vector.shape_cast %shift_right_logical3A_245 : vector<16xi32> to vector<16xi32>
      tpu.vector_store %arg10[%swap3A_246], %swap3A_249 {strides = array<i32>} : memref<128xi32, #tpu.memory_space<vmem>>, vector<16xi32>,
      %get3A_250 = arith.index_cast %add3A_177 : i32 to index
      %get3A_251 = arith.constant 64 : index
      %get3A_252 = tpu.vector_load %arg6[%get3A_250, %get3A_251] {strides = array<i32>} : memref<80x128xi32, #tpu.memory_space<vmem>>, vector<1x16xi32>,
      %get3A_253 = vector.shape_cast %get3A_252 : vector<1x16xi32> to vector<16xi32>
      %and3A_254 = arith.constant 65535 : i32
      %and3A_255 = vector.broadcast %and3A_254 : i32 to vector<16xi32>
      %and3A_256 = arith.andi %get3A_253, %and3A_255 : vector<16xi32>
      %swap3A_257 = arith.constant 64 : index
      %swap3A_258 = tpu.vector_load %arg8[%swap3A_257] {strides = array<i32>} : memref<128xi32, #tpu.memory_space<vmem>>, vector<16xi32>,
      %swap3A_259 = vector.shape_cast %swap3A_258 : vector<16xi32> to vector<16xi32>
      %swap3A_260 = vector.shape_cast %and3A_256 : vector<16xi32> to vector<16xi32>
      tpu.vector_store %arg8[%swap3A_257], %swap3A_260 {strides = array<i32>} : memref<128xi32, #tpu.memory_space<vmem>>, vector<16xi32>,
      %shift_right_logical3A_261 = arith.constant 16 : i32
      %shift_right_logical3A_262 = vector.broadcast %shift_right_logical3A_261 : i32 to vector<16xi32>
      %shift_right_logical3A_263 = arith.shrui %get3A_253, %shift_right_logical3A_262 : vector<16xi32>
      %swap3A_264 = arith.constant 64 : index
      %swap3A_265 = tpu.vector_load %arg10[%swap3A_264] {strides = array<i32>} : memref<128xi32, #tpu.memory_space<vmem>>, vector<16xi32>,
      %swap3A_266 = vector.shape_cast %swap3A_265 : vector<16xi32> to vector<16xi32>
      %swap3A_267 = vector.shape_cast %shift_right_logical3A_263 : vector<16xi32> to vector<16xi32>
      tpu.vector_store %arg10[%swap3A_264], %swap3A_267 {strides = array<i32>} : memref<128xi32, #tpu.memory_space<vmem>>, vector<16xi32>,
      %get3A_268 = arith.index_cast %add3A_177 : i32 to index
      %get3A_269 = arith.constant 80 : index
      %get3A_270 = tpu.vector_load %arg6[%get3A_268, %get3A_269] {strides = array<i32>} : memref<80x128xi32, #tpu.memory_space<vmem>>, vector<1x16xi32>,
      %get3A_271 = vector.shape_cast %get3A_270 : vector<1x16xi32> to vector<16xi32>
      %and3A_272 = arith.constant 65535 : i32
      %and3A_273 = vector.broadcast %and3A_272 : i32 to vector<16xi32>
      %and3A_274 = arith.andi %get3A_271, %and3A_273 : vector<16xi32>
      %swap3A_275 = arith.constant 80 : index
      %swap3A_276 = tpu.vector_load %arg8[%swap3A_275] {strides = array<i32>} : memref<128xi32, #tpu.memory_space<vmem>>, vector<16xi32>,
      %swap3A_277 = vector.shape_cast %swap3A_276 : vector<16xi32> to vector<16xi32>
      %swap3A_278 = vector.shape_cast %and3A_274 : vector<16xi32> to vector<16xi32>
      tpu.vector_store %arg8[%swap3A_275], %swap3A_278 {strides = array<i32>} : memref<128xi32, #tpu.memory_space<vmem>>, vector<16xi32>,
      %shift_right_logical3A_279 = arith.constant 16 : i32
      %shift_right_logical3A_280 = vector.broadcast %shift_right_logical3A_279 : i32 to vector<16xi32>
      %shift_right_logical3A_281 = arith.shrui %get3A_271, %shift_right_logical3A_280 : vector<16xi32>
      %swap3A_282 = arith.constant 80 : index
      %swap3A_283 = tpu.vector_load %arg10[%swap3A_282] {strides = array<i32>} : memref<128xi32, #tpu.memory_space<vmem>>, vector<16xi32>,
      %swap3A_284 = vector.shape_cast %swap3A_283 : vector<16xi32> to vector<16xi32>
      %swap3A_285 = vector.shape_cast %shift_right_logical3A_281 : vector<16xi32> to vector<16xi32>
      tpu.vector_store %arg10[%swap3A_282], %swap3A_285 {strides = array<i32>} : memref<128xi32, #tpu.memory_space<vmem>>, vector<16xi32>,
      %get3A_286 = arith.index_cast %add3A_177 : i32 to index
      %get3A_287 = arith.constant 96 : index
      %get3A_288 = tpu.vector_load %arg6[%get3A_286, %get3A_287] {strides = array<i32>} : memref<80x128xi32, #tpu.memory_space<vmem>>, vector<1x16xi32>,
      %get3A_289 = vector.shape_cast %get3A_288 : vector<1x16xi32> to vector<16xi32>
      %and3A_290 = arith.constant 65535 : i32
      %and3A_291 = vector.broadcast %and3A_290 : i32 to vector<16xi32>
      %and3A_292 = arith.andi %get3A_289, %and3A_291 : vector<16xi32>
      %swap3A_293 = arith.constant 96 : index
      %swap3A_294 = tpu.vector_load %arg8[%swap3A_293] {strides = array<i32>} : memref<128xi32, #tpu.memory_space<vmem>>, vector<16xi32>,
      %swap3A_295 = vector.shape_cast %swap3A_294 : vector<16xi32> to vector<16xi32>
      %swap3A_296 = vector.shape_cast %and3A_292 : vector<16xi32> to vector<16xi32>
      tpu.vector_store %arg8[%swap3A_293], %swap3A_296 {strides = array<i32>} : memref<128xi32, #tpu.memory_space<vmem>>, vector<16xi32>,
      %shift_right_logical3A_297 = arith.constant 16 : i32
      %shift_right_logical3A_298 = vector.broadcast %shift_right_logical3A_297 : i32 to vector<16xi32>
      %shift_right_logical3A_299 = arith.shrui %get3A_289, %shift_right_logical3A_298 : vector<16xi32>
      %swap3A_300 = arith.constant 96 : index
      %swap3A_301 = tpu.vector_load %arg10[%swap3A_300] {strides = array<i32>} : memref<128xi32, #tpu.memory_space<vmem>>, vector<16xi32>,
      %swap3A_302 = vector.shape_cast %swap3A_301 : vector<16xi32> to vector<16xi32>
      %swap3A_303 = vector.shape_cast %shift_right_logical3A_299 : vector<16xi32> to vector<16xi32>
      tpu.vector_store %arg10[%swap3A_300], %swap3A_303 {strides = array<i32>} : memref<128xi32, #tpu.memory_space<vmem>>, vector<16xi32>,
      %get3A_304 = arith.index_cast %add3A_177 : i32 to index
      %get3A_305 = arith.constant 112 : index
      %get3A_306 = tpu.vector_load %arg6[%get3A_304, %get3A_305] {strides = array<i32>} : memref<80x128xi32, #tpu.memory_space<vmem>>, vector<1x16xi32>,
      %get3A_307 = vector.shape_cast %get3A_306 : vector<1x16xi32> to vector<16xi32>
      %and3A_308 = arith.constant 65535 : i32
      %and3A_309 = vector.broadcast %and3A_308 : i32 to vector<16xi32>
      %and3A_310 = arith.andi %get3A_307, %and3A_309 : vector<16xi32>
      %swap3A_311 = arith.constant 112 : index
      %swap3A_312 = tpu.vector_load %arg8[%swap3A_311] {strides = array<i32>} : memref<128xi32, #tpu.memory_space<vmem>>, vector<16xi32>,
      %swap3A_313 = vector.shape_cast %swap3A_312 : vector<16xi32> to vector<16xi32>
      %swap3A_314 = vector.shape_cast %and3A_310 : vector<16xi32> to vector<16xi32>
      tpu.vector_store %arg8[%swap3A_311], %swap3A_314 {strides = array<i32>} : memref<128xi32, #tpu.memory_space<vmem>>, vector<16xi32>,
      %shift_right_logical3A_315 = arith.constant 16 : i32
      %shift_right_logical3A_316 = vector.broadcast %shift_right_logical3A_315 : i32 to vector<16xi32>
      %shift_right_logical3A_317 = arith.shrui %get3A_307, %shift_right_logical3A_316 : vector<16xi32>
      %swap3A_318 = arith.constant 112 : index
      %swap3A_319 = tpu.vector_load %arg10[%swap3A_318] {strides = array<i32>} : memref<128xi32, #tpu.memory_space<vmem>>, vector<16xi32>,
      %swap3A_320 = vector.shape_cast %swap3A_319 : vector<16xi32> to vector<16xi32>
      %swap3A_321 = vector.shape_cast %shift_right_logical3A_317 : vector<16xi32> to vector<16xi32>
      tpu.vector_store %arg10[%swap3A_318], %swap3A_321 {strides = array<i32>} : memref<128xi32, #tpu.memory_space<vmem>>, vector<16xi32>,
      %dma_start3A_322 = arith.constant 0 : i32
      %dma_start3A_323 = arith.constant 0 : i32
      %dma_start3A_324 = tpu.memref_slice %arg2[%dma_start3A_322, %dma_start3A_323] : memref<10000x128xf32, #tpu.memory_space<hbm>> -> memref<10000x128xf32, #tpu.memory_space<hbm>>
      tpu.enqueue_indirect_dma source(%dma_start3A_324 : memref<10000x128xf32, #tpu.memory_space<hbm>>) target(%arg12 : memref<128x128xf32, #tpu.memory_space<vmem>>) offsets(%arg8 : memref<128xi32, #tpu.memory_space<vmem>>) semaphore(%arg15 : memref<!tpu.dma_semaphore, #tpu.memory_space<semaphore_mem>>)
      %dma_wait3A = arith.constant 0 : i32
      %dma_wait3A_325 = arith.constant 0 : i32
      %dma_wait3A_326 = tpu.memref_slice %arg2[%dma_wait3A, %dma_wait3A_325] : memref<10000x128xf32, #tpu.memory_space<hbm>> -> memref<10000x128xf32, #tpu.memory_space<hbm>>
      tpu.wait_indirect_dma semaphore(%arg14 : memref<!tpu.dma_semaphore, #tpu.memory_space<semaphore_mem>>) src(%dma_wait3A_326 : memref<10000x128xf32, #tpu.memory_space<hbm>>) dst(%arg11 : memref<128x128xf32, #tpu.memory_space<vmem>>)
      "tpu.region"() ({
        %run_scoped3A = tpu.sem_alloc : memref<!tpu.dma_semaphore, #tpu.memory_space<semaphore_mem>>
        %dma_start3A_334 = arith.constant 0 : i32
        %dma_start3A_335 = arith.constant 0 : i32
        %dma_start3A_336 = tpu.memref_slice %arg13[%dma_start3A_334, %dma_start3A_335] : memref<10112x128xf32, #tpu.memory_space<vmem_shared>> -> memref<10112x128xf32, #tpu.memory_space<vmem_shared>>
        tpu.enqueue_indirect_dma source(%arg11 : memref<128x128xf32, #tpu.memory_space<vmem>>) target(%dma_start3A_336 : memref<10112x128xf32, #tpu.memory_space<vmem_shared>>) offsets(%arg9 : memref<128xi32, #tpu.memory_space<vmem>>) semaphore(%run_scoped3A : memref<!tpu.dma_semaphore, #tpu.memory_space<semaphore_mem>>) {add = true}
        %dma_wait3A_337 = arith.constant 0 : i32
        %dma_wait3A_338 = arith.constant 0 : i32
        %dma_wait3A_339 = tpu.memref_slice %arg13[%dma_wait3A_337, %dma_wait3A_338] : memref<10112x128xf32, #tpu.memory_space<vmem_shared>> -> memref<10112x128xf32, #tpu.memory_space<vmem_shared>>
        tpu.wait_indirect_dma semaphore(%run_scoped3A : memref<!tpu.dma_semaphore, #tpu.memory_space<semaphore_mem>>) src(%arg11 : memref<128x128xf32, #tpu.memory_space<vmem>>) dst(%dma_wait3A_339 : memref<10112x128xf32, #tpu.memory_space<vmem_shared>>)
        tpu.yield
      }) : () -> ()
      %lt3A = arith.constant 39 : i32
      %lt3A_327 = arith.cmpi slt, %add3A_173, %lt3A : i32
      %convert_element_type3A_328 = arith.extui %lt3A_327 : i1 to i32
      %cond3A_329 = arith.constant 0 : i32
      %cond3A_330 = arith.cmpi ne, %convert_element_type3A_328, %cond3A_329 : i32
      scf.if %cond3A_330 {
        %add3A_334 = arith.constant 2 : i32
        %add3A_335 = arith.addi %mul3A_175, %add3A_334 : i32
        %get3A_336 = arith.index_cast %add3A_335 : i32 to index
        %get3A_337 = arith.constant 0 : index
        %get3A_338 = tpu.vector_load %arg6[%get3A_336, %get3A_337] {strides = array<i32>} : memref<80x128xi32, #tpu.memory_space<vmem>>, vector<1x16xi32>,
        %get3A_339 = vector.shape_cast %get3A_338 : vector<1x16xi32> to vector<16xi32>
        %and3A_340 = arith.constant 65535 : i32
        %and3A_341 = vector.broadcast %and3A_340 : i32 to vector<16xi32>
        %and3A_342 = arith.andi %get3A_339, %and3A_341 : vector<16xi32>
        %swap3A_343 = arith.constant 0 : index
        %swap3A_344 = tpu.vector_load %arg7[%swap3A_343] {strides = array<i32>} : memref<128xi32, #tpu.memory_space<vmem>>, vector<16xi32>,
        %swap3A_345 = vector.shape_cast %swap3A_344 : vector<16xi32> to vector<16xi32>
        %swap3A_346 = vector.shape_cast %and3A_342 : vector<16xi32> to vector<16xi32>
        tpu.vector_store %arg7[%swap3A_343], %swap3A_346 {strides = array<i32>} : memref<128xi32, #tpu.memory_space<vmem>>, vector<16xi32>,
        %shift_right_logical3A_347 = arith.constant 16 : i32
        %shift_right_logical3A_348 = vector.broadcast %shift_right_logical3A_347 : i32 to vector<16xi32>
        %shift_right_logical3A_349 = arith.shrui %get3A_339, %shift_right_logical3A_348 : vector<16xi32>
        %swap3A_350 = arith.constant 0 : index
        %swap3A_351 = tpu.vector_load %arg9[%swap3A_350] {strides = array<i32>} : memref<128xi32, #tpu.memory_space<vmem>>, vector<16xi32>,
        %swap3A_352 = vector.shape_cast %swap3A_351 : vector<16xi32> to vector<16xi32>
        %swap3A_353 = vector.shape_cast %shift_right_logical3A_349 : vector<16xi32> to vector<16xi32>
        tpu.vector_store %arg9[%swap3A_350], %swap3A_353 {strides = array<i32>} : memref<128xi32, #tpu.memory_space<vmem>>, vector<16xi32>,
        %get3A_354 = arith.index_cast %add3A_335 : i32 to index
        %get3A_355 = arith.constant 16 : index
        %get3A_356 = tpu.vector_load %arg6[%get3A_354, %get3A_355] {strides = array<i32>} : memref<80x128xi32, #tpu.memory_space<vmem>>, vector<1x16xi32>,
        %get3A_357 = vector.shape_cast %get3A_356 : vector<1x16xi32> to vector<16xi32>
        %and3A_358 = arith.constant 65535 : i32
        %and3A_359 = vector.broadcast %and3A_358 : i32 to vector<16xi32>
        %and3A_360 = arith.andi %get3A_357, %and3A_359 : vector<16xi32>
        %swap3A_361 = arith.constant 16 : index
        %swap3A_362 = tpu.vector_load %arg7[%swap3A_361] {strides = array<i32>} : memref<128xi32, #tpu.memory_space<vmem>>, vector<16xi32>,
        %swap3A_363 = vector.shape_cast %swap3A_362 : vector<16xi32> to vector<16xi32>
        %swap3A_364 = vector.shape_cast %and3A_360 : vector<16xi32> to vector<16xi32>
        tpu.vector_store %arg7[%swap3A_361], %swap3A_364 {strides = array<i32>} : memref<128xi32, #tpu.memory_space<vmem>>, vector<16xi32>,
        %shift_right_logical3A_365 = arith.constant 16 : i32
        %shift_right_logical3A_366 = vector.broadcast %shift_right_logical3A_365 : i32 to vector<16xi32>
        %shift_right_logical3A_367 = arith.shrui %get3A_357, %shift_right_logical3A_366 : vector<16xi32>
        %swap3A_368 = arith.constant 16 : index
        %swap3A_369 = tpu.vector_load %arg9[%swap3A_368] {strides = array<i32>} : memref<128xi32, #tpu.memory_space<vmem>>, vector<16xi32>,
        %swap3A_370 = vector.shape_cast %swap3A_369 : vector<16xi32> to vector<16xi32>
        %swap3A_371 = vector.shape_cast %shift_right_logical3A_367 : vector<16xi32> to vector<16xi32>
        tpu.vector_store %arg9[%swap3A_368], %swap3A_371 {strides = array<i32>} : memref<128xi32, #tpu.memory_space<vmem>>, vector<16xi32>,
        %get3A_372 = arith.index_cast %add3A_335 : i32 to index
        %get3A_373 = arith.constant 32 : index
        %get3A_374 = tpu.vector_load %arg6[%get3A_372, %get3A_373] {strides = array<i32>} : memref<80x128xi32, #tpu.memory_space<vmem>>, vector<1x16xi32>,
        %get3A_375 = vector.shape_cast %get3A_374 : vector<1x16xi32> to vector<16xi32>
        %and3A_376 = arith.constant 65535 : i32
        %and3A_377 = vector.broadcast %and3A_376 : i32 to vector<16xi32>
        %and3A_378 = arith.andi %get3A_375, %and3A_377 : vector<16xi32>
        %swap3A_379 = arith.constant 32 : index
        %swap3A_380 = tpu.vector_load %arg7[%swap3A_379] {strides = array<i32>} : memref<128xi32, #tpu.memory_space<vmem>>, vector<16xi32>,
        %swap3A_381 = vector.shape_cast %swap3A_380 : vector<16xi32> to vector<16xi32>
        %swap3A_382 = vector.shape_cast %and3A_378 : vector<16xi32> to vector<16xi32>
        tpu.vector_store %arg7[%swap3A_379], %swap3A_382 {strides = array<i32>} : memref<128xi32, #tpu.memory_space<vmem>>, vector<16xi32>,
        %shift_right_logical3A_383 = arith.constant 16 : i32
        %shift_right_logical3A_384 = vector.broadcast %shift_right_logical3A_383 : i32 to vector<16xi32>
        %shift_right_logical3A_385 = arith.shrui %get3A_375, %shift_right_logical3A_384 : vector<16xi32>
        %swap3A_386 = arith.constant 32 : index
        %swap3A_387 = tpu.vector_load %arg9[%swap3A_386] {strides = array<i32>} : memref<128xi32, #tpu.memory_space<vmem>>, vector<16xi32>,
        %swap3A_388 = vector.shape_cast %swap3A_387 : vector<16xi32> to vector<16xi32>
        %swap3A_389 = vector.shape_cast %shift_right_logical3A_385 : vector<16xi32> to vector<16xi32>
        tpu.vector_store %arg9[%swap3A_386], %swap3A_389 {strides = array<i32>} : memref<128xi32, #tpu.memory_space<vmem>>, vector<16xi32>,
        %get3A_390 = arith.index_cast %add3A_335 : i32 to index
        %get3A_391 = arith.constant 48 : index
        %get3A_392 = tpu.vector_load %arg6[%get3A_390, %get3A_391] {strides = array<i32>} : memref<80x128xi32, #tpu.memory_space<vmem>>, vector<1x16xi32>,
        %get3A_393 = vector.shape_cast %get3A_392 : vector<1x16xi32> to vector<16xi32>
        %and3A_394 = arith.constant 65535 : i32
        %and3A_395 = vector.broadcast %and3A_394 : i32 to vector<16xi32>
        %and3A_396 = arith.andi %get3A_393, %and3A_395 : vector<16xi32>
        %swap3A_397 = arith.constant 48 : index
        %swap3A_398 = tpu.vector_load %arg7[%swap3A_397] {strides = array<i32>} : memref<128xi32, #tpu.memory_space<vmem>>, vector<16xi32>,
        %swap3A_399 = vector.shape_cast %swap3A_398 : vector<16xi32> to vector<16xi32>
        %swap3A_400 = vector.shape_cast %and3A_396 : vector<16xi32> to vector<16xi32>
        tpu.vector_store %arg7[%swap3A_397], %swap3A_400 {strides = array<i32>} : memref<128xi32, #tpu.memory_space<vmem>>, vector<16xi32>,
        %shift_right_logical3A_401 = arith.constant 16 : i32
        %shift_right_logical3A_402 = vector.broadcast %shift_right_logical3A_401 : i32 to vector<16xi32>
        %shift_right_logical3A_403 = arith.shrui %get3A_393, %shift_right_logical3A_402 : vector<16xi32>
        %swap3A_404 = arith.constant 48 : index
        %swap3A_405 = tpu.vector_load %arg9[%swap3A_404] {strides = array<i32>} : memref<128xi32, #tpu.memory_space<vmem>>, vector<16xi32>,
        %swap3A_406 = vector.shape_cast %swap3A_405 : vector<16xi32> to vector<16xi32>
        %swap3A_407 = vector.shape_cast %shift_right_logical3A_403 : vector<16xi32> to vector<16xi32>
        tpu.vector_store %arg9[%swap3A_404], %swap3A_407 {strides = array<i32>} : memref<128xi32, #tpu.memory_space<vmem>>, vector<16xi32>,
        %get3A_408 = arith.index_cast %add3A_335 : i32 to index
        %get3A_409 = arith.constant 64 : index
        %get3A_410 = tpu.vector_load %arg6[%get3A_408, %get3A_409] {strides = array<i32>} : memref<80x128xi32, #tpu.memory_space<vmem>>, vector<1x16xi32>,
        %get3A_411 = vector.shape_cast %get3A_410 : vector<1x16xi32> to vector<16xi32>
        %and3A_412 = arith.constant 65535 : i32
        %and3A_413 = vector.broadcast %and3A_412 : i32 to vector<16xi32>
        %and3A_414 = arith.andi %get3A_411, %and3A_413 : vector<16xi32>
        %swap3A_415 = arith.constant 64 : index
        %swap3A_416 = tpu.vector_load %arg7[%swap3A_415] {strides = array<i32>} : memref<128xi32, #tpu.memory_space<vmem>>, vector<16xi32>,
        %swap3A_417 = vector.shape_cast %swap3A_416 : vector<16xi32> to vector<16xi32>
        %swap3A_418 = vector.shape_cast %and3A_414 : vector<16xi32> to vector<16xi32>
        tpu.vector_store %arg7[%swap3A_415], %swap3A_418 {strides = array<i32>} : memref<128xi32, #tpu.memory_space<vmem>>, vector<16xi32>,
        %shift_right_logical3A_419 = arith.constant 16 : i32
        %shift_right_logical3A_420 = vector.broadcast %shift_right_logical3A_419 : i32 to vector<16xi32>
        %shift_right_logical3A_421 = arith.shrui %get3A_411, %shift_right_logical3A_420 : vector<16xi32>
        %swap3A_422 = arith.constant 64 : index
        %swap3A_423 = tpu.vector_load %arg9[%swap3A_422] {strides = array<i32>} : memref<128xi32, #tpu.memory_space<vmem>>, vector<16xi32>,
        %swap3A_424 = vector.shape_cast %swap3A_423 : vector<16xi32> to vector<16xi32>
        %swap3A_425 = vector.shape_cast %shift_right_logical3A_421 : vector<16xi32> to vector<16xi32>
        tpu.vector_store %arg9[%swap3A_422], %swap3A_425 {strides = array<i32>} : memref<128xi32, #tpu.memory_space<vmem>>, vector<16xi32>,
        %get3A_426 = arith.index_cast %add3A_335 : i32 to index
        %get3A_427 = arith.constant 80 : index
        %get3A_428 = tpu.vector_load %arg6[%get3A_426, %get3A_427] {strides = array<i32>} : memref<80x128xi32, #tpu.memory_space<vmem>>, vector<1x16xi32>,
        %get3A_429 = vector.shape_cast %get3A_428 : vector<1x16xi32> to vector<16xi32>
        %and3A_430 = arith.constant 65535 : i32
        %and3A_431 = vector.broadcast %and3A_430 : i32 to vector<16xi32>
        %and3A_432 = arith.andi %get3A_429, %and3A_431 : vector<16xi32>
        %swap3A_433 = arith.constant 80 : index
        %swap3A_434 = tpu.vector_load %arg7[%swap3A_433] {strides = array<i32>} : memref<128xi32, #tpu.memory_space<vmem>>, vector<16xi32>,
        %swap3A_435 = vector.shape_cast %swap3A_434 : vector<16xi32> to vector<16xi32>
        %swap3A_436 = vector.shape_cast %and3A_432 : vector<16xi32> to vector<16xi32>
        tpu.vector_store %arg7[%swap3A_433], %swap3A_436 {strides = array<i32>} : memref<128xi32, #tpu.memory_space<vmem>>, vector<16xi32>,
        %shift_right_logical3A_437 = arith.constant 16 : i32
        %shift_right_logical3A_438 = vector.broadcast %shift_right_logical3A_437 : i32 to vector<16xi32>
        %shift_right_logical3A_439 = arith.shrui %get3A_429, %shift_right_logical3A_438 : vector<16xi32>
        %swap3A_440 = arith.constant 80 : index
        %swap3A_441 = tpu.vector_load %arg9[%swap3A_440] {strides = array<i32>} : memref<128xi32, #tpu.memory_space<vmem>>, vector<16xi32>,
        %swap3A_442 = vector.shape_cast %swap3A_441 : vector<16xi32> to vector<16xi32>
        %swap3A_443 = vector.shape_cast %shift_right_logical3A_439 : vector<16xi32> to vector<16xi32>
        tpu.vector_store %arg9[%swap3A_440], %swap3A_443 {strides = array<i32>} : memref<128xi32, #tpu.memory_space<vmem>>, vector<16xi32>,
        %get3A_444 = arith.index_cast %add3A_335 : i32 to index
        %get3A_445 = arith.constant 96 : index
        %get3A_446 = tpu.vector_load %arg6[%get3A_444, %get3A_445] {strides = array<i32>} : memref<80x128xi32, #tpu.memory_space<vmem>>, vector<1x16xi32>,
        %get3A_447 = vector.shape_cast %get3A_446 : vector<1x16xi32> to vector<16xi32>
        %and3A_448 = arith.constant 65535 : i32
        %and3A_449 = vector.broadcast %and3A_448 : i32 to vector<16xi32>
        %and3A_450 = arith.andi %get3A_447, %and3A_449 : vector<16xi32>
        %swap3A_451 = arith.constant 96 : index
        %swap3A_452 = tpu.vector_load %arg7[%swap3A_451] {strides = array<i32>} : memref<128xi32, #tpu.memory_space<vmem>>, vector<16xi32>,
        %swap3A_453 = vector.shape_cast %swap3A_452 : vector<16xi32> to vector<16xi32>
        %swap3A_454 = vector.shape_cast %and3A_450 : vector<16xi32> to vector<16xi32>
        tpu.vector_store %arg7[%swap3A_451], %swap3A_454 {strides = array<i32>} : memref<128xi32, #tpu.memory_space<vmem>>, vector<16xi32>,
        %shift_right_logical3A_455 = arith.constant 16 : i32
        %shift_right_logical3A_456 = vector.broadcast %shift_right_logical3A_455 : i32 to vector<16xi32>
        %shift_right_logical3A_457 = arith.shrui %get3A_447, %shift_right_logical3A_456 : vector<16xi32>
        %swap3A_458 = arith.constant 96 : index
        %swap3A_459 = tpu.vector_load %arg9[%swap3A_458] {strides = array<i32>} : memref<128xi32, #tpu.memory_space<vmem>>, vector<16xi32>,
        %swap3A_460 = vector.shape_cast %swap3A_459 : vector<16xi32> to vector<16xi32>
        %swap3A_461 = vector.shape_cast %shift_right_logical3A_457 : vector<16xi32> to vector<16xi32>
        tpu.vector_store %arg9[%swap3A_458], %swap3A_461 {strides = array<i32>} : memref<128xi32, #tpu.memory_space<vmem>>, vector<16xi32>,
        %get3A_462 = arith.index_cast %add3A_335 : i32 to index
        %get3A_463 = arith.constant 112 : index
        %get3A_464 = tpu.vector_load %arg6[%get3A_462, %get3A_463] {strides = array<i32>} : memref<80x128xi32, #tpu.memory_space<vmem>>, vector<1x16xi32>,
        %get3A_465 = vector.shape_cast %get3A_464 : vector<1x16xi32> to vector<16xi32>
        %and3A_466 = arith.constant 65535 : i32
        %and3A_467 = vector.broadcast %and3A_466 : i32 to vector<16xi32>
        %and3A_468 = arith.andi %get3A_465, %and3A_467 : vector<16xi32>
        %swap3A_469 = arith.constant 112 : index
        %swap3A_470 = tpu.vector_load %arg7[%swap3A_469] {strides = array<i32>} : memref<128xi32, #tpu.memory_space<vmem>>, vector<16xi32>,
        %swap3A_471 = vector.shape_cast %swap3A_470 : vector<16xi32> to vector<16xi32>
        %swap3A_472 = vector.shape_cast %and3A_468 : vector<16xi32> to vector<16xi32>
        tpu.vector_store %arg7[%swap3A_469], %swap3A_472 {strides = array<i32>} : memref<128xi32, #tpu.memory_space<vmem>>, vector<16xi32>,
        %shift_right_logical3A_473 = arith.constant 16 : i32
        %shift_right_logical3A_474 = vector.broadcast %shift_right_logical3A_473 : i32 to vector<16xi32>
        %shift_right_logical3A_475 = arith.shrui %get3A_465, %shift_right_logical3A_474 : vector<16xi32>
        %swap3A_476 = arith.constant 112 : index
        %swap3A_477 = tpu.vector_load %arg9[%swap3A_476] {strides = array<i32>} : memref<128xi32, #tpu.memory_space<vmem>>, vector<16xi32>,
        %swap3A_478 = vector.shape_cast %swap3A_477 : vector<16xi32> to vector<16xi32>
        %swap3A_479 = vector.shape_cast %shift_right_logical3A_475 : vector<16xi32> to vector<16xi32>
        tpu.vector_store %arg9[%swap3A_476], %swap3A_479 {strides = array<i32>} : memref<128xi32, #tpu.memory_space<vmem>>, vector<16xi32>,
        %dma_start3A_480 = arith.constant 0 : i32
        %dma_start3A_481 = arith.constant 0 : i32
        %dma_start3A_482 = tpu.memref_slice %arg2[%dma_start3A_480, %dma_start3A_481] : memref<10000x128xf32, #tpu.memory_space<hbm>> -> memref<10000x128xf32, #tpu.memory_space<hbm>>
        tpu.enqueue_indirect_dma source(%dma_start3A_482 : memref<10000x128xf32, #tpu.memory_space<hbm>>) target(%arg11 : memref<128x128xf32, #tpu.memory_space<vmem>>) offsets(%arg7 : memref<128xi32, #tpu.memory_space<vmem>>) semaphore(%arg14 : memref<!tpu.dma_semaphore, #tpu.memory_space<semaphore_mem>>)
      } else {
      }
      %dma_wait3A_331 = arith.constant 0 : i32
      %dma_wait3A_332 = arith.constant 0 : i32
      %dma_wait3A_333 = tpu.memref_slice %arg2[%dma_wait3A_331, %dma_wait3A_332] : memref<10000x128xf32, #tpu.memory_space<hbm>> -> memref<10000x128xf32, #tpu.memory_space<hbm>>
      tpu.wait_indirect_dma semaphore(%arg15 : memref<!tpu.dma_semaphore, #tpu.memory_space<semaphore_mem>>) src(%dma_wait3A_333 : memref<10000x128xf32, #tpu.memory_space<hbm>>) dst(%arg12 : memref<128x128xf32, #tpu.memory_space<vmem>>)
      "tpu.region"() ({
        %run_scoped3A = tpu.sem_alloc : memref<!tpu.dma_semaphore, #tpu.memory_space<semaphore_mem>>
        %dma_start3A_334 = arith.constant 0 : i32
        %dma_start3A_335 = arith.constant 0 : i32
        %dma_start3A_336 = tpu.memref_slice %arg13[%dma_start3A_334, %dma_start3A_335] : memref<10112x128xf32, #tpu.memory_space<vmem_shared>> -> memref<10112x128xf32, #tpu.memory_space<vmem_shared>>
        tpu.enqueue_indirect_dma source(%arg12 : memref<128x128xf32, #tpu.memory_space<vmem>>) target(%dma_start3A_336 : memref<10112x128xf32, #tpu.memory_space<vmem_shared>>) offsets(%arg10 : memref<128xi32, #tpu.memory_space<vmem>>) semaphore(%run_scoped3A : memref<!tpu.dma_semaphore, #tpu.memory_space<semaphore_mem>>) {add = true}
        %dma_wait3A_337 = arith.constant 0 : i32
        %dma_wait3A_338 = arith.constant 0 : i32
        %dma_wait3A_339 = tpu.memref_slice %arg13[%dma_wait3A_337, %dma_wait3A_338] : memref<10112x128xf32, #tpu.memory_space<vmem_shared>> -> memref<10112x128xf32, #tpu.memory_space<vmem_shared>>
        tpu.wait_indirect_dma semaphore(%run_scoped3A : memref<!tpu.dma_semaphore, #tpu.memory_space<semaphore_mem>>) src(%arg12 : memref<128x128xf32, #tpu.memory_space<vmem>>) dst(%dma_wait3A_339 : memref<10112x128xf32, #tpu.memory_space<vmem_shared>>)
        tpu.yield
      }) : () -> ()
    }
    %scan3A_158 = arith.constant 40 : i32
    %barrier3A_159 = arith.constant 0 : index
    tpu.barrier barrier_id(%barrier3A_159)
    %mul3A_160 = arith.constant 624 : i32
    %mul3A_161 = arith.muli %arg1, %mul3A_160 : i32
    %mul3A_162 = arith.constant 10000 : i32
    %mul3A_163 = arith.muli %arg0, %mul3A_162 : i32
    %mul3A_164 = arith.constant 624 : i32
    %mul3A_165 = arith.muli %arg1, %mul3A_164 : i32
    %add3A_166 = arith.addi %mul3A_163, %mul3A_165 : i32
    "tpu.region"() ({
      %run_scoped3A = tpu.sem_alloc : memref<!tpu.dma_semaphore, #tpu.memory_space<semaphore_mem>>
      %dma_start3A_169 = arith.constant 0 : i32
      %dma_start3A_170 = tpu.memref_slice %arg5[%add3A_166, %dma_start3A_169] : memref<20000x128xf32, #tpu.memory_space<hbm>> -> memref<624x128xf32, #tpu.memory_space<hbm>>
      %dma_start3A_171 = arith.constant 0 : i32
      %dma_start3A_172 = tpu.memref_slice %arg13[%mul3A_161, %dma_start3A_171] : memref<10112x128xf32, #tpu.memory_space<vmem_shared>> -> memref<624x128xf32, #tpu.memory_space<vmem_shared>>
      tpu.enqueue_dma source(%dma_start3A_172 : memref<624x128xf32, #tpu.memory_space<vmem_shared>>) target(%dma_start3A_170 : memref<624x128xf32, #tpu.memory_space<hbm>>) target_semaphore(%run_scoped3A : memref<!tpu.dma_semaphore, #tpu.memory_space<semaphore_mem>>)
      %dma_wait3A = arith.constant 0 : i32
      %dma_wait3A_173 = tpu.memref_slice %arg5[%add3A_166, %dma_wait3A] : memref<20000x128xf32, #tpu.memory_space<hbm>> -> memref<624x128xf32, #tpu.memory_space<hbm>>
      %dma_wait3A_174 = arith.constant 0 : i32
      %dma_wait3A_175 = tpu.memref_slice %arg13[%mul3A_161, %dma_wait3A_174] : memref<10112x128xf32, #tpu.memory_space<vmem_shared>> -> memref<624x128xf32, #tpu.memory_space<vmem_shared>>
      tpu.wait_dma2 semaphore(%run_scoped3A : memref<!tpu.dma_semaphore, #tpu.memory_space<semaphore_mem>>) src(%dma_wait3A_175 : memref<624x128xf32, #tpu.memory_space<vmem_shared>>) dst(%dma_wait3A_173 : memref<624x128xf32, #tpu.memory_space<hbm>>)
      tpu.yield
    }) : () -> ()
    %eq3A = arith.constant 15 : i32
    %eq3A_167 = arith.cmpi eq, %arg1, %eq3A : i32
    %convert_element_type3A = arith.extui %eq3A_167 : i1 to i32
    %cond3A = arith.constant 0 : i32
    %cond3A_168 = arith.cmpi ne, %convert_element_type3A, %cond3A : i32
    scf.if %cond3A_168 {
      %mul3A_169 = arith.constant 10000 : i32
      %mul3A_170 = arith.muli %arg0, %mul3A_169 : i32
      %add3A_171 = arith.constant 9984 : i32
      %add3A_172 = arith.addi %mul3A_170, %add3A_171 : i32
      "tpu.region"() ({
        %run_scoped3A = tpu.sem_alloc : memref<!tpu.dma_semaphore, #tpu.memory_space<semaphore_mem>>
        %dma_start3A_173 = arith.constant 0 : i32
        %dma_start3A_174 = tpu.memref_slice %arg5[%add3A_172, %dma_start3A_173] : memref<20000x128xf32, #tpu.memory_space<hbm>> -> memref<16x128xf32, #tpu.memory_space<hbm>>
        %dma_start3A_175 = arith.constant 9984 : i32
        %dma_start3A_176 = arith.constant 0 : i32
        %dma_start3A_177 = tpu.memref_slice %arg13[%dma_start3A_175, %dma_start3A_176] : memref<10112x128xf32, #tpu.memory_space<vmem_shared>> -> memref<16x128xf32, #tpu.memory_space<vmem_shared>>
        tpu.enqueue_dma source(%dma_start3A_177 : memref<16x128xf32, #tpu.memory_space<vmem_shared>>) target(%dma_start3A_174 : memref<16x128xf32, #tpu.memory_space<hbm>>) target_semaphore(%run_scoped3A : memref<!tpu.dma_semaphore, #tpu.memory_space<semaphore_mem>>)
        %dma_wait3A = arith.constant 0 : i32
        %dma_wait3A_178 = tpu.memref_slice %arg5[%add3A_172, %dma_wait3A] : memref<20000x128xf32, #tpu.memory_space<hbm>> -> memref<16x128xf32, #tpu.memory_space<hbm>>
        %dma_wait3A_179 = arith.constant 9984 : i32
        %dma_wait3A_180 = arith.constant 0 : i32
        %dma_wait3A_181 = tpu.memref_slice %arg13[%dma_wait3A_179, %dma_wait3A_180] : memref<10112x128xf32, #tpu.memory_space<vmem_shared>> -> memref<16x128xf32, #tpu.memory_space<vmem_shared>>
        tpu.wait_dma2 semaphore(%run_scoped3A : memref<!tpu.dma_semaphore, #tpu.memory_space<semaphore_mem>>) src(%dma_wait3A_181 : memref<16x128xf32, #tpu.memory_space<vmem_shared>>) dst(%dma_wait3A_178 : memref<16x128xf32, #tpu.memory_space<hbm>>)
        tpu.yield
      }) : () -> ()
    } else {
    }
    return
  }
}

module attributes {stable_mosaic.version = 14 : i64} {
  func.func @body(%arg0: i32, %arg1: memref<2000x128xf32, #tpu.memory_space<vmem>>, %arg2: memref<2000x128xf32, #tpu.memory_space<vmem>>, %arg3: memref<2000x128xf32, #tpu.memory_space<vmem>>, %arg4: memref<128x128xf32, #tpu.memory_space<vmem>>, %arg5: memref<2000x128xf32, #tpu.memory_space<vmem>>) attributes {dimension_semantics = [#tpu.dimension_semantics<arbitrary>], iteration_bounds = array<i64: 5>, scalar_prefetch = 0 : i64, scratch_operands = 0 : i64, tpu.core_type = #tpu.core_type<tc>, window_params = [{transform_indices = @transform_0, window_bounds = array<i64: 2000, 128>}, {transform_indices = @transform_1, window_bounds = array<i64: 2000, 128>}, {transform_indices = @transform_2, window_bounds = array<i64: 2000, 128>}, {pipeline_mode = #tpu.pipeline_mode<synchronous>, transform_indices = @transform_3, window_bounds = array<i64: 128, 128>}, {transform_indices = @transform_4, window_bounds = array<i64: 2000, 128>}]} {
    %get3A = arith.constant 0 : index
    %get3A_0 = arith.constant 0 : index
    %get3A_1 = vector.load %arg1[%get3A, %get3A_0] : memref<2000x128xf32, #tpu.memory_space<vmem>>, vector<2000x128xf32>
    %get3A_2 = arith.constant 0 : index
    %get3A_3 = arith.constant 0 : index
    %get3A_4 = vector.load %arg2[%get3A_2, %get3A_3] : memref<2000x128xf32, #tpu.memory_space<vmem>>, vector<2000x128xf32>
    %add3A = arith.addf %get3A_1, %get3A_4 : vector<2000x128xf32>
    %get3A_5 = arith.constant 0 : index
    %get3A_6 = arith.constant 0 : index
    %get3A_7 = vector.load %arg4[%get3A_5, %get3A_6] : memref<128x128xf32, #tpu.memory_space<vmem>>, vector<128x128xf32>
    %dot_general3A = arith.constant dense<0.000000e+00> : vector<2000x128xf32>
    %dot_general3A_8 = tpu.matmul %add3A, %get3A_7, %dot_general3A {dimension_numbers = #tpu.dot_dimension_numbers<[1], [0], [0], [1], [0, 0, 1, 1], [], []>, transpose_lhs_hint = false} : vector<2000x128xf32>, vector<128x128xf32>, vector<2000x128xf32> -> vector<2000x128xf32>
    %get3A_9 = arith.constant 0 : index
    %get3A_10 = arith.constant 0 : index
    %get3A_11 = vector.load %arg3[%get3A_9, %get3A_10] : memref<2000x128xf32, #tpu.memory_space<vmem>>, vector<2000x128xf32>
    %add3A_12 = arith.addf %dot_general3A_8, %get3A_11 : vector<2000x128xf32>
    %max3A = arith.constant 0.000000e+00 : f32
    %max3A_13 = vector.broadcast %max3A : f32 to vector<2000x128xf32>
    %max3A_14 = arith.maximumf %add3A_12, %max3A_13 : vector<2000x128xf32>
    %swap3A = arith.constant 0 : index
    %swap3A_15 = arith.constant 0 : index
    %swap3A_16 = vector.load %arg5[%swap3A, %swap3A_15] : memref<2000x128xf32, #tpu.memory_space<vmem>>, vector<2000x128xf32>
    tpu.vector_store %arg5[%swap3A, %swap3A_15], %max3A_14 {strides = array<i32>} : memref<2000x128xf32, #tpu.memory_space<vmem>>, vector<2000x128xf32>,
    return
  }
  func.func @transform_0(%arg0: i32) -> (i32, i32) {
    %c0_i32 = arith.constant 0 : i32
    %c0_i32_0 = arith.constant 0 : i32
    return %arg0, %c0_i32 : i32, i32
  }
  func.func @transform_1(%arg0: i32) -> (i32, i32) {
    %add3A = arith.constant 5 : i32
    %add3A_0 = arith.addi %arg0, %add3A : i32
    %c0_i32 = arith.constant 0 : i32
    %c0_i32_1 = arith.constant 0 : i32
    return %add3A_0, %c0_i32 : i32, i32
  }
  func.func @transform_2(%arg0: i32) -> (i32, i32) {
    %c0_i32 = arith.constant 0 : i32
    %c0_i32_0 = arith.constant 0 : i32
    return %arg0, %c0_i32 : i32, i32
  }
  func.func @transform_3(%arg0: i32) -> (i32, i32) {
    %c0_i32 = arith.constant 0 : i32
    %c0_i32_0 = arith.constant 0 : i32
    %c0_i32_1 = arith.constant 0 : i32
    return %c0_i32, %c0_i32_0 : i32, i32
  }
  func.func @transform_4(%arg0: i32) -> (i32, i32) {
    %c0_i32 = arith.constant 0 : i32
    %c0_i32_0 = arith.constant 0 : i32
    return %arg0, %c0_i32 : i32, i32
  }
}

module attributes {stable_mosaic.version = 14 : i64} {
  func.func @body(%arg0: i32, %arg1: memref<2x81920xi32, #tpu.memory_space<vmem>>, %arg2: memref<640x128xi32, #tpu.memory_space<vmem>>, %arg3: memref<2528x128xf32, #tpu.memory_space<vmem>>) attributes {dimension_semantics = [#tpu.dimension_semantics<arbitrary>], iteration_bounds = array<i64: 4>, scalar_prefetch = 0 : i64, scratch_operands = 0 : i64, tpu.core_type = #tpu.core_type<tc>, window_params = [{transform_indices = @transform_0, window_bounds = array<i64: 2, 81920>}, {transform_indices = @transform_1, window_bounds = array<i64: 640, 128>}, {transform_indices = @transform_2, window_bounds = array<i64: 2528, 128>}]} {
    %iota3A = tpu.iota {dimensions = array<i32: 0>} : vector<640x128xi32>
    %iota3A_0 = tpu.iota {dimensions = array<i32: 1>} : vector<640x128xi32>
    %mul3A = arith.constant 81920 : i32
    %mul3A_1 = arith.muli %arg0, %mul3A : i32
    %mul3A_2 = arith.constant 128 : i32
    %mul3A_3 = vector.broadcast %mul3A_2 : i32 to vector<640x128xi32>
    %mul3A_4 = arith.muli %iota3A, %mul3A_3 : vector<640x128xi32>
    %add3A = vector.broadcast %mul3A_1 : i32 to vector<640x128xi32>
    %add3A_5 = arith.addi %add3A, %mul3A_4 : vector<640x128xi32>
    %add3A_6 = arith.addi %add3A_5, %iota3A_0 : vector<640x128xi32>
    %get3A = arith.constant 0 : index
    %get3A_7 = arith.constant 0 : index
    %get3A_8 = vector.load %arg1[%get3A, %get3A_7] : memref<2x81920xi32, #tpu.memory_space<vmem>>, vector<1x81920xi32>
    %get3A_9 = vector.shape_cast %get3A_8 : vector<1x81920xi32> to vector<81920xi32>
    %reshape3A = vector.shape_cast %get3A_9 : vector<81920xi32> to vector<640x128xi32>
    %get3A_10 = arith.constant 1 : index
    %get3A_11 = arith.constant 0 : index
    %get3A_12 = vector.load %arg1[%get3A_10, %get3A_11] : memref<2x81920xi32, #tpu.memory_space<vmem>>, vector<1x81920xi32>
    %get3A_13 = vector.shape_cast %get3A_12 : vector<1x81920xi32> to vector<81920xi32>
    %reshape3A_14 = vector.shape_cast %get3A_13 : vector<81920xi32> to vector<640x128xi32>
    %lt3A = arith.constant 320000 : i32
    %lt3A_15 = vector.broadcast %lt3A : i32 to vector<640x128xi32>
    %lt3A_16 = arith.cmpi slt, %add3A_6, %lt3A_15 : vector<640x128xi32>
    %and3A = arith.constant 8191 : i32
    %and3A_17 = vector.broadcast %and3A : i32 to vector<640x128xi32>
    %and3A_18 = arith.andi %add3A_6, %and3A_17 : vector<640x128xi32>
    %select_n3A = arith.select %lt3A_16, %reshape3A, %and3A_18 : vector<640x128xi1>, vector<640x128xi32>
    %and3A_19 = arith.constant 63 : i32
    %and3A_20 = vector.broadcast %and3A_19 : i32 to vector<640x128xi32>
    %and3A_21 = arith.andi %add3A_6, %and3A_20 : vector<640x128xi32>
    %add3A_22 = arith.constant 10000 : i32
    %add3A_23 = vector.broadcast %add3A_22 : i32 to vector<640x128xi32>
    %add3A_24 = arith.addi %add3A_23, %and3A_21 : vector<640x128xi32>
    %select_n3A_25 = arith.select %lt3A_16, %reshape3A_14, %add3A_24 : vector<640x128xi1>, vector<640x128xi32>
    %shift_left3A = arith.constant 16 : i32
    %shift_left3A_26 = vector.broadcast %shift_left3A : i32 to vector<640x128xi32>
    %shift_left3A_27 = arith.shli %select_n3A_25, %shift_left3A_26 : vector<640x128xi32>
    %or3A = arith.ori %select_n3A, %shift_left3A_27 : vector<640x128xi32>
    %swap3A = arith.constant 0 : index
    %swap3A_28 = arith.constant 0 : index
    %swap3A_29 = vector.load %arg2[%swap3A, %swap3A_28] : memref<640x128xi32, #tpu.memory_space<vmem>>, vector<640x128xi32>
    tpu.vector_store %arg2[%swap3A, %swap3A_28], %or3A {strides = array<i32>} : memref<640x128xi32, #tpu.memory_space<vmem>>, vector<640x128xi32>,
    %broadcast_in_dim3A = arith.constant 0.000000e+00 : f32
    %broadcast_in_dim3A_30 = vector.broadcast %broadcast_in_dim3A : f32 to vector<2528x128xf32>
    %swap3A_31 = arith.constant 0 : index
    %swap3A_32 = arith.constant 0 : index
    %swap3A_33 = vector.load %arg3[%swap3A_31, %swap3A_32] : memref<2528x128xf32, #tpu.memory_space<vmem>>, vector<2528x128xf32>
    tpu.vector_store %arg3[%swap3A_31, %swap3A_32], %broadcast_in_dim3A_30 {strides = array<i32>} : memref<2528x128xf32, #tpu.memory_space<vmem>>, vector<2528x128xf32>,
    return
  }
  func.func @transform_0(%arg0: i32) -> (i32, i32) {
    %c0_i32 = arith.constant 0 : i32
    %c0_i32_0 = arith.constant 0 : i32
    return %c0_i32, %arg0 : i32, i32
  }
  func.func @transform_1(%arg0: i32) -> (i32, i32) {
    %c0_i32 = arith.constant 0 : i32
    %c0_i32_0 = arith.constant 0 : i32
    return %arg0, %c0_i32 : i32, i32
  }
  func.func @transform_2(%arg0: i32) -> (i32, i32) {
    %c0_i32 = arith.constant 0 : i32
    %c0_i32_0 = arith.constant 0 : i32
    return %arg0, %c0_i32 : i32, i32
  }
}

module attributes {stable_mosaic.version = 14 : i64} {
  func.func @body(%arg0: i32, %arg1: memref<2000x128xf32, #tpu.memory_space<vmem>>, %arg2: memref<128x128xf32, #tpu.memory_space<vmem>>, %arg3: memref<1x128xf32, #tpu.memory_space<vmem>>, %arg4: memref<2000x128xf32, #tpu.memory_space<vmem>>) attributes {dimension_semantics = [#tpu.dimension_semantics<arbitrary>], iteration_bounds = array<i64: 5>, scalar_prefetch = 0 : i64, scratch_operands = 0 : i64, tpu.core_type = #tpu.core_type<tc>, window_params = [{transform_indices = @transform_0, window_bounds = array<i64: 2000, 128>}, {pipeline_mode = #tpu.pipeline_mode<synchronous>, transform_indices = @transform_1, window_bounds = array<i64: 128, 128>}, {pipeline_mode = #tpu.pipeline_mode<synchronous>, transform_indices = @transform_2, window_bounds = array<i64: 1, 128>}, {transform_indices = @transform_3, window_bounds = array<i64: 2000, 128>}]} {
    %get3A = arith.constant 0 : index
    %get3A_0 = arith.constant 0 : index
    %get3A_1 = vector.load %arg1[%get3A, %get3A_0] : memref<2000x128xf32, #tpu.memory_space<vmem>>, vector<2000x128xf32>
    %get3A_2 = arith.constant 0 : index
    %get3A_3 = arith.constant 0 : index
    %get3A_4 = vector.load %arg2[%get3A_2, %get3A_3] : memref<128x128xf32, #tpu.memory_space<vmem>>, vector<128x128xf32>
    %dot_general3A = arith.constant dense<0.000000e+00> : vector<2000x128xf32>
    %dot_general3A_5 = tpu.matmul %get3A_1, %get3A_4, %dot_general3A {dimension_numbers = #tpu.dot_dimension_numbers<[1], [0], [0], [1], [0, 0, 1, 1], [], []>, transpose_lhs_hint = false} : vector<2000x128xf32>, vector<128x128xf32>, vector<2000x128xf32> -> vector<2000x128xf32>
    %get3A_6 = arith.constant 0 : index
    %get3A_7 = arith.constant 0 : index
    %get3A_8 = vector.load %arg3[%get3A_6, %get3A_7] : memref<1x128xf32, #tpu.memory_space<vmem>>, vector<1x128xf32>
    %add3A = vector.broadcast %get3A_8 : vector<1x128xf32> to vector<2000x128xf32>
    %add3A_9 = arith.addf %dot_general3A_5, %add3A : vector<2000x128xf32>
    %swap3A = arith.constant 0 : index
    %swap3A_10 = arith.constant 0 : index
    %swap3A_11 = vector.load %arg4[%swap3A, %swap3A_10] : memref<2000x128xf32, #tpu.memory_space<vmem>>, vector<2000x128xf32>
    tpu.vector_store %arg4[%swap3A, %swap3A_10], %add3A_9 {strides = array<i32>} : memref<2000x128xf32, #tpu.memory_space<vmem>>, vector<2000x128xf32>,
    return
  }
  func.func @transform_0(%arg0: i32) -> (i32, i32) {
    %c0_i32 = arith.constant 0 : i32
    %c0_i32_0 = arith.constant 0 : i32
    return %arg0, %c0_i32 : i32, i32
  }
  func.func @transform_1(%arg0: i32) -> (i32, i32) {
    %c0_i32 = arith.constant 0 : i32
    %c0_i32_0 = arith.constant 0 : i32
    %c0_i32_1 = arith.constant 0 : i32
    return %c0_i32, %c0_i32_0 : i32, i32
  }
  func.func @transform_2(%arg0: i32) -> (i32, i32) {
    %c0_i32 = arith.constant 0 : i32
    %c0_i32_0 = arith.constant 0 : i32
    %c0_i32_1 = arith.constant 0 : i32
    return %c0_i32, %c0_i32_0 : i32, i32
  }
  func.func @transform_3(%arg0: i32) -> (i32, i32) {
    %c0_i32 = arith.constant 0 : i32
    %c0_i32_0 = arith.constant 0 : i32
    return %arg0, %c0_i32 : i32, i32
  }
}

module attributes {stable_mosaic.version = 14 : i64} {
  func.func @body(%arg0: i32, %arg1: memref<2000x128xf32, #tpu.memory_space<vmem>>, %arg2: memref<2000x128xf32, #tpu.memory_space<vmem>>, %arg3: memref<2000x128xf32, #tpu.memory_space<vmem>>, %arg4: memref<128x128xf32, #tpu.memory_space<vmem>>, %arg5: memref<2000x128xf32, #tpu.memory_space<vmem>>) attributes {dimension_semantics = [#tpu.dimension_semantics<arbitrary>], iteration_bounds = array<i64: 5>, scalar_prefetch = 0 : i64, scratch_operands = 0 : i64, tpu.core_type = #tpu.core_type<tc>, window_params = [{transform_indices = @transform_0, window_bounds = array<i64: 2000, 128>}, {transform_indices = @transform_1, window_bounds = array<i64: 2000, 128>}, {transform_indices = @transform_2, window_bounds = array<i64: 2000, 128>}, {pipeline_mode = #tpu.pipeline_mode<synchronous>, transform_indices = @transform_3, window_bounds = array<i64: 128, 128>}, {transform_indices = @transform_4, window_bounds = array<i64: 2000, 128>}]} {
    %get3A = arith.constant 0 : index
    %get3A_0 = arith.constant 0 : index
    %get3A_1 = vector.load %arg1[%get3A, %get3A_0] : memref<2000x128xf32, #tpu.memory_space<vmem>>, vector<2000x128xf32>
    %get3A_2 = arith.constant 0 : index
    %get3A_3 = arith.constant 0 : index
    %get3A_4 = vector.load %arg2[%get3A_2, %get3A_3] : memref<2000x128xf32, #tpu.memory_space<vmem>>, vector<2000x128xf32>
    %add3A = arith.addf %get3A_1, %get3A_4 : vector<2000x128xf32>
    %get3A_5 = arith.constant 0 : index
    %get3A_6 = arith.constant 0 : index
    %get3A_7 = vector.load %arg4[%get3A_5, %get3A_6] : memref<128x128xf32, #tpu.memory_space<vmem>>, vector<128x128xf32>
    %dot_general3A = arith.constant dense<0.000000e+00> : vector<2000x128xf32>
    %dot_general3A_8 = tpu.matmul %add3A, %get3A_7, %dot_general3A {dimension_numbers = #tpu.dot_dimension_numbers<[1], [0], [0], [1], [0, 0, 1, 1], [], []>, transpose_lhs_hint = false} : vector<2000x128xf32>, vector<128x128xf32>, vector<2000x128xf32> -> vector<2000x128xf32>
    %get3A_9 = arith.constant 0 : index
    %get3A_10 = arith.constant 0 : index
    %get3A_11 = vector.load %arg3[%get3A_9, %get3A_10] : memref<2000x128xf32, #tpu.memory_space<vmem>>, vector<2000x128xf32>
    %add3A_12 = arith.addf %dot_general3A_8, %get3A_11 : vector<2000x128xf32>
    %swap3A = arith.constant 0 : index
    %swap3A_13 = arith.constant 0 : index
    %swap3A_14 = vector.load %arg5[%swap3A, %swap3A_13] : memref<2000x128xf32, #tpu.memory_space<vmem>>, vector<2000x128xf32>
    tpu.vector_store %arg5[%swap3A, %swap3A_13], %add3A_12 {strides = array<i32>} : memref<2000x128xf32, #tpu.memory_space<vmem>>, vector<2000x128xf32>,
    return
  }
  func.func @transform_0(%arg0: i32) -> (i32, i32) {
    %c0_i32 = arith.constant 0 : i32
    %c0_i32_0 = arith.constant 0 : i32
    return %arg0, %c0_i32 : i32, i32
  }
  func.func @transform_1(%arg0: i32) -> (i32, i32) {
    %add3A = arith.constant 5 : i32
    %add3A_0 = arith.addi %arg0, %add3A : i32
    %c0_i32 = arith.constant 0 : i32
    %c0_i32_1 = arith.constant 0 : i32
    return %add3A_0, %c0_i32 : i32, i32
  }
  func.func @transform_2(%arg0: i32) -> (i32, i32) {
    %c0_i32 = arith.constant 0 : i32
    %c0_i32_0 = arith.constant 0 : i32
    return %arg0, %c0_i32 : i32, i32
  }
  func.func @transform_3(%arg0: i32) -> (i32, i32) {
    %c0_i32 = arith.constant 0 : i32
    %c0_i32_0 = arith.constant 0 : i32
    %c0_i32_1 = arith.constant 0 : i32
    return %c0_i32, %c0_i32_0 : i32, i32
  }
  func.func @transform_4(%arg0: i32) -> (i32, i32) {
    %c0_i32 = arith.constant 0 : i32
    %c0_i32_0 = arith.constant 0 : i32
    return %arg0, %c0_i32 : i32, i32
  }
}

</mosaic_0001>

<sc_bundles>
// kernel: kernel.12.cloned.1.call-start
scs
__scs_entry_jumppad:
0x0: {  	(pc) =	sbr.rel $0x88, $3  }
0x1: {  	(tag) =	ssettag $0x0;
	lr =	simm.s32 $0x1  }
0x2: {  	[smem:$0x3F96] =	sst lr;
	_ =	strace $0xD0000000  }
0x3: {  	_ = 	snop  }
0x4: {  	_ = 	snop  }
0x5: {  	_ = 	snop  }
0x6: {  	_ = 	snop  }
0x7: {  	_ = 	snop  }
__scs_overlays_trampoline_lowered:
0x8: {  	[smem:$0x3FA5] =	sst s0  }
0x9: {  	[smem:$0x3FA6] =	sst s1  }
0xa: {  	[smem:$0x3FA7] =	sst s2  }
0xb: {  	[smem:$0x3FA8] =	sst s3  }
0xc: {  	[smem:$0x3FA9] =	sst s4  }
0xd: {  	[smem:$0x3FAA] =	sst s5  }
0xe: {  	[smem:$0x3FAB] =	sst s6  }
0xf: {  	[smem:$0x3FAC] =	sst s7  }
0x10: {  	[smem:$0x3FAD] =	sst s8  }
0x11: {  	[smem:$0x3FAE] =	sst s9;
	s0 =	simm.s32 @!p0 $0x0  }
0x12: {  	s1 =	sld [smem:$0x3F94];
	s0 =	simm.s32 @p0 $0x1  }
0x13: {  	[smem:$0x3FAF] =	sst s0;
	s0 =	simm.s32 @!p1 $0x0  }
0x14: {  	s2 =	sld [smem:$0x3F93];
	s0 =	simm.s32 @p1 $0x1  }
0x15: {  	[smem:$0x3FB0] =	sst s0;
	s0 =	simm.s32 @!p2 $0x0  }
0x16: {  	s3 =	sld [smem:$0x3FDB];
	s0 =	simm.s32 @p2 $0x1  }
0x17: {  	s4 =	simm.s32 $0x1BF5;
	[smem:$0x3FB2] =	sst s0  }
0x18: {  	s0 =	sld [smem:$0x3F95];
	_ =	swait.ge [sflag:s4], $0x0  }
0x19: {  	s7 =	sld [smem:$0x3F96]  }
0x1a: {  	s8 =	sadd.s32 $0xFFFFE003, lr  }
0x1b: {  	s9 =	sadd.s32 $0xFFFFFEF7, lr;
	s5 =	simm.s32 $0xFFFFFFFF;
	p2 =	slt.u32 s8, $0xFFFFF086  }
0x1c: {  	p1 =	slt.u32 s9, $0xF7A;
	s5 =	simm.s32 @!p2 $0x0  }
0x1d: {  	s5 =	simm.s32 @p1 $0x1;
	p0 =	seq.s32 s7, s2  }
0x1e: {  	s7 =	smul.u32 @!p0 $0xF7A, s2;
	p2 =	seq.s32 @!p0 s5, $0x0  }
0x1f: {  	s9 =	smul.u32 $0xF7A, s1;
	s8 =	simm.s32 @!p0 $0x1BF5;
	p2 =	por !p2, p0  }
0x20: {  	[sflag:s8] =	ssyncset.s32 @!p0 $0xFFFFF086;
	s6 =	sadd.s32 @!p0 s3, s7;
	s7 =	simm.s32 @!p0 $0x108  }
0x21: {  	s3 =	sadd.s32 s3, s9;
	s6 =	sadd.s32 @!p0 $0x88, s6;
	s7 =	simm.s32 @p2 $0x1082  }
0x22: {  	[simem:s7], [sflag:s8] =	dma.local @!p0 [hbm:s6], $0xF7A  }
0x23: {  	s9 =	sor.u32 $0xD0000000, s2;
	s6 =	simm.s32 $0x108;
	_ =	swait.ge @!p0 [sflag:s8], $0x0  }
0x24: {  	s3 =	sadd.s32 $0x88, s3;
	s6 =	simm.s32 @!p1 $0x1082;
	[sflag:s4] =	ssyncset.s32 $0xFFFFF086  }
0x25: {  	[simem:s6], [sflag:s4] =	dma.local [hbm:s3], $0xF7A  }
0x26: {  	[smem:$0x3F96] =	sst s1;
	(tag) =	ssettag s2;
	_ =	strace s9  }
0x27: {  	s1 =	sld [smem:$0x3FA6]  }
0x28: {  	s2 =	sld [smem:$0x3FA7]  }
0x29: {  	s4 =	sld [smem:$0x3FA9]  }
0x2a: {  	p0 =	seq.s32 s5, $0x0;
	s5 =	sld [smem:$0x3FAA]  }
0x2b: {  	s6 =	sld [smem:$0x3FAB]  }
0x2c: {  	s7 =	sld [smem:$0x3FAC]  }
0x2d: {  	s3 =	simm.s32 $0x108;
	s8 =	sld [smem:$0x3FAD]  }
0x2e: {  	s3 =	simm.s32 @!p0 $0x1082;
	s9 =	sld [smem:$0x3FAE]  }
0x2f: {  	lr =	sadd.s32 s0, s3;
	s0 =	sld [smem:$0x3FA5]  }
0x30: {  	s3 =	sld [smem:$0x3FA8]  }
0x31: {  	[smem:$0x3FB1] =	sst s10  }
0x32: {  	s10 =	sld [smem:$0x3FAF];
	_ =	sdelay $0x3  }
0x33: {  	p0 =	seq.s32 s10, $0x1;
	s10 =	sld [smem:$0x3FB1];
	_ =	sdelay $0x3  }
0x34: {  	[smem:$0x3FB1] =	sst s10  }
0x35: {  	s10 =	sld [smem:$0x3FB0];
	_ =	sdelay $0x3  }
0x36: {  	p1 =	seq.s32 s10, $0x1;
	s10 =	sld [smem:$0x3FB1];
	_ =	sdelay $0x3  }
0x37: {  	[smem:$0x3FB1] =	sst s10  }
0x38: {  	s10 =	sld [smem:$0x3FB2]  }
0x39: {  	_ = 	snop;
	(pc) =	sbr.ind lr, $3  }
0x3a: {  	_ = 	snop  }
0x3b: {  	_ = 	snop  }
0x3c: {  	p2 =	seq.s32 s10, $0x1;
	s10 =	sld [smem:$0x3FB1]  }
0x3d: {  	_ =	shalt  }
0x3e: {  	_ =	shalt  }
0x3f: {  	_ =	shalt  }
0x40: {  	_ =	shalt  }
0x41: {  	_ =	shalt  }
0x42: {  	_ =	shalt  }
0x43: {  	_ =	shalt  }
0x44: {  	_ =	shalt  }
0x45: {  	_ =	shalt  }
0x46: {  	_ =	shalt  }
0x47: {  	_ =	shalt  }
0x48: {  	_ =	shalt  }
0x49: {  	_ =	shalt  }
0x4a: {  	_ =	shalt  }
0x4b: {  	_ =	shalt  }
0x4c: {  	_ =	shalt  }
0x4d: {  	_ =	shalt  }
0x4e: {  	_ =	shalt  }
0x4f: {  	_ =	shalt  }
0x50: {  	_ =	shalt  }
0x51: {  	_ =	shalt  }
0x52: {  	_ =	shalt  }
0x53: {  	_ =	shalt  }
0x54: {  	_ =	shalt  }
0x55: {  	_ =	shalt  }
0x56: {  	_ =	shalt  }
0x57: {  	_ =	shalt  }
0x58: {  	_ =	shalt  }
0x59: {  	_ =	shalt  }
0x5a: {  	_ =	shalt  }
0x5b: {  	_ =	shalt  }
0x5c: {  	_ =	shalt  }
0x5d: {  	_ =	shalt  }
0x5e: {  	_ =	shalt  }
0x5f: {  	_ =	shalt  }
0x60: {  	_ =	shalt  }
0x61: {  	_ =	shalt  }
0x62: {  	_ =	shalt  }
0x63: {  	_ =	shalt  }
0x64: {  	_ =	shalt  }
0x65: {  	_ =	shalt  }
0x66: {  	_ =	shalt  }
0x67: {  	_ =	shalt  }
0x68: {  	_ =	shalt  }
0x69: {  	_ =	shalt  }
0x6a: {  	_ =	shalt  }
0x6b: {  	_ =	shalt  }
0x6c: {  	_ =	shalt  }
0x6d: {  	_ =	shalt  }
0x6e: {  	_ =	shalt  }
0x6f: {  	_ =	shalt  }
0x70: {  	_ =	shalt  }
0x71: {  	_ =	shalt  }
0x72: {  	_ =	shalt  }
0x73: {  	_ =	shalt  }
0x74: {  	_ =	shalt  }
0x75: {  	_ =	shalt  }
0x76: {  	_ =	shalt  }
0x77: {  	_ =	shalt  }
0x78: {  	_ =	shalt  }
0x79: {  	_ =	shalt  }
0x7a: {  	_ =	shalt  }
0x7b: {  	_ =	shalt  }
0x7c: {  	_ =	shalt  }
0x7d: {  	_ =	shalt  }
0x7e: {  	_ =	shalt  }
0x7f: {  	_ =	shalt  }
0x80: {  	_ =	shalt  }
0x81: {  	_ =	shalt  }
0x82: {  	_ =	shalt  }
0x83: {  	_ =	shalt  }
0x84: {  	_ =	shalt  }
0x85: {  	_ =	shalt  }
0x86: {  	_ =	shalt  }
0x87: {  	_ =	shalt  }
.Lfunc_end0:
.L_simem_size_0:
called_computation_lowered:
.L_overlay_start_0:
0x88: {  	s2 =	sld [smem:$0x3FD9]  }
0x89: {  	s3 =	sld [smem:$0x3FFE];
	_ =	sdelay $0x1  }
0x8a: {  	s1 =	srdreg.scid  }
0x8b: {  	s0 =	sand.u32 $0x1, s1  }
0x8c: {  	s17 =	sshll.u32 s0, $0xA;
	s2 =	sadd.s32 s3, s2  }
0x8d: {  	s2 =	sadd.s32 s2, s17  }
0x8e: {  	[smem:$0x3FBD] =	sst s2  }
0x8f: {  	_ = 	snop  }
0x90: {  	s2 =	sld [smem:$0x3FC9];
	(tm) =	ssettm $0x1  }
0x91: {  	s18 =	sld [smem:$0x3FFB];
	_ =	sdelay $0x3  }
0x92: {  	_ =	strace s18  }
0x93: {  	s3 =	sld [smem:$0x3FFC];
	_ =	sdelay $0x3  }
0x94: {  	_ =	strace s3  }
0x95: {  	s3 =	sld [smem:$0x3FFD];
	_ =	sdelay $0x3  }
0x96: {  	_ =	strace s3  }
0x97: {  	_ =	strace $0x8FFFFFFF  }
0x98: {  	s19 =	sld [smem:$0x3FDB];
	_ =	sdelay $0x1  }
0x99: {  	s4 =	simm.s32 $_scs_section_size  }
0x9a: {  	s5 =	simm.s32 $_size__tile_overlayer_lowered;
	s6 =	simm.s32 $_tile_overlayer_lowered  }
0x9b: {  	s22 =	simm.s32 $0x1BFF;
	s21 =	sshll.u32 s6, $0x1;
	s3 =	sadd.s32 s4, s19  }
0x9c: {  	s7 =	simm.s32 $0x0;
	s20 =	sshll.u32 s5, $0x1;
	s5 =	sadd.s32 s21, s3  }
0x9d: {  	[timem:s7], [sflag:s22] =	dma.local [hbm:s5], s20  }
0x9e: {  	_ =	swait.ge [sflag:s22], s20  }
0x9f: {  	s4 =	ssub.s32 $0x0, s20;
	[sflag:s22] =	ssyncset.done $0x0  }
0xa0: {  	[sflag:s22] =	ssyncadd.s32 s4;
	_ =	sdelay $0x1  }
0xa1: {  	s23 =	simm.s32 $0x1B8B  }
0xa2: {  	_ =	swait.ge [sflag:s23], $0x1  }
0xa3: {  	[sflag:s23] =	ssyncset.done $0x0  }
0xa4: {  	s25 =	simm.s32 $0x1B8E;
	s24 =	sld [smem:$0x3FFE];
	[sflag:s23] =	ssyncadd.s32 $0xFFFFFFFF  }
0xa5: {  	s26 =	simm.s32 $execute0_lowered;
	[smem:$0x3FD2] =	sst s25  }
0xa6: {  	s5 =	sshll.u32 s26, $0x1;
	_ =	strace $0x80000046;
	[dreg:$0x1] =	wrdreg $0xFFFFFFFF  }
0xa7: {  	s28 =	simm.s32 $_size_execute0_lowered;
	s3 =	sadd.s32 s3, s5;
	[dreg:$0x0] =	wrdreg $0x0  }
0xa8: {  	s5 =	sshll.u32 s28, $0x1;
	[dreg:$0x2] =	wrdreg s3  }
0xa9: {  	[dreg:$0x3] =	wrdreg s5  }
0xaa: {  	[dreg:$0x4] =	wrdreg $0xC0  }
0xab: {  	_ =	task [dreg:s7], $0x5FFFF  }
0xac: {  	[dreg:$0x1] =	wrdreg $0xFFFFFFFF  }
0xad: {  	[dreg:$0x0] =	wrdreg $0x60  }
0xae: {  	[dreg:$0x2] =	wrdreg s2  }
0xaf: {  	[dreg:$0x3] =	wrdreg s24  }
0xb0: {  	[dreg:$0x4] =	wrdreg $0xAA000  }
0xb1: {  	[dreg:$0x5] =	wrdreg $0x9  }
0xb2: {  	_ =	task.clear_ibuf [dreg:s7], $0x6FFFF;
	_ =	strace $0x90000046  }
0xb3: {  	s29 =	simm.s32 $0x9;
	_ =	strace $0x80000048  }
0xb4: {  	_ =	swait.ge [sflag:s29], $0x1  }
0xb5: {  	[sflag:s29] =	ssyncadd.s32 $0xFFFFFFFF  }
0xb6: {  	_ =	strace $0x90000048  }
0xb7: {  	_ =	sfence  }
0xb8: {  	s30 =	sld [smem:$0x0];
	_ =	sdelay $0x2  }
0xb9: {  	s31 =	sshll.u32 s1, $0xD;
	s1 =	sshrl.u32 s1, $0x2  }
0xba: {  	s3 =	sand.u32 $0x4000, s31;
	s1 =	sadd.s32 s1, s30  }
0xbb: {  	s0 =	sor.u32 s3, s0;
	s1 =	sshll.u32 s1, $0x11  }
0xbc: {  	s0 =	sor.u32 s1, s0  }
0xbd: {  	s0 =	sadd.s32 $0x8F2B, s0  }
0xbe: {  	[sflag:s0] =	ssyncadd.remote.s32 $0x1  }
0xbf: {  	_ =	sfence.sel $0xFFFF  }
0xc0: {  	[dreg:$0x0] =	wrdreg $0xFFFFFFFF;
	(pc) =	sbr.abs _section_cstart, $3  }
0xc1: {  	[dreg:$0x1] =	wrdreg $0xFFFFFFFF  }
0xc2: {  	_ =	task.clear_ibuf [dreg:s7], $0x2FFFF;
	_ =	strace $0x9FFFFFFF  }
0xc3: {  	(tm) =	ssettm $0x7FFFFFFF  }
tec
execute0_lowered:
.L_overlay_start_1:
0x0: {  	(tag) =	ssettag $0x1  }
0x1: {  	s1 =	rddreg [dreg:$0x0];
	s2 =	srdreg.scid  }
0x2: {  	s0 =	stileid.u32;
	s5 =	rddreg [dreg:$0x1]  }
0x3: {  	s3 =	rddreg [dreg:$0x2];
	s4 =	simm.s32 $0x0;
	s16 =	simm.s32 $0x2880  }
0x4: {  	s17 =	simm.s32 $0x6A00;
	s18 =	simm.s32 $0x1;
	s19 =	simm.s32 $0x2900  }
0x5: {  	s20 =	simm.s32 $0x2;
	s21 =	simm.s32 $0x2980;
	s8 =	smul.u32 $0x2780, s0  }
0x6: {  	s6 =	sand.u32 $0x1, s2;
	s2 =	rddreg [dreg:$0x3];
	s9 =	smul.u32 $0x4F000, s0  }
0x7: {  	s24 =	sshll.u32 s0, $0x1;
	[smem:$0x7FF] =	sst s4;
	s11 =	smul.u32 $0x4E000, s0  }
0x8: {  	s12 =	sadd.s32 $0x35400, s5;
	s26 =	smul.u32 $0x2700, s0;
	s23 =	sadd.s32 $0x138000, s3  }
0x9: {  	s31 =	sshll.u32 s0, $0x6;
	p0 =	sne.s32 s0, $0xF;
	s7 =	sor.u32 s6, s24  }
0xa: {  	_ =	strace $0x80000047;
	s10 =	ssub.s32 $0x2, s6;
	s13 =	smul.u32 $0x27100, s6  }
0xb: {  	s14 =	smul.u32 $0x138800, s6;
	s23 =	sshrl.u32 @!p0 s23, $0x3;
	s24 =	simm.s32 $0x0  }
0xc: {  	s7 =	smul.u32 $0x500, s7;
	s8 =	sadd.s32 s8, s5;
	s25 =	sshrl.u32 s10, $0x1  }
0xd: {  	s9 =	sshrl.u32 s9, $0x2;
	s28 =	sshrl.u32 s11, $0x2;
	s11 =	simm.s32 $0x80  }
0xe: {  	s10 =	ssub.s32 s10, s25;
	s15 =	sadd.s32 s9, s3;
	s6 =	sadd.s32 $0x3C00, s8  }
0xf: {  	s29 =	sshrl.u32 s14, $0x3;
	s22 =	sadd.s32 s28, s3;
	s14 =	sor.u32 $0x1C03, s31  }
0x10: {  	s7 =	sadd.s32 s7, s5;
	s30 =	sadd.s32 s12, s29;
	s9 =	smax.u32 s10, $0x1  }
0x11: {  	s10 =	simm.s32 $0x3;
	s15 =	sshrl.u32 s15, $0x3;
	s22 =	sshrl.u32 s22, $0x3  }
0x12: {  	s5 =	sadd.s32 $0x2B400, s7;
	s7 =	sadd.s32 s26, s13;
	s8 =	sadd.s32 $0x27000, s30  }
0x13: {  	s13 =	simm.s32 $0x2A00;
	s7 =	sadd.s32 s12, s7;
	s12 =	simm.s32 $0x2800  }
.LBB2_1:
0x14: {  	[tilespmem:s4], [sflag:$0x3] =	stream.linear.gather [hbm4b:s5+s4], $0x2800, $0x38;
	[tilespmem:$0x1E600] =	vst v63  }
0x15: {  	_ =	swait.ge [sflag:s10], $0x2800  }
0x16: {  	[sflag:s10] =	ssyncset.done $0x0  }
0x17: {  	[sflag:s10] =	ssyncadd.s32 $0xFFFFD800  }
0x18: {  	v0 =	vld [tilespmem:$0x0];
	_ =	sdelay $0x1  }
0x19: {  	v1 =	vld [tilespmem:$0x10];
	_ =	sdelay $0x1  }
0x1a: {  	v2 =	vld [tilespmem:$0x20]  }
0x1b: {  	v3 =	vand.u32 $0xFFFF, v0  }
0x1c: {  	v0 =	vshrl.u32 v0, $0x10;
	[tilespmem:$0x2800] =	vst v3;
	v3 =	vld [tilespmem:$0x30]  }
0x1d: {  	[tilespmem:$0x2900] =	vst v0;
	v0 =	vand.u32 $0xFFFF, v1  }
0x1e: {  	[tilespmem:$0x2810] =	vst v0;
	v0 =	vshrl.u32 v1, $0x10;
	v1 =	vld [tilespmem:$0x40]  }
0x1f: {  	[tilespmem:$0x2910] =	vst v0;
	v0 =	vand.u32 $0xFFFF, v2  }
0x20: {  	[tilespmem:$0x2820] =	vst v0;
	v0 =	vshrl.u32 v2, $0x10;
	v2 =	vld [tilespmem:$0x50]  }
0x21: {  	[tilespmem:$0x2920] =	vst v0;
	v0 =	vand.u32 $0xFFFF, v3  }
0x22: {  	[tilespmem:$0x2830] =	vst v0;
	v0 =	vshrl.u32 v3, $0x10;
	v3 =	vld [tilespmem:$0x60]  }
0x23: {  	[tilespmem:$0x2930] =	vst v0;
	v0 =	vand.u32 $0xFFFF, v1  }
0x24: {  	[tilespmem:$0x2840] =	vst v0;
	v0 =	vshrl.u32 v1, $0x10;
	v1 =	vld [tilespmem:$0x70]  }
0x25: {  	[tilespmem:$0x2940] =	vst v0;
	v0 =	vand.u32 $0xFFFF, v2  }
0x26: {  	[tilespmem:$0x2850] =	vst v0;
	v0 =	vshrl.u32 v2, $0x10  }
0x27: {  	[tilespmem:$0x2950] =	vst v0;
	v0 =	vand.u32 $0xFFFF, v3  }
0x28: {  	[tilespmem:$0x2860] =	vst v0;
	v0 =	vshrl.u32 v3, $0x10  }
0x29: {  	[tilespmem:$0x2960] =	vst v0;
	v0 =	vand.u32 $0xFFFF, v1  }
0x2a: {  	[tilespmem:$0x2870] =	vst v0;
	v0 =	vshrl.u32 v1, $0x10  }
0x2b: {  	[tilespmem:$0x2970] =	vst v0  }
0x2c: {  	[tilespmem:s13], [sflag:$0x1] =	stream.indirect.gather [hbm4b:s1+s11], $0x80, s12, s11, $0xb8;
	[tilespmem:$0x1E600] =	vst v63  }
0x2d: {  	[spmem:s15], [sflag:s14] =	dma.local [hbm:s6], $0x2780  }
0x2e: {  	_ =	swait.ge [sflag:s10], $0x2780  }
0x2f: {  	[sflag:s10] =	ssyncset.done $0x0  }
0x30: {  	[sflag:s10] =	ssyncadd.s32 $0xFFFFD880  }
0x31: {  	s25 =	simm.s32 $0x0;
	[bflag:$0x0] =	sbarrier.arrive $0xFFFF  }
0x32: {  	v0 =	vld [tilespmem:s25+$0x80];
	_ =	sdelay $0x4  }
0x33: {  	v1 =	vand.u32 $0xFFFF, v0  }
0x34: {  	v0 =	vshrl.u32 v0, $0x10;
	[tilespmem:$0x2880] =	vst v1  }
0x35: {  	[tilespmem:$0x2980] =	vst v0  }
0x36: {  	v0 =	vld [tilespmem:s25+$0x90];
	_ =	sdelay $0x4  }
0x37: {  	v1 =	vand.u32 $0xFFFF, v0  }
0x38: {  	v0 =	vshrl.u32 v0, $0x10;
	[tilespmem:$0x2890] =	vst v1  }
0x39: {  	[tilespmem:$0x2990] =	vst v0  }
0x3a: {  	v0 =	vld [tilespmem:s25+$0xA0];
	_ =	sdelay $0x4  }
0x3b: {  	v1 =	vand.u32 $0xFFFF, v0  }
0x3c: {  	v0 =	vshrl.u32 v0, $0x10;
	[tilespmem:$0x28A0] =	vst v1  }
0x3d: {  	[tilespmem:$0x29A0] =	vst v0  }
0x3e: {  	v0 =	vld [tilespmem:s25+$0xB0];
	_ =	sdelay $0x4  }
0x3f: {  	v1 =	vand.u32 $0xFFFF, v0  }
0x40: {  	v0 =	vshrl.u32 v0, $0x10;
	[tilespmem:$0x28B0] =	vst v1  }
0x41: {  	[tilespmem:$0x29B0] =	vst v0  }
0x42: {  	v0 =	vld [tilespmem:s25+$0xC0];
	_ =	sdelay $0x4  }
0x43: {  	v1 =	vand.u32 $0xFFFF, v0  }
0x44: {  	v0 =	vshrl.u32 v0, $0x10;
	[tilespmem:$0x28C0] =	vst v1  }
0x45: {  	[tilespmem:$0x29C0] =	vst v0  }
0x46: {  	v0 =	vld [tilespmem:s25+$0xD0];
	_ =	sdelay $0x4  }
0x47: {  	v1 =	vand.u32 $0xFFFF, v0  }
0x48: {  	v0 =	vshrl.u32 v0, $0x10;
	[tilespmem:$0x28D0] =	vst v1  }
0x49: {  	[tilespmem:$0x29D0] =	vst v0  }
0x4a: {  	v0 =	vld [tilespmem:s25+$0xE0];
	_ =	sdelay $0x4  }
0x4b: {  	v1 =	vand.u32 $0xFFFF, v0  }
0x4c: {  	v0 =	vshrl.u32 v0, $0x10;
	[tilespmem:$0x28E0] =	vst v1  }
0x4d: {  	[tilespmem:$0x29E0] =	vst v0  }
0x4e: {  	v0 =	vld [tilespmem:s25+$0xF0];
	_ =	sdelay $0x4  }
0x4f: {  	v1 =	vand.u32 $0xFFFF, v0  }
0x50: {  	v0 =	vshrl.u32 v0, $0x10;
	[tilespmem:$0x28F0] =	vst v1  }
0x51: {  	[tilespmem:$0x29F0] =	vst v0  }
0x52: {  	[tilespmem:s17], [sflag:$0x2] =	stream.indirect.gather [hbm4b:s1+s11], $0x80, s16, s11, $0xb8;
	[tilespmem:$0x1E600] =	vst v63  }
0x53: {  	_ =	swait.ge [sflag:s18], $0x4000  }
0x54: {  	[sflag:s18] =	ssyncset.done $0x0  }
0x55: {  	[sflag:s18] =	ssyncadd.s32 $0xFFFFC000  }
0x56: {  	[spmem:s3] =	stream.indirect.scatter.add.f32 [tilespmem:s13], [sflag:$0x3], $0x80, s19, s11, $0xb8;
	[tilespmem:$0x1E600] =	vst v63  }
0x57: {  	_ =	swait.ge [sflag:s10], $0x4000  }
0x58: {  	p2 =	por $0x0, $0x0;
	[sflag:s10] =	ssyncset.done $0x0  }
0x59: {  	s26 =	simm.s32 @!p2 $0x0;
	[sflag:s10] =	ssyncadd.s32 $0xFFFFC000  }
0x5a: {  	v0 =	vld @!p2 [tilespmem:s26+$0x100];
	_ =	sdelay $0x4  }
0x5b: {  	v1 =	vand.u32 @!p2 $0xFFFF, v0  }
0x5c: {  	v0 =	vshrl.u32 @!p2 v0, $0x10;
	[tilespmem:$0x2800] =	vst @!p2 v1  }
0x5d: {  	[tilespmem:$0x2900] =	vst @!p2 v0  }
0x5e: {  	v0 =	vld @!p2 [tilespmem:s26+$0x110];
	_ =	sdelay $0x4  }
0x5f: {  	v1 =	vand.u32 @!p2 $0xFFFF, v0  }
0x60: {  	v0 =	vshrl.u32 @!p2 v0, $0x10;
	[tilespmem:$0x2810] =	vst @!p2 v1  }
0x61: {  	[tilespmem:$0x2910] =	vst @!p2 v0  }
0x62: {  	v0 =	vld @!p2 [tilespmem:s26+$0x120];
	_ =	sdelay $0x4  }
0x63: {  	v1 =	vand.u32 @!p2 $0xFFFF, v0  }
0x64: {  	v0 =	vshrl.u32 @!p2 v0, $0x10;
	[tilespmem:$0x2820] =	vst @!p2 v1  }
0x65: {  	[tilespmem:$0x2920] =	vst @!p2 v0  }
0x66: {  	v0 =	vld @!p2 [tilespmem:s26+$0x130];
	_ =	sdelay $0x4  }
0x67: {  	v1 =	vand.u32 @!p2 $0xFFFF, v0  }
0x68: {  	v0 =	vshrl.u32 @!p2 v0, $0x10;
	[tilespmem:$0x2830] =	vst @!p2 v1  }
0x69: {  	[tilespmem:$0x2930] =	vst @!p2 v0  }
0x6a: {  	v0 =	vld @!p2 [tilespmem:s26+$0x140];
	_ =	sdelay $0x4  }
0x6b: {  	v1 =	vand.u32 @!p2 $0xFFFF, v0  }
0x6c: {  	v0 =	vshrl.u32 @!p2 v0, $0x10;
	[tilespmem:$0x2840] =	vst @!p2 v1  }
0x6d: {  	[tilespmem:$0x2940] =	vst @!p2 v0  }
0x6e: {  	v0 =	vld @!p2 [tilespmem:s26+$0x150];
	_ =	sdelay $0x4  }
0x6f: {  	v1 =	vand.u32 @!p2 $0xFFFF, v0  }
0x70: {  	v0 =	vshrl.u32 @!p2 v0, $0x10;
	[tilespmem:$0x2850] =	vst @!p2 v1  }
0x71: {  	[tilespmem:$0x2950] =	vst @!p2 v0  }
0x72: {  	v0 =	vld @!p2 [tilespmem:s26+$0x160];
	_ =	sdelay $0x4  }
0x73: {  	s29 =	simm.s32 @!p2 $0x80;
	v1 =	vand.u32 @!p2 $0xFFFF, v0  }
0x74: {  	s30 =	simm.s32 @!p2 $0x2800;
	s31 =	simm.s32 @!p2 $0x2A00;
	s25 =	simm.s32 $0x400;
	v0 =	vshrl.u32 @!p2 v0, $0x10;
	[tilespmem:$0x2860] =	vst @!p2 v1  }
.LBB2_2:
0x75: {  	[tilespmem:$0x2960] =	vst @!p2 v0;
	s28 =	smov.u32 s25;
	s25 =	sadd.s32 $0x400, s25  }
0x76: {  	p1 =	sne.s32 s25, $0xA000;
	v0 =	vld @!p2 [tilespmem:s26+$0x170];
	_ =	sdelay $0x4  }
0x77: {  	v1 =	vand.u32 @!p2 $0xFFFF, v0;
	v0 =	vshrl.u32 @!p2 v0, $0x10  }
0x78: {  	[tilespmem:$0x2870] =	vst @!p2 v1  }
0x79: {  	[tilespmem:$0x2970] =	vst @!p2 v0  }
0x7a: {  	[tilespmem:s31], [sflag:$0x1] =	stream.indirect.gather @!p2 [hbm4b:s1+s29], $0x80, s30, s29, $0xb8;
	[tilespmem:$0x1E600] =	vst v63  }
0x7b: {  	_ =	swait.ge [sflag:s20], $0x4000  }
0x7c: {  	[sflag:s20] =	ssyncset.done $0x0  }
0x7d: {  	[sflag:s20] =	ssyncadd.s32 $0xFFFFC000  }
0x7e: {  	[spmem:s3] =	stream.indirect.scatter.add.f32 [tilespmem:s17], [sflag:$0x3], $0x80, s21, s11, $0xb8;
	[tilespmem:$0x1E600] =	vst v63  }
0x7f: {  	_ =	swait.ge [sflag:s10], $0x4000  }
0x80: {  	[sflag:s10] =	ssyncset.done $0x0  }
0x81: {  	s26 =	sshra.s32 s28, $0x2;
	[sflag:s10] =	ssyncadd.s32 $0xFFFFC000  }
0x82: {  	v0 =	vld [tilespmem:s26+$0x80];
	_ =	sdelay $0x4  }
0x83: {  	v1 =	vand.u32 $0xFFFF, v0;
	v0 =	vshrl.u32 v0, $0x10  }
0x84: {  	[tilespmem:$0x2880] =	vst v1  }
0x85: {  	[tilespmem:$0x2980] =	vst v0  }
0x86: {  	v0 =	vld [tilespmem:s26+$0x90];
	_ =	sdelay $0x4  }
0x87: {  	v1 =	vand.u32 $0xFFFF, v0;
	v0 =	vshrl.u32 v0, $0x10  }
0x88: {  	[tilespmem:$0x2890] =	vst v1  }
0x89: {  	[tilespmem:$0x2990] =	vst v0  }
0x8a: {  	v0 =	vld [tilespmem:s26+$0xA0];
	_ =	sdelay $0x4  }
0x8b: {  	v1 =	vand.u32 $0xFFFF, v0;
	v0 =	vshrl.u32 v0, $0x10  }
0x8c: {  	[tilespmem:$0x28A0] =	vst v1  }
0x8d: {  	[tilespmem:$0x29A0] =	vst v0  }
0x8e: {  	v0 =	vld [tilespmem:s26+$0xB0];
	_ =	sdelay $0x4  }
0x8f: {  	v1 =	vand.u32 $0xFFFF, v0;
	v0 =	vshrl.u32 v0, $0x10  }
0x90: {  	[tilespmem:$0x28B0] =	vst v1  }
0x91: {  	[tilespmem:$0x29B0] =	vst v0  }
0x92: {  	v0 =	vld [tilespmem:s26+$0xC0];
	_ =	sdelay $0x4  }
0x93: {  	v1 =	vand.u32 $0xFFFF, v0;
	v0 =	vshrl.u32 v0, $0x10  }
0x94: {  	[tilespmem:$0x28C0] =	vst v1  }
0x95: {  	[tilespmem:$0x29C0] =	vst v0  }
0x96: {  	v0 =	vld [tilespmem:s26+$0xD0];
	_ =	sdelay $0x4  }
0x97: {  	v1 =	vand.u32 $0xFFFF, v0;
	v0 =	vshrl.u32 v0, $0x10  }
0x98: {  	[tilespmem:$0x28D0] =	vst v1  }
0x99: {  	[tilespmem:$0x29D0] =	vst v0  }
0x9a: {  	v0 =	vld [tilespmem:s26+$0xE0];
	_ =	sdelay $0x4  }
0x9b: {  	v1 =	vand.u32 $0xFFFF, v0;
	v0 =	vshrl.u32 v0, $0x10  }
0x9c: {  	[tilespmem:$0x28E0] =	vst v1  }
0x9d: {  	[tilespmem:$0x29E0] =	vst v0  }
0x9e: {  	v0 =	vld [tilespmem:s26+$0xF0];
	_ =	sdelay $0x4  }
0x9f: {  	v1 =	vand.u32 $0xFFFF, v0;
	v0 =	vshrl.u32 v0, $0x10  }
0xa0: {  	p2 =	seq.s32 s28, $0x9C00;
	[tilespmem:$0x28F0] =	vst v1  }
0xa1: {  	s26 =	sshra.s32 @!p2 s28, $0x2;
	[tilespmem:$0x29F0] =	vst v0  }
0xa2: {  	[tilespmem:s17], [sflag:$0x2] =	stream.indirect.gather [hbm4b:s1+s11], $0x80, s16, s11, $0xb8;
	[tilespmem:$0x1E600] =	vst v63  }
0xa3: {  	_ =	swait.ge [sflag:s18], $0x4000  }
0xa4: {  	[sflag:s18] =	ssyncset.done $0x0  }
0xa5: {  	[sflag:s18] =	ssyncadd.s32 $0xFFFFC000  }
0xa6: {  	[spmem:s3] =	stream.indirect.scatter.add.f32 [tilespmem:s13], [sflag:$0x3], $0x80, s19, s11, $0xb8;
	[tilespmem:$0x1E600] =	vst v63  }
0xa7: {  	_ =	swait.ge [sflag:s10], $0x4000  }
0xa8: {  	[sflag:s10] =	ssyncset.done $0x0  }
0xa9: {  	[sflag:s10] =	ssyncadd.s32 $0xFFFFC000  }
0xaa: {  	v0 =	vld @!p2 [tilespmem:s26+$0x100];
	_ =	sdelay $0x4  }
0xab: {  	v1 =	vand.u32 @!p2 $0xFFFF, v0;
	v0 =	vshrl.u32 @!p2 v0, $0x10  }
0xac: {  	[tilespmem:$0x2800] =	vst @!p2 v1  }
0xad: {  	[tilespmem:$0x2900] =	vst @!p2 v0  }
0xae: {  	v0 =	vld @!p2 [tilespmem:s26+$0x110];
	_ =	sdelay $0x4  }
0xaf: {  	v1 =	vand.u32 @!p2 $0xFFFF, v0;
	v0 =	vshrl.u32 @!p2 v0, $0x10  }
0xb0: {  	[tilespmem:$0x2810] =	vst @!p2 v1  }
0xb1: {  	[tilespmem:$0x2910] =	vst @!p2 v0  }
0xb2: {  	v0 =	vld @!p2 [tilespmem:s26+$0x120];
	_ =	sdelay $0x4  }
0xb3: {  	v1 =	vand.u32 @!p2 $0xFFFF, v0;
	v0 =	vshrl.u32 @!p2 v0, $0x10  }
0xb4: {  	[tilespmem:$0x2820] =	vst @!p2 v1  }
0xb5: {  	[tilespmem:$0x2920] =	vst @!p2 v0  }
0xb6: {  	v0 =	vld @!p2 [tilespmem:s26+$0x130];
	_ =	sdelay $0x4  }
0xb7: {  	v1 =	vand.u32 @!p2 $0xFFFF, v0;
	v0 =	vshrl.u32 @!p2 v0, $0x10  }
0xb8: {  	[tilespmem:$0x2830] =	vst @!p2 v1  }
0xb9: {  	[tilespmem:$0x2930] =	vst @!p2 v0  }
0xba: {  	v0 =	vld @!p2 [tilespmem:s26+$0x140];
	_ =	sdelay $0x4  }
0xbb: {  	v1 =	vand.u32 @!p2 $0xFFFF, v0;
	v0 =	vshrl.u32 @!p2 v0, $0x10  }
0xbc: {  	[tilespmem:$0x2840] =	vst @!p2 v1  }
0xbd: {  	[tilespmem:$0x2940] =	vst @!p2 v0  }
0xbe: {  	v0 =	vld @!p2 [tilespmem:s26+$0x150];
	_ =	sdelay $0x4  }
0xbf: {  	v1 =	vand.u32 @!p2 $0xFFFF, v0;
	v0 =	vshrl.u32 @!p2 v0, $0x10  }
0xc0: {  	[tilespmem:$0x2850] =	vst @!p2 v1  }
0xc1: {  	s29 =	simm.s32 @!p2 $0x80;
	s30 =	simm.s32 @!p2 $0x2800;
	s31 =	simm.s32 @!p2 $0x2A00;
	[tilespmem:$0x2950] =	vst @!p2 v0  }
0xc2: {  	v0 =	vld @!p2 [tilespmem:s26+$0x160];
	_ =	sdelay $0x1  }
.Ltmp0:
0xc3: {  	(pc) =	sbr.rel @p1 .LBB2_2-.Ltmp0, $3  }
0xc4: {  	_ =	sdelay $0x1  }
0xc5: {  	v1 =	vand.u32 @!p2 $0xFFFF, v0;
	v0 =	vshrl.u32 @!p2 v0, $0x10  }
0xc6: {  	[tilespmem:$0x2860] =	vst @!p2 v1  }
0xc7: {  	[tilespmem:$0x2960] =	vst @!p2 v0  }
0xc8: {  	v0 =	vld @!p2 [tilespmem:s26+$0x170];
	_ =	sdelay $0x4  }
0xc9: {  	v1 =	vand.u32 @!p2 $0xFFFF, v0  }
0xca: {  	v0 =	vshrl.u32 @!p2 v0, $0x10;
	[tilespmem:$0x2870] =	vst @!p2 v1  }
0xcb: {  	[tilespmem:$0x2970] =	vst @!p2 v0  }
0xcc: {  	[tilespmem:s31], [sflag:$0x1] =	stream.indirect.gather @!p2 [hbm4b:s1+s29], $0x80, s30, s29, $0xb8;
	[tilespmem:$0x1E600] =	vst v63  }
0xcd: {  	_ =	swait.ge [sflag:s20], $0x4000  }
0xce: {  	[sflag:s20] =	ssyncset.done $0x0  }
0xcf: {  	[sflag:s20] =	ssyncadd.s32 $0xFFFFC000  }
0xd0: {  	[spmem:s3] =	stream.indirect.scatter.add.f32 [tilespmem:s17], [sflag:$0x3], $0x80, s21, s11, $0xb8;
	[tilespmem:$0x1E600] =	vst v63  }
0xd1: {  	_ =	swait.ge [sflag:s10], $0x4000  }
0xd2: {  	[sflag:s10] =	ssyncset.done $0x0  }
0xd3: {  	[sflag:s10] =	ssyncadd.s32 $0xFFFFC000  }
0xd4: {  	[bflag:$0x0] =	sbarrier.arrive $0xFFFF  }
0xd5: {  	[hbm:s7], [sflag:s14] =	dma.local [spmem:s22], $0x2700  }
0xd6: {  	s24 =	sadd.s32 $0x1, s24;
	_ =	swait.ge [sflag:s10], $0x2700  }
0xd7: {  	p1 =	sne.s32 s24, s9;
	[sflag:s10] =	ssyncset.done $0x0  }
.Ltmp1:
0xd8: {  	s25 =	simm.s32 @!p0 $0x3;
	[sflag:s10] =	ssyncadd.s32 $0xFFFFD900;
	(pc) =	sbr.rel @p1 .LBB2_1-.Ltmp1, $4  }
0xd9: {  	[hbm:s8], [sflag:s14] =	dma.local @!p0 [spmem:s23], $0x100  }
0xda: {  	_ =	swait.ge @!p0 [sflag:s25], $0x100  }
0xdb: {  	[sflag:s25] =	ssyncset.done @!p0 $0x0  }
0xdc: {  	[sflag:s25] =	ssyncadd.s32 @!p0 $0xFFFFFF00  }
0xdd: {  	_ =	sfence.sel $0x180000  }
0xde: {  	[bflag:$0x0] =	sbarrier.arrive $0xFFFF  }
0xdf: {  	p0 =	sne.s32 s0, $0x0;
	_ =	strace $0x90000047  }
0xe0: {  	s0 =	sadd.s32 @!p0 $0x100000, s2;
	[bflag:$0x2] =	sbarrier.arrive $0xFFFF  }
0xe1: {  	[sflag:s0] =	ssyncadd.tile.s32 @!p0 $0x1;
	_ =	shalt  }
.Lfunc_end2:
_tile_overlayer_lowered:
.L_overlay_start_2:
0xe2: {  	(tag) =	ssettag $0x2  }
0xe3: {  	s0 =	rddreg [dreg:$0x0];
	s2 =	stileid.u32  }
0xe4: {  	s1 =	rddreg [dreg:$0x1];
	p0 =	sne.s32 s2, $0x0  }
0xe5: {  	s3 =	rddreg [dreg:$0x2];
	[bflag:$0x3] =	sbarrier.arrive $0xFFFF;
	s2 =	simm.s32 @!p0 $0x1C03  }
0xe6: {  	[timem:s3], [sflag:s2] =	dma.local @!p0 [hbm:s0], s1  }
0xe7: {  	s0 =	simm.s32 @!p0 $0x3  }
0xe8: {  	_ =	swait.ge @!p0 [sflag:s0], s1  }
0xe9: {  	s1 =	ssub.s32 @!p0 $0x0, s1;
	[sflag:s0] =	ssyncset.done @!p0 $0x0  }
0xea: {  	[sflag:s0] =	ssyncadd.s32 @!p0 s1  }
0xeb: {  	[bflag:$0x3] =	sbarrier.arrive $0xFFFF  }
0xec: {  	_ =	shalt  }

// kernel: kernel.15.cloned.1.call-start
scs
__scs_entry_jumppad:
0x0: {  	(pc) =	sbr.rel $0x88, $3  }
0x1: {  	(tag) =	ssettag $0x0;
	lr =	simm.s32 $0x1  }
0x2: {  	[smem:$0x3F96] =	sst lr;
	_ =	strace $0xD0000000  }
0x3: {  	_ = 	snop  }
0x4: {  	_ = 	snop  }
0x5: {  	_ = 	snop  }
0x6: {  	_ = 	snop  }
0x7: {  	_ = 	snop  }
__scs_overlays_trampoline_lowered:
0x8: {  	[smem:$0x3FA5] =	sst s0  }
0x9: {  	[smem:$0x3FA6] =	sst s1  }
0xa: {  	[smem:$0x3FA7] =	sst s2  }
0xb: {  	[smem:$0x3FA8] =	sst s3  }
0xc: {  	[smem:$0x3FA9] =	sst s4  }
0xd: {  	[smem:$0x3FAA] =	sst s5  }
0xe: {  	[smem:$0x3FAB] =	sst s6  }
0xf: {  	[smem:$0x3FAC] =	sst s7  }
0x10: {  	[smem:$0x3FAD] =	sst s8  }
0x11: {  	[smem:$0x3FAE] =	sst s9;
	s0 =	simm.s32 @!p0 $0x0  }
0x12: {  	s1 =	sld [smem:$0x3F94];
	s0 =	simm.s32 @p0 $0x1  }
0x13: {  	[smem:$0x3FAF] =	sst s0;
	s0 =	simm.s32 @!p1 $0x0  }
0x14: {  	s2 =	sld [smem:$0x3F93];
	s0 =	simm.s32 @p1 $0x1  }
0x15: {  	[smem:$0x3FB0] =	sst s0;
	s0 =	simm.s32 @!p2 $0x0  }
0x16: {  	s3 =	sld [smem:$0x3FDB];
	s0 =	simm.s32 @p2 $0x1  }
0x17: {  	s4 =	simm.s32 $0x1BF5;
	[smem:$0x3FB2] =	sst s0  }
0x18: {  	s0 =	sld [smem:$0x3F95];
	_ =	swait.ge [sflag:s4], $0x0  }
0x19: {  	s7 =	sld [smem:$0x3F96]  }
0x1a: {  	s8 =	sadd.s32 $0xFFFFE003, lr  }
0x1b: {  	s9 =	sadd.s32 $0xFFFFFEF7, lr;
	s5 =	simm.s32 $0xFFFFFFFF;
	p2 =	slt.u32 s8, $0xFFFFF086  }
0x1c: {  	p1 =	slt.u32 s9, $0xF7A;
	s5 =	simm.s32 @!p2 $0x0  }
0x1d: {  	s5 =	simm.s32 @p1 $0x1;
	p0 =	seq.s32 s7, s2  }
0x1e: {  	s7 =	smul.u32 @!p0 $0xF7A, s2;
	p2 =	seq.s32 @!p0 s5, $0x0  }
0x1f: {  	s9 =	smul.u32 $0xF7A, s1;
	s8 =	simm.s32 @!p0 $0x1BF5;
	p2 =	por !p2, p0  }
0x20: {  	[sflag:s8] =	ssyncset.s32 @!p0 $0xFFFFF086;
	s6 =	sadd.s32 @!p0 s3, s7;
	s7 =	simm.s32 @!p0 $0x108  }
0x21: {  	s3 =	sadd.s32 s3, s9;
	s6 =	sadd.s32 @!p0 $0x88, s6;
	s7 =	simm.s32 @p2 $0x1082  }
0x22: {  	[simem:s7], [sflag:s8] =	dma.local @!p0 [hbm:s6], $0xF7A  }
0x23: {  	s9 =	sor.u32 $0xD0000000, s2;
	s6 =	simm.s32 $0x108;
	_ =	swait.ge @!p0 [sflag:s8], $0x0  }
0x24: {  	s3 =	sadd.s32 $0x88, s3;
	s6 =	simm.s32 @!p1 $0x1082;
	[sflag:s4] =	ssyncset.s32 $0xFFFFF086  }
0x25: {  	[simem:s6], [sflag:s4] =	dma.local [hbm:s3], $0xF7A  }
0x26: {  	[smem:$0x3F96] =	sst s1;
	(tag) =	ssettag s2;
	_ =	strace s9  }
0x27: {  	s1 =	sld [smem:$0x3FA6]  }
0x28: {  	s2 =	sld [smem:$0x3FA7]  }
0x29: {  	s4 =	sld [smem:$0x3FA9]  }
0x2a: {  	p0 =	seq.s32 s5, $0x0;
	s5 =	sld [smem:$0x3FAA]  }
0x2b: {  	s6 =	sld [smem:$0x3FAB]  }
0x2c: {  	s7 =	sld [smem:$0x3FAC]  }
0x2d: {  	s3 =	simm.s32 $0x108;
	s8 =	sld [smem:$0x3FAD]  }
0x2e: {  	s3 =	simm.s32 @!p0 $0x1082;
	s9 =	sld [smem:$0x3FAE]  }
0x2f: {  	lr =	sadd.s32 s0, s3;
	s0 =	sld [smem:$0x3FA5]  }
0x30: {  	s3 =	sld [smem:$0x3FA8]  }
0x31: {  	[smem:$0x3FB1] =	sst s10  }
0x32: {  	s10 =	sld [smem:$0x3FAF];
	_ =	sdelay $0x3  }
0x33: {  	p0 =	seq.s32 s10, $0x1;
	s10 =	sld [smem:$0x3FB1];
	_ =	sdelay $0x3  }
0x34: {  	[smem:$0x3FB1] =	sst s10  }
0x35: {  	s10 =	sld [smem:$0x3FB0];
	_ =	sdelay $0x3  }
0x36: {  	p1 =	seq.s32 s10, $0x1;
	s10 =	sld [smem:$0x3FB1];
	_ =	sdelay $0x3  }
0x37: {  	[smem:$0x3FB1] =	sst s10  }
0x38: {  	s10 =	sld [smem:$0x3FB2]  }
0x39: {  	_ = 	snop;
	(pc) =	sbr.ind lr, $3  }
0x3a: {  	_ = 	snop  }
0x3b: {  	_ = 	snop  }
0x3c: {  	p2 =	seq.s32 s10, $0x1;
	s10 =	sld [smem:$0x3FB1]  }
0x3d: {  	_ =	shalt  }
0x3e: {  	_ =	shalt  }
0x3f: {  	_ =	shalt  }
0x40: {  	_ =	shalt  }
0x41: {  	_ =	shalt  }
0x42: {  	_ =	shalt  }
0x43: {  	_ =	shalt  }
0x44: {  	_ =	shalt  }
0x45: {  	_ =	shalt  }
0x46: {  	_ =	shalt  }
0x47: {  	_ =	shalt  }
0x48: {  	_ =	shalt  }
0x49: {  	_ =	shalt  }
0x4a: {  	_ =	shalt  }
0x4b: {  	_ =	shalt  }
0x4c: {  	_ =	shalt  }
0x4d: {  	_ =	shalt  }
0x4e: {  	_ =	shalt  }
0x4f: {  	_ =	shalt  }
0x50: {  	_ =	shalt  }
0x51: {  	_ =	shalt  }
0x52: {  	_ =	shalt  }
0x53: {  	_ =	shalt  }
0x54: {  	_ =	shalt  }
0x55: {  	_ =	shalt  }
0x56: {  	_ =	shalt  }
0x57: {  	_ =	shalt  }
0x58: {  	_ =	shalt  }
0x59: {  	_ =	shalt  }
0x5a: {  	_ =	shalt  }
0x5b: {  	_ =	shalt  }
0x5c: {  	_ =	shalt  }
0x5d: {  	_ =	shalt  }
0x5e: {  	_ =	shalt  }
0x5f: {  	_ =	shalt  }
0x60: {  	_ =	shalt  }
0x61: {  	_ =	shalt  }
0x62: {  	_ =	shalt  }
0x63: {  	_ =	shalt  }
0x64: {  	_ =	shalt  }
0x65: {  	_ =	shalt  }
0x66: {  	_ =	shalt  }
0x67: {  	_ =	shalt  }
0x68: {  	_ =	shalt  }
0x69: {  	_ =	shalt  }
0x6a: {  	_ =	shalt  }
0x6b: {  	_ =	shalt  }
0x6c: {  	_ =	shalt  }
0x6d: {  	_ =	shalt  }
0x6e: {  	_ =	shalt  }
0x6f: {  	_ =	shalt  }
0x70: {  	_ =	shalt  }
0x71: {  	_ =	shalt  }
0x72: {  	_ =	shalt  }
0x73: {  	_ =	shalt  }
0x74: {  	_ =	shalt  }
0x75: {  	_ =	shalt  }
0x76: {  	_ =	shalt  }
0x77: {  	_ =	shalt  }
0x78: {  	_ =	shalt  }
0x79: {  	_ =	shalt  }
0x7a: {  	_ =	shalt  }
0x7b: {  	_ =	shalt  }
0x7c: {  	_ =	shalt  }
0x7d: {  	_ =	shalt  }
0x7e: {  	_ =	shalt  }
0x7f: {  	_ =	shalt  }
0x80: {  	_ =	shalt  }
0x81: {  	_ =	shalt  }
0x82: {  	_ =	shalt  }
0x83: {  	_ =	shalt  }
0x84: {  	_ =	shalt  }
0x85: {  	_ =	shalt  }
0x86: {  	_ =	shalt  }
0x87: {  	_ =	shalt  }
.Lfunc_end0:
.L_simem_size_0:
called_computation.1_lowered:
.L_overlay_start_0:
0x88: {  	s2 =	sld [smem:$0x3FD9]  }
0x89: {  	s3 =	sld [smem:$0x3FFE];
	_ =	sdelay $0x1  }
0x8a: {  	s1 =	srdreg.scid  }
0x8b: {  	s0 =	sand.u32 $0x1, s1  }
0x8c: {  	s17 =	sshll.u32 s0, $0xA;
	s2 =	sadd.s32 s3, s2  }
0x8d: {  	s2 =	sadd.s32 s2, s17  }
0x8e: {  	[smem:$0x3FBD] =	sst s2  }
0x8f: {  	_ = 	snop  }
0x90: {  	s2 =	sld [smem:$0x3FD0];
	(tm) =	ssettm $0x1  }
0x91: {  	s18 =	sld [smem:$0x3FFB];
	_ =	sdelay $0x3  }
0x92: {  	_ =	strace s18  }
0x93: {  	s3 =	sld [smem:$0x3FFC];
	_ =	sdelay $0x3  }
0x94: {  	_ =	strace s3  }
0x95: {  	s3 =	sld [smem:$0x3FFD];
	_ =	sdelay $0x3  }
0x96: {  	_ =	strace s3  }
0x97: {  	_ =	strace $0x8FFFFFFF  }
0x98: {  	s19 =	sld [smem:$0x3FDB];
	_ =	sdelay $0x1  }
0x99: {  	s4 =	simm.s32 $_scs_section_size  }
0x9a: {  	s5 =	simm.s32 $_size__tile_overlayer_lowered;
	s6 =	simm.s32 $_tile_overlayer_lowered  }
0x9b: {  	s22 =	simm.s32 $0x1BFF;
	s21 =	sshll.u32 s6, $0x1;
	s3 =	sadd.s32 s4, s19  }
0x9c: {  	s7 =	simm.s32 $0x0;
	s20 =	sshll.u32 s5, $0x1;
	s5 =	sadd.s32 s21, s3  }
0x9d: {  	[timem:s7], [sflag:s22] =	dma.local [hbm:s5], s20  }
0x9e: {  	_ =	swait.ge [sflag:s22], s20  }
0x9f: {  	s4 =	ssub.s32 $0x0, s20;
	[sflag:s22] =	ssyncset.done $0x0  }
0xa0: {  	[sflag:s22] =	ssyncadd.s32 s4;
	_ =	sdelay $0x1  }
0xa1: {  	s23 =	simm.s32 $0x1B8B  }
0xa2: {  	_ =	swait.ge [sflag:s23], $0x1  }
0xa3: {  	[sflag:s23] =	ssyncset.done $0x0  }
0xa4: {  	s25 =	simm.s32 $0x1B8E;
	s24 =	sld [smem:$0x3FFE];
	[sflag:s23] =	ssyncadd.s32 $0xFFFFFFFF  }
0xa5: {  	s26 =	simm.s32 $execute0_lowered;
	[smem:$0x3FD2] =	sst s25  }
0xa6: {  	s5 =	sshll.u32 s26, $0x1;
	_ =	strace $0x80000049;
	[dreg:$0x1] =	wrdreg $0xFFFFFFFF  }
0xa7: {  	s28 =	simm.s32 $_size_execute0_lowered;
	s3 =	sadd.s32 s3, s5;
	[dreg:$0x0] =	wrdreg $0x0  }
0xa8: {  	s5 =	sshll.u32 s28, $0x1;
	[dreg:$0x2] =	wrdreg s3  }
0xa9: {  	[dreg:$0x3] =	wrdreg s5  }
0xaa: {  	[dreg:$0x4] =	wrdreg $0xC0  }
0xab: {  	_ =	task [dreg:s7], $0x5FFFF  }
0xac: {  	[dreg:$0x1] =	wrdreg $0xFFFFFFFF  }
0xad: {  	[dreg:$0x0] =	wrdreg $0x60  }
0xae: {  	[dreg:$0x2] =	wrdreg s2  }
0xaf: {  	[dreg:$0x3] =	wrdreg s24  }
0xb0: {  	[dreg:$0x4] =	wrdreg $0xAA000  }
0xb1: {  	[dreg:$0x5] =	wrdreg $0x9  }
0xb2: {  	_ =	task.clear_ibuf [dreg:s7], $0x6FFFF;
	_ =	strace $0x90000049  }
0xb3: {  	s29 =	simm.s32 $0x9;
	_ =	strace $0x8000004B  }
0xb4: {  	_ =	swait.ge [sflag:s29], $0x1  }
0xb5: {  	[sflag:s29] =	ssyncadd.s32 $0xFFFFFFFF  }
0xb6: {  	_ =	strace $0x9000004B  }
0xb7: {  	_ =	sfence  }
0xb8: {  	s30 =	sld [smem:$0x0];
	_ =	sdelay $0x2  }
0xb9: {  	s31 =	sshll.u32 s1, $0xD;
	s1 =	sshrl.u32 s1, $0x2  }
0xba: {  	s3 =	sand.u32 $0x4000, s31;
	s1 =	sadd.s32 s1, s30  }
0xbb: {  	s0 =	sor.u32 s3, s0;
	s1 =	sshll.u32 s1, $0x11  }
0xbc: {  	s0 =	sor.u32 s1, s0  }
0xbd: {  	s0 =	sadd.s32 $0x8F2B, s0  }
0xbe: {  	[sflag:s0] =	ssyncadd.remote.s32 $0x1  }
0xbf: {  	_ =	sfence.sel $0xFFFF  }
0xc0: {  	[dreg:$0x0] =	wrdreg $0xFFFFFFFF;
	(pc) =	sbr.abs _section_cstart, $3  }
0xc1: {  	[dreg:$0x1] =	wrdreg $0xFFFFFFFF  }
0xc2: {  	_ =	task.clear_ibuf [dreg:s7], $0x2FFFF;
	_ =	strace $0x9FFFFFFF  }
0xc3: {  	(tm) =	ssettm $0x7FFFFFFF  }
tec
execute0_lowered:
.L_overlay_start_1:
0x0: {  	(tag) =	ssettag $0x1  }
0x1: {  	s1 =	rddreg [dreg:$0x0];
	s2 =	srdreg.scid  }
0x2: {  	s0 =	stileid.u32;
	s5 =	rddreg [dreg:$0x1]  }
0x3: {  	s3 =	rddreg [dreg:$0x2];
	s4 =	simm.s32 $0x0;
	s16 =	simm.s32 $0x2880  }
0x4: {  	s17 =	simm.s32 $0x6A00;
	s18 =	simm.s32 $0x1;
	s19 =	simm.s32 $0x2900  }
0x5: {  	s20 =	simm.s32 $0x2;
	s21 =	simm.s32 $0x2980;
	s8 =	smul.u32 $0x2780, s0  }
0x6: {  	s6 =	sand.u32 $0x1, s2;
	s2 =	rddreg [dreg:$0x3];
	s9 =	smul.u32 $0x4F000, s0  }
0x7: {  	s24 =	sshll.u32 s0, $0x1;
	[smem:$0x7FF] =	sst s4;
	s11 =	smul.u32 $0x4E000, s0  }
0x8: {  	s12 =	sadd.s32 $0x35400, s5;
	s26 =	smul.u32 $0x2700, s0;
	s23 =	sadd.s32 $0x138000, s3  }
0x9: {  	s31 =	sshll.u32 s0, $0x6;
	p0 =	sne.s32 s0, $0xF;
	s7 =	sor.u32 s6, s24  }
0xa: {  	_ =	strace $0x8000004A;
	s10 =	ssub.s32 $0x2, s6;
	s13 =	smul.u32 $0x27100, s6  }
0xb: {  	s14 =	smul.u32 $0x138800, s6;
	s23 =	sshrl.u32 @!p0 s23, $0x3;
	s24 =	simm.s32 $0x0  }
0xc: {  	s7 =	smul.u32 $0x500, s7;
	s8 =	sadd.s32 s8, s5;
	s25 =	sshrl.u32 s10, $0x1  }
0xd: {  	s9 =	sshrl.u32 s9, $0x2;
	s28 =	sshrl.u32 s11, $0x2;
	s11 =	simm.s32 $0x80  }
0xe: {  	s10 =	ssub.s32 s10, s25;
	s15 =	sadd.s32 s9, s3;
	s6 =	sadd.s32 $0x3C00, s8  }
0xf: {  	s29 =	sshrl.u32 s14, $0x3;
	s22 =	sadd.s32 s28, s3;
	s14 =	sor.u32 $0x1C03, s31  }
0x10: {  	s7 =	sadd.s32 s7, s5;
	s30 =	sadd.s32 s12, s29;
	s9 =	smax.u32 s10, $0x1  }
0x11: {  	s10 =	simm.s32 $0x3;
	s15 =	sshrl.u32 s15, $0x3;
	s22 =	sshrl.u32 s22, $0x3  }
0x12: {  	s5 =	sadd.s32 $0x2B400, s7;
	s7 =	sadd.s32 s26, s13;
	s8 =	sadd.s32 $0x27000, s30  }
0x13: {  	s13 =	simm.s32 $0x2A00;
	s7 =	sadd.s32 s12, s7;
	s12 =	simm.s32 $0x2800  }
.LBB2_1:
0x14: {  	[tilespmem:s4], [sflag:$0x3] =	stream.linear.gather [hbm4b:s5+s4], $0x2800, $0x38;
	[tilespmem:$0x1E600] =	vst v63  }
0x15: {  	_ =	swait.ge [sflag:s10], $0x2800  }
0x16: {  	[sflag:s10] =	ssyncset.done $0x0  }
0x17: {  	[sflag:s10] =	ssyncadd.s32 $0xFFFFD800  }
0x18: {  	v0 =	vld [tilespmem:$0x0];
	_ =	sdelay $0x1  }
0x19: {  	v1 =	vld [tilespmem:$0x10];
	_ =	sdelay $0x1  }
0x1a: {  	v2 =	vld [tilespmem:$0x20]  }
0x1b: {  	v3 =	vand.u32 $0xFFFF, v0  }
0x1c: {  	v0 =	vshrl.u32 v0, $0x10;
	[tilespmem:$0x2800] =	vst v3;
	v3 =	vld [tilespmem:$0x30]  }
0x1d: {  	[tilespmem:$0x2900] =	vst v0;
	v0 =	vand.u32 $0xFFFF, v1  }
0x1e: {  	[tilespmem:$0x2810] =	vst v0;
	v0 =	vshrl.u32 v1, $0x10;
	v1 =	vld [tilespmem:$0x40]  }
0x1f: {  	[tilespmem:$0x2910] =	vst v0;
	v0 =	vand.u32 $0xFFFF, v2  }
0x20: {  	[tilespmem:$0x2820] =	vst v0;
	v0 =	vshrl.u32 v2, $0x10;
	v2 =	vld [tilespmem:$0x50]  }
0x21: {  	[tilespmem:$0x2920] =	vst v0;
	v0 =	vand.u32 $0xFFFF, v3  }
0x22: {  	[tilespmem:$0x2830] =	vst v0;
	v0 =	vshrl.u32 v3, $0x10;
	v3 =	vld [tilespmem:$0x60]  }
0x23: {  	[tilespmem:$0x2930] =	vst v0;
	v0 =	vand.u32 $0xFFFF, v1  }
0x24: {  	[tilespmem:$0x2840] =	vst v0;
	v0 =	vshrl.u32 v1, $0x10;
	v1 =	vld [tilespmem:$0x70]  }
0x25: {  	[tilespmem:$0x2940] =	vst v0;
	v0 =	vand.u32 $0xFFFF, v2  }
0x26: {  	[tilespmem:$0x2850] =	vst v0;
	v0 =	vshrl.u32 v2, $0x10  }
0x27: {  	[tilespmem:$0x2950] =	vst v0;
	v0 =	vand.u32 $0xFFFF, v3  }
0x28: {  	[tilespmem:$0x2860] =	vst v0;
	v0 =	vshrl.u32 v3, $0x10  }
0x29: {  	[tilespmem:$0x2960] =	vst v0;
	v0 =	vand.u32 $0xFFFF, v1  }
0x2a: {  	[tilespmem:$0x2870] =	vst v0;
	v0 =	vshrl.u32 v1, $0x10  }
0x2b: {  	[tilespmem:$0x2970] =	vst v0  }
0x2c: {  	[tilespmem:s13], [sflag:$0x1] =	stream.indirect.gather [hbm4b:s1+s11], $0x80, s12, s11, $0xb8;
	[tilespmem:$0x1E600] =	vst v63  }
0x2d: {  	[spmem:s15], [sflag:s14] =	dma.local [hbm:s6], $0x2780  }
0x2e: {  	_ =	swait.ge [sflag:s10], $0x2780  }
0x2f: {  	[sflag:s10] =	ssyncset.done $0x0  }
0x30: {  	[sflag:s10] =	ssyncadd.s32 $0xFFFFD880  }
0x31: {  	s25 =	simm.s32 $0x0;
	[bflag:$0x0] =	sbarrier.arrive $0xFFFF  }
0x32: {  	v0 =	vld [tilespmem:s25+$0x80];
	_ =	sdelay $0x4  }
0x33: {  	v1 =	vand.u32 $0xFFFF, v0  }
0x34: {  	v0 =	vshrl.u32 v0, $0x10;
	[tilespmem:$0x2880] =	vst v1  }
0x35: {  	[tilespmem:$0x2980] =	vst v0  }
0x36: {  	v0 =	vld [tilespmem:s25+$0x90];
	_ =	sdelay $0x4  }
0x37: {  	v1 =	vand.u32 $0xFFFF, v0  }
0x38: {  	v0 =	vshrl.u32 v0, $0x10;
	[tilespmem:$0x2890] =	vst v1  }
0x39: {  	[tilespmem:$0x2990] =	vst v0  }
0x3a: {  	v0 =	vld [tilespmem:s25+$0xA0];
	_ =	sdelay $0x4  }
0x3b: {  	v1 =	vand.u32 $0xFFFF, v0  }
0x3c: {  	v0 =	vshrl.u32 v0, $0x10;
	[tilespmem:$0x28A0] =	vst v1  }
0x3d: {  	[tilespmem:$0x29A0] =	vst v0  }
0x3e: {  	v0 =	vld [tilespmem:s25+$0xB0];
	_ =	sdelay $0x4  }
0x3f: {  	v1 =	vand.u32 $0xFFFF, v0  }
0x40: {  	v0 =	vshrl.u32 v0, $0x10;
	[tilespmem:$0x28B0] =	vst v1  }
0x41: {  	[tilespmem:$0x29B0] =	vst v0  }
0x42: {  	v0 =	vld [tilespmem:s25+$0xC0];
	_ =	sdelay $0x4  }
0x43: {  	v1 =	vand.u32 $0xFFFF, v0  }
0x44: {  	v0 =	vshrl.u32 v0, $0x10;
	[tilespmem:$0x28C0] =	vst v1  }
0x45: {  	[tilespmem:$0x29C0] =	vst v0  }
0x46: {  	v0 =	vld [tilespmem:s25+$0xD0];
	_ =	sdelay $0x4  }
0x47: {  	v1 =	vand.u32 $0xFFFF, v0  }
0x48: {  	v0 =	vshrl.u32 v0, $0x10;
	[tilespmem:$0x28D0] =	vst v1  }
0x49: {  	[tilespmem:$0x29D0] =	vst v0  }
0x4a: {  	v0 =	vld [tilespmem:s25+$0xE0];
	_ =	sdelay $0x4  }
0x4b: {  	v1 =	vand.u32 $0xFFFF, v0  }
0x4c: {  	v0 =	vshrl.u32 v0, $0x10;
	[tilespmem:$0x28E0] =	vst v1  }
0x4d: {  	[tilespmem:$0x29E0] =	vst v0  }
0x4e: {  	v0 =	vld [tilespmem:s25+$0xF0];
	_ =	sdelay $0x4  }
0x4f: {  	v1 =	vand.u32 $0xFFFF, v0  }
0x50: {  	v0 =	vshrl.u32 v0, $0x10;
	[tilespmem:$0x28F0] =	vst v1  }
0x51: {  	[tilespmem:$0x29F0] =	vst v0  }
0x52: {  	[tilespmem:s17], [sflag:$0x2] =	stream.indirect.gather [hbm4b:s1+s11], $0x80, s16, s11, $0xb8;
	[tilespmem:$0x1E600] =	vst v63  }
0x53: {  	_ =	swait.ge [sflag:s18], $0x4000  }
0x54: {  	[sflag:s18] =	ssyncset.done $0x0  }
0x55: {  	[sflag:s18] =	ssyncadd.s32 $0xFFFFC000  }
0x56: {  	[spmem:s3] =	stream.indirect.scatter.add.f32 [tilespmem:s13], [sflag:$0x3], $0x80, s19, s11, $0xb8;
	[tilespmem:$0x1E600] =	vst v63  }
0x57: {  	_ =	swait.ge [sflag:s10], $0x4000  }
0x58: {  	p2 =	por $0x0, $0x0;
	[sflag:s10] =	ssyncset.done $0x0  }
0x59: {  	s26 =	simm.s32 @!p2 $0x0;
	[sflag:s10] =	ssyncadd.s32 $0xFFFFC000  }
0x5a: {  	v0 =	vld @!p2 [tilespmem:s26+$0x100];
	_ =	sdelay $0x4  }
0x5b: {  	v1 =	vand.u32 @!p2 $0xFFFF, v0  }
0x5c: {  	v0 =	vshrl.u32 @!p2 v0, $0x10;
	[tilespmem:$0x2800] =	vst @!p2 v1  }
0x5d: {  	[tilespmem:$0x2900] =	vst @!p2 v0  }
0x5e: {  	v0 =	vld @!p2 [tilespmem:s26+$0x110];
	_ =	sdelay $0x4  }
0x5f: {  	v1 =	vand.u32 @!p2 $0xFFFF, v0  }
0x60: {  	v0 =	vshrl.u32 @!p2 v0, $0x10;
	[tilespmem:$0x2810] =	vst @!p2 v1  }
0x61: {  	[tilespmem:$0x2910] =	vst @!p2 v0  }
0x62: {  	v0 =	vld @!p2 [tilespmem:s26+$0x120];
	_ =	sdelay $0x4  }
0x63: {  	v1 =	vand.u32 @!p2 $0xFFFF, v0  }
0x64: {  	v0 =	vshrl.u32 @!p2 v0, $0x10;
	[tilespmem:$0x2820] =	vst @!p2 v1  }
0x65: {  	[tilespmem:$0x2920] =	vst @!p2 v0  }
0x66: {  	v0 =	vld @!p2 [tilespmem:s26+$0x130];
	_ =	sdelay $0x4  }
0x67: {  	v1 =	vand.u32 @!p2 $0xFFFF, v0  }
0x68: {  	v0 =	vshrl.u32 @!p2 v0, $0x10;
	[tilespmem:$0x2830] =	vst @!p2 v1  }
0x69: {  	[tilespmem:$0x2930] =	vst @!p2 v0  }
0x6a: {  	v0 =	vld @!p2 [tilespmem:s26+$0x140];
	_ =	sdelay $0x4  }
0x6b: {  	v1 =	vand.u32 @!p2 $0xFFFF, v0  }
0x6c: {  	v0 =	vshrl.u32 @!p2 v0, $0x10;
	[tilespmem:$0x2840] =	vst @!p2 v1  }
0x6d: {  	[tilespmem:$0x2940] =	vst @!p2 v0  }
0x6e: {  	v0 =	vld @!p2 [tilespmem:s26+$0x150];
	_ =	sdelay $0x4  }
0x6f: {  	v1 =	vand.u32 @!p2 $0xFFFF, v0  }
0x70: {  	v0 =	vshrl.u32 @!p2 v0, $0x10;
	[tilespmem:$0x2850] =	vst @!p2 v1  }
0x71: {  	[tilespmem:$0x2950] =	vst @!p2 v0  }
0x72: {  	v0 =	vld @!p2 [tilespmem:s26+$0x160];
	_ =	sdelay $0x4  }
0x73: {  	s29 =	simm.s32 @!p2 $0x80;
	v1 =	vand.u32 @!p2 $0xFFFF, v0  }
0x74: {  	s30 =	simm.s32 @!p2 $0x2800;
	s31 =	simm.s32 @!p2 $0x2A00;
	s25 =	simm.s32 $0x400;
	v0 =	vshrl.u32 @!p2 v0, $0x10;
	[tilespmem:$0x2860] =	vst @!p2 v1  }
.LBB2_2:
0x75: {  	[tilespmem:$0x2960] =	vst @!p2 v0;
	s28 =	smov.u32 s25;
	s25 =	sadd.s32 $0x400, s25  }
0x76: {  	p1 =	sne.s32 s25, $0xA000;
	v0 =	vld @!p2 [tilespmem:s26+$0x170];
	_ =	sdelay $0x4  }
0x77: {  	v1 =	vand.u32 @!p2 $0xFFFF, v0;
	v0 =	vshrl.u32 @!p2 v0, $0x10  }
0x78: {  	[tilespmem:$0x2870] =	vst @!p2 v1  }
0x79: {  	[tilespmem:$0x2970] =	vst @!p2 v0  }
0x7a: {  	[tilespmem:s31], [sflag:$0x1] =	stream.indirect.gather @!p2 [hbm4b:s1+s29], $0x80, s30, s29, $0xb8;
	[tilespmem:$0x1E600] =	vst v63  }
0x7b: {  	_ =	swait.ge [sflag:s20], $0x4000  }
0x7c: {  	[sflag:s20] =	ssyncset.done $0x0  }
0x7d: {  	[sflag:s20] =	ssyncadd.s32 $0xFFFFC000  }
0x7e: {  	[spmem:s3] =	stream.indirect.scatter.add.f32 [tilespmem:s17], [sflag:$0x3], $0x80, s21, s11, $0xb8;
	[tilespmem:$0x1E600] =	vst v63  }
0x7f: {  	_ =	swait.ge [sflag:s10], $0x4000  }
0x80: {  	[sflag:s10] =	ssyncset.done $0x0  }
0x81: {  	s26 =	sshra.s32 s28, $0x2;
	[sflag:s10] =	ssyncadd.s32 $0xFFFFC000  }
0x82: {  	v0 =	vld [tilespmem:s26+$0x80];
	_ =	sdelay $0x4  }
0x83: {  	v1 =	vand.u32 $0xFFFF, v0;
	v0 =	vshrl.u32 v0, $0x10  }
0x84: {  	[tilespmem:$0x2880] =	vst v1  }
0x85: {  	[tilespmem:$0x2980] =	vst v0  }
0x86: {  	v0 =	vld [tilespmem:s26+$0x90];
	_ =	sdelay $0x4  }
0x87: {  	v1 =	vand.u32 $0xFFFF, v0;
	v0 =	vshrl.u32 v0, $0x10  }
0x88: {  	[tilespmem:$0x2890] =	vst v1  }
0x89: {  	[tilespmem:$0x2990] =	vst v0  }
0x8a: {  	v0 =	vld [tilespmem:s26+$0xA0];
	_ =	sdelay $0x4  }
0x8b: {  	v1 =	vand.u32 $0xFFFF, v0;
	v0 =	vshrl.u32 v0, $0x10  }
0x8c: {  	[tilespmem:$0x28A0] =	vst v1  }
0x8d: {  	[tilespmem:$0x29A0] =	vst v0  }
0x8e: {  	v0 =	vld [tilespmem:s26+$0xB0];
	_ =	sdelay $0x4  }
0x8f: {  	v1 =	vand.u32 $0xFFFF, v0;
	v0 =	vshrl.u32 v0, $0x10  }
0x90: {  	[tilespmem:$0x28B0] =	vst v1  }
0x91: {  	[tilespmem:$0x29B0] =	vst v0  }
0x92: {  	v0 =	vld [tilespmem:s26+$0xC0];
	_ =	sdelay $0x4  }
0x93: {  	v1 =	vand.u32 $0xFFFF, v0;
	v0 =	vshrl.u32 v0, $0x10  }
0x94: {  	[tilespmem:$0x28C0] =	vst v1  }
0x95: {  	[tilespmem:$0x29C0] =	vst v0  }
0x96: {  	v0 =	vld [tilespmem:s26+$0xD0];
	_ =	sdelay $0x4  }
0x97: {  	v1 =	vand.u32 $0xFFFF, v0;
	v0 =	vshrl.u32 v0, $0x10  }
0x98: {  	[tilespmem:$0x28D0] =	vst v1  }
0x99: {  	[tilespmem:$0x29D0] =	vst v0  }
0x9a: {  	v0 =	vld [tilespmem:s26+$0xE0];
	_ =	sdelay $0x4  }
0x9b: {  	v1 =	vand.u32 $0xFFFF, v0;
	v0 =	vshrl.u32 v0, $0x10  }
0x9c: {  	[tilespmem:$0x28E0] =	vst v1  }
0x9d: {  	[tilespmem:$0x29E0] =	vst v0  }
0x9e: {  	v0 =	vld [tilespmem:s26+$0xF0];
	_ =	sdelay $0x4  }
0x9f: {  	v1 =	vand.u32 $0xFFFF, v0;
	v0 =	vshrl.u32 v0, $0x10  }
0xa0: {  	p2 =	seq.s32 s28, $0x9C00;
	[tilespmem:$0x28F0] =	vst v1  }
0xa1: {  	s26 =	sshra.s32 @!p2 s28, $0x2;
	[tilespmem:$0x29F0] =	vst v0  }
0xa2: {  	[tilespmem:s17], [sflag:$0x2] =	stream.indirect.gather [hbm4b:s1+s11], $0x80, s16, s11, $0xb8;
	[tilespmem:$0x1E600] =	vst v63  }
0xa3: {  	_ =	swait.ge [sflag:s18], $0x4000  }
0xa4: {  	[sflag:s18] =	ssyncset.done $0x0  }
0xa5: {  	[sflag:s18] =	ssyncadd.s32 $0xFFFFC000  }
0xa6: {  	[spmem:s3] =	stream.indirect.scatter.add.f32 [tilespmem:s13], [sflag:$0x3], $0x80, s19, s11, $0xb8;
	[tilespmem:$0x1E600] =	vst v63  }
0xa7: {  	_ =	swait.ge [sflag:s10], $0x4000  }
0xa8: {  	[sflag:s10] =	ssyncset.done $0x0  }
0xa9: {  	[sflag:s10] =	ssyncadd.s32 $0xFFFFC000  }
0xaa: {  	v0 =	vld @!p2 [tilespmem:s26+$0x100];
	_ =	sdelay $0x4  }
0xab: {  	v1 =	vand.u32 @!p2 $0xFFFF, v0;
	v0 =	vshrl.u32 @!p2 v0, $0x10  }
0xac: {  	[tilespmem:$0x2800] =	vst @!p2 v1  }
0xad: {  	[tilespmem:$0x2900] =	vst @!p2 v0  }
0xae: {  	v0 =	vld @!p2 [tilespmem:s26+$0x110];
	_ =	sdelay $0x4  }
0xaf: {  	v1 =	vand.u32 @!p2 $0xFFFF, v0;
	v0 =	vshrl.u32 @!p2 v0, $0x10  }
0xb0: {  	[tilespmem:$0x2810] =	vst @!p2 v1  }
0xb1: {  	[tilespmem:$0x2910] =	vst @!p2 v0  }
0xb2: {  	v0 =	vld @!p2 [tilespmem:s26+$0x120];
	_ =	sdelay $0x4  }
0xb3: {  	v1 =	vand.u32 @!p2 $0xFFFF, v0;
	v0 =	vshrl.u32 @!p2 v0, $0x10  }
0xb4: {  	[tilespmem:$0x2820] =	vst @!p2 v1  }
0xb5: {  	[tilespmem:$0x2920] =	vst @!p2 v0  }
0xb6: {  	v0 =	vld @!p2 [tilespmem:s26+$0x130];
	_ =	sdelay $0x4  }
0xb7: {  	v1 =	vand.u32 @!p2 $0xFFFF, v0;
	v0 =	vshrl.u32 @!p2 v0, $0x10  }
0xb8: {  	[tilespmem:$0x2830] =	vst @!p2 v1  }
0xb9: {  	[tilespmem:$0x2930] =	vst @!p2 v0  }
0xba: {  	v0 =	vld @!p2 [tilespmem:s26+$0x140];
	_ =	sdelay $0x4  }
0xbb: {  	v1 =	vand.u32 @!p2 $0xFFFF, v0;
	v0 =	vshrl.u32 @!p2 v0, $0x10  }
0xbc: {  	[tilespmem:$0x2840] =	vst @!p2 v1  }
0xbd: {  	[tilespmem:$0x2940] =	vst @!p2 v0  }
0xbe: {  	v0 =	vld @!p2 [tilespmem:s26+$0x150];
	_ =	sdelay $0x4  }
0xbf: {  	v1 =	vand.u32 @!p2 $0xFFFF, v0;
	v0 =	vshrl.u32 @!p2 v0, $0x10  }
0xc0: {  	[tilespmem:$0x2850] =	vst @!p2 v1  }
0xc1: {  	s29 =	simm.s32 @!p2 $0x80;
	s30 =	simm.s32 @!p2 $0x2800;
	s31 =	simm.s32 @!p2 $0x2A00;
	[tilespmem:$0x2950] =	vst @!p2 v0  }
0xc2: {  	v0 =	vld @!p2 [tilespmem:s26+$0x160];
	_ =	sdelay $0x1  }
.Ltmp0:
0xc3: {  	(pc) =	sbr.rel @p1 .LBB2_2-.Ltmp0, $3  }
0xc4: {  	_ =	sdelay $0x1  }
0xc5: {  	v1 =	vand.u32 @!p2 $0xFFFF, v0;
	v0 =	vshrl.u32 @!p2 v0, $0x10  }
0xc6: {  	[tilespmem:$0x2860] =	vst @!p2 v1  }
0xc7: {  	[tilespmem:$0x2960] =	vst @!p2 v0  }
0xc8: {  	v0 =	vld @!p2 [tilespmem:s26+$0x170];
	_ =	sdelay $0x4  }
0xc9: {  	v1 =	vand.u32 @!p2 $0xFFFF, v0  }
0xca: {  	v0 =	vshrl.u32 @!p2 v0, $0x10;
	[tilespmem:$0x2870] =	vst @!p2 v1  }
0xcb: {  	[tilespmem:$0x2970] =	vst @!p2 v0  }
0xcc: {  	[tilespmem:s31], [sflag:$0x1] =	stream.indirect.gather @!p2 [hbm4b:s1+s29], $0x80, s30, s29, $0xb8;
	[tilespmem:$0x1E600] =	vst v63  }
0xcd: {  	_ =	swait.ge [sflag:s20], $0x4000  }
0xce: {  	[sflag:s20] =	ssyncset.done $0x0  }
0xcf: {  	[sflag:s20] =	ssyncadd.s32 $0xFFFFC000  }
0xd0: {  	[spmem:s3] =	stream.indirect.scatter.add.f32 [tilespmem:s17], [sflag:$0x3], $0x80, s21, s11, $0xb8;
	[tilespmem:$0x1E600] =	vst v63  }
0xd1: {  	_ =	swait.ge [sflag:s10], $0x4000  }
0xd2: {  	[sflag:s10] =	ssyncset.done $0x0  }
0xd3: {  	[sflag:s10] =	ssyncadd.s32 $0xFFFFC000  }
0xd4: {  	[bflag:$0x0] =	sbarrier.arrive $0xFFFF  }
0xd5: {  	[hbm:s7], [sflag:s14] =	dma.local [spmem:s22], $0x2700  }
0xd6: {  	s24 =	sadd.s32 $0x1, s24;
	_ =	swait.ge [sflag:s10], $0x2700  }
0xd7: {  	p1 =	sne.s32 s24, s9;
	[sflag:s10] =	ssyncset.done $0x0  }
.Ltmp1:
0xd8: {  	s25 =	simm.s32 @!p0 $0x3;
	[sflag:s10] =	ssyncadd.s32 $0xFFFFD900;
	(pc) =	sbr.rel @p1 .LBB2_1-.Ltmp1, $4  }
0xd9: {  	[hbm:s8], [sflag:s14] =	dma.local @!p0 [spmem:s23], $0x100  }
0xda: {  	_ =	swait.ge @!p0 [sflag:s25], $0x100  }
0xdb: {  	[sflag:s25] =	ssyncset.done @!p0 $0x0  }
0xdc: {  	[sflag:s25] =	ssyncadd.s32 @!p0 $0xFFFFFF00  }
0xdd: {  	_ =	sfence.sel $0x180000  }
0xde: {  	[bflag:$0x0] =	sbarrier.arrive $0xFFFF  }
0xdf: {  	p0 =	sne.s32 s0, $0x0;
	_ =	strace $0x9000004A  }
0xe0: {  	s0 =	sadd.s32 @!p0 $0x100000, s2;
	[bflag:$0x2] =	sbarrier.arrive $0xFFFF  }
0xe1: {  	[sflag:s0] =	ssyncadd.tile.s32 @!p0 $0x1;
	_ =	shalt  }
.Lfunc_end2:
_tile_overlayer_lowered:
.L_overlay_start_2:
0xe2: {  	(tag) =	ssettag $0x2  }
0xe3: {  	s0 =	rddreg [dreg:$0x0];
	s2 =	stileid.u32  }
0xe4: {  	s1 =	rddreg [dreg:$0x1];
	p0 =	sne.s32 s2, $0x0  }
0xe5: {  	s3 =	rddreg [dreg:$0x2];
	[bflag:$0x3] =	sbarrier.arrive $0xFFFF;
	s2 =	simm.s32 @!p0 $0x1C03  }
0xe6: {  	[timem:s3], [sflag:s2] =	dma.local @!p0 [hbm:s0], s1  }
0xe7: {  	s0 =	simm.s32 @!p0 $0x3  }
0xe8: {  	_ =	swait.ge @!p0 [sflag:s0], s1  }
0xe9: {  	s1 =	ssub.s32 @!p0 $0x0, s1;
	[sflag:s0] =	ssyncset.done @!p0 $0x0  }
0xea: {  	[sflag:s0] =	ssyncadd.s32 @!p0 s1  }
0xeb: {  	[bflag:$0x3] =	sbarrier.arrive $0xFFFF  }
0xec: {  	_ =	shalt  }

// kernel: kernel.18.cloned.1.call-start
scs
__scs_entry_jumppad:
0x0: {  	(pc) =	sbr.rel $0x88, $3  }
0x1: {  	(tag) =	ssettag $0x0;
	lr =	simm.s32 $0x1  }
0x2: {  	[smem:$0x3F96] =	sst lr;
	_ =	strace $0xD0000000  }
0x3: {  	_ = 	snop  }
0x4: {  	_ = 	snop  }
0x5: {  	_ = 	snop  }
0x6: {  	_ = 	snop  }
0x7: {  	_ = 	snop  }
__scs_overlays_trampoline_lowered:
0x8: {  	[smem:$0x3FA5] =	sst s0  }
0x9: {  	[smem:$0x3FA6] =	sst s1  }
0xa: {  	[smem:$0x3FA7] =	sst s2  }
0xb: {  	[smem:$0x3FA8] =	sst s3  }
0xc: {  	[smem:$0x3FA9] =	sst s4  }
0xd: {  	[smem:$0x3FAA] =	sst s5  }
0xe: {  	[smem:$0x3FAB] =	sst s6  }
0xf: {  	[smem:$0x3FAC] =	sst s7  }
0x10: {  	[smem:$0x3FAD] =	sst s8  }
0x11: {  	[smem:$0x3FAE] =	sst s9;
	s0 =	simm.s32 @!p0 $0x0  }
0x12: {  	s1 =	sld [smem:$0x3F94];
	s0 =	simm.s32 @p0 $0x1  }
0x13: {  	[smem:$0x3FAF] =	sst s0;
	s0 =	simm.s32 @!p1 $0x0  }
0x14: {  	s2 =	sld [smem:$0x3F93];
	s0 =	simm.s32 @p1 $0x1  }
0x15: {  	[smem:$0x3FB0] =	sst s0;
	s0 =	simm.s32 @!p2 $0x0  }
0x16: {  	s3 =	sld [smem:$0x3FDB];
	s0 =	simm.s32 @p2 $0x1  }
0x17: {  	s4 =	simm.s32 $0x1BF5;
	[smem:$0x3FB2] =	sst s0  }
0x18: {  	s0 =	sld [smem:$0x3F95];
	_ =	swait.ge [sflag:s4], $0x0  }
0x19: {  	s7 =	sld [smem:$0x3F96]  }
0x1a: {  	s8 =	sadd.s32 $0xFFFFE003, lr  }
0x1b: {  	s9 =	sadd.s32 $0xFFFFFEF7, lr;
	s5 =	simm.s32 $0xFFFFFFFF;
	p2 =	slt.u32 s8, $0xFFFFF086  }
0x1c: {  	p1 =	slt.u32 s9, $0xF7A;
	s5 =	simm.s32 @!p2 $0x0  }
0x1d: {  	s5 =	simm.s32 @p1 $0x1;
	p0 =	seq.s32 s7, s2  }
0x1e: {  	s7 =	smul.u32 @!p0 $0xF7A, s2;
	p2 =	seq.s32 @!p0 s5, $0x0  }
0x1f: {  	s9 =	smul.u32 $0xF7A, s1;
	s8 =	simm.s32 @!p0 $0x1BF5;
	p2 =	por !p2, p0  }
0x20: {  	[sflag:s8] =	ssyncset.s32 @!p0 $0xFFFFF086;
	s6 =	sadd.s32 @!p0 s3, s7;
	s7 =	simm.s32 @!p0 $0x108  }
0x21: {  	s3 =	sadd.s32 s3, s9;
	s6 =	sadd.s32 @!p0 $0x88, s6;
	s7 =	simm.s32 @p2 $0x1082  }
0x22: {  	[simem:s7], [sflag:s8] =	dma.local @!p0 [hbm:s6], $0xF7A  }
0x23: {  	s9 =	sor.u32 $0xD0000000, s2;
	s6 =	simm.s32 $0x108;
	_ =	swait.ge @!p0 [sflag:s8], $0x0  }
0x24: {  	s3 =	sadd.s32 $0x88, s3;
	s6 =	simm.s32 @!p1 $0x1082;
	[sflag:s4] =	ssyncset.s32 $0xFFFFF086  }
0x25: {  	[simem:s6], [sflag:s4] =	dma.local [hbm:s3], $0xF7A  }
0x26: {  	[smem:$0x3F96] =	sst s1;
	(tag) =	ssettag s2;
	_ =	strace s9  }
0x27: {  	s1 =	sld [smem:$0x3FA6]  }
0x28: {  	s2 =	sld [smem:$0x3FA7]  }
0x29: {  	s4 =	sld [smem:$0x3FA9]  }
0x2a: {  	p0 =	seq.s32 s5, $0x0;
	s5 =	sld [smem:$0x3FAA]  }
0x2b: {  	s6 =	sld [smem:$0x3FAB]  }
0x2c: {  	s7 =	sld [smem:$0x3FAC]  }
0x2d: {  	s3 =	simm.s32 $0x108;
	s8 =	sld [smem:$0x3FAD]  }
0x2e: {  	s3 =	simm.s32 @!p0 $0x1082;
	s9 =	sld [smem:$0x3FAE]  }
0x2f: {  	lr =	sadd.s32 s0, s3;
	s0 =	sld [smem:$0x3FA5]  }
0x30: {  	s3 =	sld [smem:$0x3FA8]  }
0x31: {  	[smem:$0x3FB1] =	sst s10  }
0x32: {  	s10 =	sld [smem:$0x3FAF];
	_ =	sdelay $0x3  }
0x33: {  	p0 =	seq.s32 s10, $0x1;
	s10 =	sld [smem:$0x3FB1];
	_ =	sdelay $0x3  }
0x34: {  	[smem:$0x3FB1] =	sst s10  }
0x35: {  	s10 =	sld [smem:$0x3FB0];
	_ =	sdelay $0x3  }
0x36: {  	p1 =	seq.s32 s10, $0x1;
	s10 =	sld [smem:$0x3FB1];
	_ =	sdelay $0x3  }
0x37: {  	[smem:$0x3FB1] =	sst s10  }
0x38: {  	s10 =	sld [smem:$0x3FB2]  }
0x39: {  	_ = 	snop;
	(pc) =	sbr.ind lr, $3  }
0x3a: {  	_ = 	snop  }
0x3b: {  	_ = 	snop  }
0x3c: {  	p2 =	seq.s32 s10, $0x1;
	s10 =	sld [smem:$0x3FB1]  }
0x3d: {  	_ =	shalt  }
0x3e: {  	_ =	shalt  }
0x3f: {  	_ =	shalt  }
0x40: {  	_ =	shalt  }
0x41: {  	_ =	shalt  }
0x42: {  	_ =	shalt  }
0x43: {  	_ =	shalt  }
0x44: {  	_ =	shalt  }
0x45: {  	_ =	shalt  }
0x46: {  	_ =	shalt  }
0x47: {  	_ =	shalt  }
0x48: {  	_ =	shalt  }
0x49: {  	_ =	shalt  }
0x4a: {  	_ =	shalt  }
0x4b: {  	_ =	shalt  }
0x4c: {  	_ =	shalt  }
0x4d: {  	_ =	shalt  }
0x4e: {  	_ =	shalt  }
0x4f: {  	_ =	shalt  }
0x50: {  	_ =	shalt  }
0x51: {  	_ =	shalt  }
0x52: {  	_ =	shalt  }
0x53: {  	_ =	shalt  }
0x54: {  	_ =	shalt  }
0x55: {  	_ =	shalt  }
0x56: {  	_ =	shalt  }
0x57: {  	_ =	shalt  }
0x58: {  	_ =	shalt  }
0x59: {  	_ =	shalt  }
0x5a: {  	_ =	shalt  }
0x5b: {  	_ =	shalt  }
0x5c: {  	_ =	shalt  }
0x5d: {  	_ =	shalt  }
0x5e: {  	_ =	shalt  }
0x5f: {  	_ =	shalt  }
0x60: {  	_ =	shalt  }
0x61: {  	_ =	shalt  }
0x62: {  	_ =	shalt  }
0x63: {  	_ =	shalt  }
0x64: {  	_ =	shalt  }
0x65: {  	_ =	shalt  }
0x66: {  	_ =	shalt  }
0x67: {  	_ =	shalt  }
0x68: {  	_ =	shalt  }
0x69: {  	_ =	shalt  }
0x6a: {  	_ =	shalt  }
0x6b: {  	_ =	shalt  }
0x6c: {  	_ =	shalt  }
0x6d: {  	_ =	shalt  }
0x6e: {  	_ =	shalt  }
0x6f: {  	_ =	shalt  }
0x70: {  	_ =	shalt  }
0x71: {  	_ =	shalt  }
0x72: {  	_ =	shalt  }
0x73: {  	_ =	shalt  }
0x74: {  	_ =	shalt  }
0x75: {  	_ =	shalt  }
0x76: {  	_ =	shalt  }
0x77: {  	_ =	shalt  }
0x78: {  	_ =	shalt  }
0x79: {  	_ =	shalt  }
0x7a: {  	_ =	shalt  }
0x7b: {  	_ =	shalt  }
0x7c: {  	_ =	shalt  }
0x7d: {  	_ =	shalt  }
0x7e: {  	_ =	shalt  }
0x7f: {  	_ =	shalt  }
0x80: {  	_ =	shalt  }
0x81: {  	_ =	shalt  }
0x82: {  	_ =	shalt  }
0x83: {  	_ =	shalt  }
0x84: {  	_ =	shalt  }
0x85: {  	_ =	shalt  }
0x86: {  	_ =	shalt  }
0x87: {  	_ =	shalt  }
.Lfunc_end0:
.L_simem_size_0:
called_computation.2_lowered:
.L_overlay_start_0:
0x88: {  	s2 =	sld [smem:$0x3FD9]  }
0x89: {  	s3 =	sld [smem:$0x3FFE];
	_ =	sdelay $0x1  }
0x8a: {  	s1 =	srdreg.scid  }
0x8b: {  	s0 =	sand.u32 $0x1, s1  }
0x8c: {  	s17 =	sshll.u32 s0, $0xA;
	s2 =	sadd.s32 s3, s2  }
0x8d: {  	s2 =	sadd.s32 s2, s17  }
0x8e: {  	[smem:$0x3FBD] =	sst s2  }
0x8f: {  	_ = 	snop  }
0x90: {  	s2 =	sld [smem:$0x3FD0];
	(tm) =	ssettm $0x1  }
0x91: {  	s18 =	sld [smem:$0x3FFB];
	_ =	sdelay $0x3  }
0x92: {  	_ =	strace s18  }
0x93: {  	s3 =	sld [smem:$0x3FFC];
	_ =	sdelay $0x3  }
0x94: {  	_ =	strace s3  }
0x95: {  	s3 =	sld [smem:$0x3FFD];
	_ =	sdelay $0x3  }
0x96: {  	_ =	strace s3  }
0x97: {  	_ =	strace $0x8FFFFFFF  }
0x98: {  	s19 =	sld [smem:$0x3FDB];
	_ =	sdelay $0x1  }
0x99: {  	s4 =	simm.s32 $_scs_section_size  }
0x9a: {  	s5 =	simm.s32 $_size__tile_overlayer_lowered;
	s6 =	simm.s32 $_tile_overlayer_lowered  }
0x9b: {  	s22 =	simm.s32 $0x1BFF;
	s21 =	sshll.u32 s6, $0x1;
	s3 =	sadd.s32 s4, s19  }
0x9c: {  	s7 =	simm.s32 $0x0;
	s20 =	sshll.u32 s5, $0x1;
	s5 =	sadd.s32 s21, s3  }
0x9d: {  	[timem:s7], [sflag:s22] =	dma.local [hbm:s5], s20  }
0x9e: {  	_ =	swait.ge [sflag:s22], s20  }
0x9f: {  	s4 =	ssub.s32 $0x0, s20;
	[sflag:s22] =	ssyncset.done $0x0  }
0xa0: {  	[sflag:s22] =	ssyncadd.s32 s4;
	_ =	sdelay $0x1  }
0xa1: {  	s23 =	simm.s32 $0x1B8B  }
0xa2: {  	_ =	swait.ge [sflag:s23], $0x1  }
0xa3: {  	[sflag:s23] =	ssyncset.done $0x0  }
0xa4: {  	s25 =	simm.s32 $0x1B8E;
	s24 =	sld [smem:$0x3FFE];
	[sflag:s23] =	ssyncadd.s32 $0xFFFFFFFF  }
0xa5: {  	s26 =	simm.s32 $execute0_lowered;
	[smem:$0x3FD2] =	sst s25  }
0xa6: {  	s5 =	sshll.u32 s26, $0x1;
	_ =	strace $0x8000004C;
	[dreg:$0x1] =	wrdreg $0xFFFFFFFF  }
0xa7: {  	s28 =	simm.s32 $_size_execute0_lowered;
	s3 =	sadd.s32 s3, s5;
	[dreg:$0x0] =	wrdreg $0x0  }
0xa8: {  	s5 =	sshll.u32 s28, $0x1;
	[dreg:$0x2] =	wrdreg s3  }
0xa9: {  	[dreg:$0x3] =	wrdreg s5  }
0xaa: {  	[dreg:$0x4] =	wrdreg $0xC0  }
0xab: {  	_ =	task [dreg:s7], $0x5FFFF  }
0xac: {  	[dreg:$0x1] =	wrdreg $0xFFFFFFFF  }
0xad: {  	[dreg:$0x0] =	wrdreg $0x60  }
0xae: {  	[dreg:$0x2] =	wrdreg s2  }
0xaf: {  	[dreg:$0x3] =	wrdreg s24  }
0xb0: {  	[dreg:$0x4] =	wrdreg $0xAA000  }
0xb1: {  	[dreg:$0x5] =	wrdreg $0x9  }
0xb2: {  	_ =	task.clear_ibuf [dreg:s7], $0x6FFFF;
	_ =	strace $0x9000004C  }
0xb3: {  	s29 =	simm.s32 $0x9;
	_ =	strace $0x8000004E  }
0xb4: {  	_ =	swait.ge [sflag:s29], $0x1  }
0xb5: {  	[sflag:s29] =	ssyncadd.s32 $0xFFFFFFFF  }
0xb6: {  	_ =	strace $0x9000004E  }
0xb7: {  	_ =	sfence  }
0xb8: {  	s30 =	sld [smem:$0x0];
	_ =	sdelay $0x2  }
0xb9: {  	s31 =	sshll.u32 s1, $0xD;
	s1 =	sshrl.u32 s1, $0x2  }
0xba: {  	s3 =	sand.u32 $0x4000, s31;
	s1 =	sadd.s32 s1, s30  }
0xbb: {  	s0 =	sor.u32 s3, s0;
	s1 =	sshll.u32 s1, $0x11  }
0xbc: {  	s0 =	sor.u32 s1, s0  }
0xbd: {  	s0 =	sadd.s32 $0x8F2B, s0  }
0xbe: {  	[sflag:s0] =	ssyncadd.remote.s32 $0x1  }
0xbf: {  	_ =	sfence.sel $0xFFFF  }
0xc0: {  	[dreg:$0x0] =	wrdreg $0xFFFFFFFF;
	(pc) =	sbr.abs _section_cstart, $3  }
0xc1: {  	[dreg:$0x1] =	wrdreg $0xFFFFFFFF  }
0xc2: {  	_ =	task.clear_ibuf [dreg:s7], $0x2FFFF;
	_ =	strace $0x9FFFFFFF  }
0xc3: {  	(tm) =	ssettm $0x7FFFFFFF  }
tec
execute0_lowered:
.L_overlay_start_1:
0x0: {  	(tag) =	ssettag $0x1  }
0x1: {  	s1 =	rddreg [dreg:$0x0];
	s2 =	srdreg.scid  }
0x2: {  	s0 =	stileid.u32;
	s5 =	rddreg [dreg:$0x1]  }
0x3: {  	s3 =	rddreg [dreg:$0x2];
	s4 =	simm.s32 $0x0;
	s16 =	simm.s32 $0x2880  }
0x4: {  	s17 =	simm.s32 $0x6A00;
	s18 =	simm.s32 $0x1;
	s19 =	simm.s32 $0x2900  }
0x5: {  	s20 =	simm.s32 $0x2;
	s21 =	simm.s32 $0x2980;
	s8 =	smul.u32 $0x2780, s0  }
0x6: {  	s6 =	sand.u32 $0x1, s2;
	s2 =	rddreg [dreg:$0x3];
	s9 =	smul.u32 $0x4F000, s0  }
0x7: {  	s24 =	sshll.u32 s0, $0x1;
	[smem:$0x7FF] =	sst s4;
	s11 =	smul.u32 $0x4E000, s0  }
0x8: {  	s12 =	sadd.s32 $0x35400, s5;
	s26 =	smul.u32 $0x2700, s0;
	s23 =	sadd.s32 $0x138000, s3  }
0x9: {  	s31 =	sshll.u32 s0, $0x6;
	p0 =	sne.s32 s0, $0xF;
	s7 =	sor.u32 s6, s24  }
0xa: {  	_ =	strace $0x8000004D;
	s10 =	ssub.s32 $0x2, s6;
	s13 =	smul.u32 $0x27100, s6  }
0xb: {  	s14 =	smul.u32 $0x138800, s6;
	s23 =	sshrl.u32 @!p0 s23, $0x3;
	s24 =	simm.s32 $0x0  }
0xc: {  	s7 =	smul.u32 $0x500, s7;
	s8 =	sadd.s32 s8, s5;
	s25 =	sshrl.u32 s10, $0x1  }
0xd: {  	s9 =	sshrl.u32 s9, $0x2;
	s28 =	sshrl.u32 s11, $0x2;
	s11 =	simm.s32 $0x80  }
0xe: {  	s10 =	ssub.s32 s10, s25;
	s15 =	sadd.s32 s9, s3;
	s6 =	sadd.s32 $0x3C00, s8  }
0xf: {  	s29 =	sshrl.u32 s14, $0x3;
	s22 =	sadd.s32 s28, s3;
	s14 =	sor.u32 $0x1C03, s31  }
0x10: {  	s7 =	sadd.s32 s7, s5;
	s30 =	sadd.s32 s12, s29;
	s9 =	smax.u32 s10, $0x1  }
0x11: {  	s10 =	simm.s32 $0x3;
	s15 =	sshrl.u32 s15, $0x3;
	s22 =	sshrl.u32 s22, $0x3  }
0x12: {  	s5 =	sadd.s32 $0x2B400, s7;
	s7 =	sadd.s32 s26, s13;
	s8 =	sadd.s32 $0x27000, s30  }
0x13: {  	s13 =	simm.s32 $0x2A00;
	s7 =	sadd.s32 s12, s7;
	s12 =	simm.s32 $0x2800  }
.LBB2_1:
0x14: {  	[tilespmem:s4], [sflag:$0x3] =	stream.linear.gather [hbm4b:s5+s4], $0x2800, $0x38;
	[tilespmem:$0x1E600] =	vst v63  }
0x15: {  	_ =	swait.ge [sflag:s10], $0x2800  }
0x16: {  	[sflag:s10] =	ssyncset.done $0x0  }
0x17: {  	[sflag:s10] =	ssyncadd.s32 $0xFFFFD800  }
0x18: {  	v0 =	vld [tilespmem:$0x0];
	_ =	sdelay $0x1  }
0x19: {  	v1 =	vld [tilespmem:$0x10];
	_ =	sdelay $0x1  }
0x1a: {  	v2 =	vld [tilespmem:$0x20]  }
0x1b: {  	v3 =	vand.u32 $0xFFFF, v0  }
0x1c: {  	v0 =	vshrl.u32 v0, $0x10;
	[tilespmem:$0x2800] =	vst v3;
	v3 =	vld [tilespmem:$0x30]  }
0x1d: {  	[tilespmem:$0x2900] =	vst v0;
	v0 =	vand.u32 $0xFFFF, v1  }
0x1e: {  	[tilespmem:$0x2810] =	vst v0;
	v0 =	vshrl.u32 v1, $0x10;
	v1 =	vld [tilespmem:$0x40]  }
0x1f: {  	[tilespmem:$0x2910] =	vst v0;
	v0 =	vand.u32 $0xFFFF, v2  }
0x20: {  	[tilespmem:$0x2820] =	vst v0;
	v0 =	vshrl.u32 v2, $0x10;
	v2 =	vld [tilespmem:$0x50]  }
0x21: {  	[tilespmem:$0x2920] =	vst v0;
	v0 =	vand.u32 $0xFFFF, v3  }
0x22: {  	[tilespmem:$0x2830] =	vst v0;
	v0 =	vshrl.u32 v3, $0x10;
	v3 =	vld [tilespmem:$0x60]  }
0x23: {  	[tilespmem:$0x2930] =	vst v0;
	v0 =	vand.u32 $0xFFFF, v1  }
0x24: {  	[tilespmem:$0x2840] =	vst v0;
	v0 =	vshrl.u32 v1, $0x10;
	v1 =	vld [tilespmem:$0x70]  }
0x25: {  	[tilespmem:$0x2940] =	vst v0;
	v0 =	vand.u32 $0xFFFF, v2  }
0x26: {  	[tilespmem:$0x2850] =	vst v0;
	v0 =	vshrl.u32 v2, $0x10  }
0x27: {  	[tilespmem:$0x2950] =	vst v0;
	v0 =	vand.u32 $0xFFFF, v3  }
0x28: {  	[tilespmem:$0x2860] =	vst v0;
	v0 =	vshrl.u32 v3, $0x10  }
0x29: {  	[tilespmem:$0x2960] =	vst v0;
	v0 =	vand.u32 $0xFFFF, v1  }
0x2a: {  	[tilespmem:$0x2870] =	vst v0;
	v0 =	vshrl.u32 v1, $0x10  }
0x2b: {  	[tilespmem:$0x2970] =	vst v0  }
0x2c: {  	[tilespmem:s13], [sflag:$0x1] =	stream.indirect.gather [hbm4b:s1+s11], $0x80, s12, s11, $0xb8;
	[tilespmem:$0x1E600] =	vst v63  }
0x2d: {  	[spmem:s15], [sflag:s14] =	dma.local [hbm:s6], $0x2780  }
0x2e: {  	_ =	swait.ge [sflag:s10], $0x2780  }
0x2f: {  	[sflag:s10] =	ssyncset.done $0x0  }
0x30: {  	[sflag:s10] =	ssyncadd.s32 $0xFFFFD880  }
0x31: {  	s25 =	simm.s32 $0x0;
	[bflag:$0x0] =	sbarrier.arrive $0xFFFF  }
0x32: {  	v0 =	vld [tilespmem:s25+$0x80];
	_ =	sdelay $0x4  }
0x33: {  	v1 =	vand.u32 $0xFFFF, v0  }
0x34: {  	v0 =	vshrl.u32 v0, $0x10;
	[tilespmem:$0x2880] =	vst v1  }
0x35: {  	[tilespmem:$0x2980] =	vst v0  }
0x36: {  	v0 =	vld [tilespmem:s25+$0x90];
	_ =	sdelay $0x4  }
0x37: {  	v1 =	vand.u32 $0xFFFF, v0  }
0x38: {  	v0 =	vshrl.u32 v0, $0x10;
	[tilespmem:$0x2890] =	vst v1  }
0x39: {  	[tilespmem:$0x2990] =	vst v0  }
0x3a: {  	v0 =	vld [tilespmem:s25+$0xA0];
	_ =	sdelay $0x4  }
0x3b: {  	v1 =	vand.u32 $0xFFFF, v0  }
0x3c: {  	v0 =	vshrl.u32 v0, $0x10;
	[tilespmem:$0x28A0] =	vst v1  }
0x3d: {  	[tilespmem:$0x29A0] =	vst v0  }
0x3e: {  	v0 =	vld [tilespmem:s25+$0xB0];
	_ =	sdelay $0x4  }
0x3f: {  	v1 =	vand.u32 $0xFFFF, v0  }
0x40: {  	v0 =	vshrl.u32 v0, $0x10;
	[tilespmem:$0x28B0] =	vst v1  }
0x41: {  	[tilespmem:$0x29B0] =	vst v0  }
0x42: {  	v0 =	vld [tilespmem:s25+$0xC0];
	_ =	sdelay $0x4  }
0x43: {  	v1 =	vand.u32 $0xFFFF, v0  }
0x44: {  	v0 =	vshrl.u32 v0, $0x10;
	[tilespmem:$0x28C0] =	vst v1  }
0x45: {  	[tilespmem:$0x29C0] =	vst v0  }
0x46: {  	v0 =	vld [tilespmem:s25+$0xD0];
	_ =	sdelay $0x4  }
0x47: {  	v1 =	vand.u32 $0xFFFF, v0  }
0x48: {  	v0 =	vshrl.u32 v0, $0x10;
	[tilespmem:$0x28D0] =	vst v1  }
0x49: {  	[tilespmem:$0x29D0] =	vst v0  }
0x4a: {  	v0 =	vld [tilespmem:s25+$0xE0];
	_ =	sdelay $0x4  }
0x4b: {  	v1 =	vand.u32 $0xFFFF, v0  }
0x4c: {  	v0 =	vshrl.u32 v0, $0x10;
	[tilespmem:$0x28E0] =	vst v1  }
0x4d: {  	[tilespmem:$0x29E0] =	vst v0  }
0x4e: {  	v0 =	vld [tilespmem:s25+$0xF0];
	_ =	sdelay $0x4  }
0x4f: {  	v1 =	vand.u32 $0xFFFF, v0  }
0x50: {  	v0 =	vshrl.u32 v0, $0x10;
	[tilespmem:$0x28F0] =	vst v1  }
0x51: {  	[tilespmem:$0x29F0] =	vst v0  }
0x52: {  	[tilespmem:s17], [sflag:$0x2] =	stream.indirect.gather [hbm4b:s1+s11], $0x80, s16, s11, $0xb8;
	[tilespmem:$0x1E600] =	vst v63  }
0x53: {  	_ =	swait.ge [sflag:s18], $0x4000  }
0x54: {  	[sflag:s18] =	ssyncset.done $0x0  }
0x55: {  	[sflag:s18] =	ssyncadd.s32 $0xFFFFC000  }
0x56: {  	[spmem:s3] =	stream.indirect.scatter.add.f32 [tilespmem:s13], [sflag:$0x3], $0x80, s19, s11, $0xb8;
	[tilespmem:$0x1E600] =	vst v63  }
0x57: {  	_ =	swait.ge [sflag:s10], $0x4000  }
0x58: {  	p2 =	por $0x0, $0x0;
	[sflag:s10] =	ssyncset.done $0x0  }
0x59: {  	s26 =	simm.s32 @!p2 $0x0;
	[sflag:s10] =	ssyncadd.s32 $0xFFFFC000  }
0x5a: {  	v0 =	vld @!p2 [tilespmem:s26+$0x100];
	_ =	sdelay $0x4  }
0x5b: {  	v1 =	vand.u32 @!p2 $0xFFFF, v0  }
0x5c: {  	v0 =	vshrl.u32 @!p2 v0, $0x10;
	[tilespmem:$0x2800] =	vst @!p2 v1  }
0x5d: {  	[tilespmem:$0x2900] =	vst @!p2 v0  }
0x5e: {  	v0 =	vld @!p2 [tilespmem:s26+$0x110];
	_ =	sdelay $0x4  }
0x5f: {  	v1 =	vand.u32 @!p2 $0xFFFF, v0  }
0x60: {  	v0 =	vshrl.u32 @!p2 v0, $0x10;
	[tilespmem:$0x2810] =	vst @!p2 v1  }
0x61: {  	[tilespmem:$0x2910] =	vst @!p2 v0  }
0x62: {  	v0 =	vld @!p2 [tilespmem:s26+$0x120];
	_ =	sdelay $0x4  }
0x63: {  	v1 =	vand.u32 @!p2 $0xFFFF, v0  }
0x64: {  	v0 =	vshrl.u32 @!p2 v0, $0x10;
	[tilespmem:$0x2820] =	vst @!p2 v1  }
0x65: {  	[tilespmem:$0x2920] =	vst @!p2 v0  }
0x66: {  	v0 =	vld @!p2 [tilespmem:s26+$0x130];
	_ =	sdelay $0x4  }
0x67: {  	v1 =	vand.u32 @!p2 $0xFFFF, v0  }
0x68: {  	v0 =	vshrl.u32 @!p2 v0, $0x10;
	[tilespmem:$0x2830] =	vst @!p2 v1  }
0x69: {  	[tilespmem:$0x2930] =	vst @!p2 v0  }
0x6a: {  	v0 =	vld @!p2 [tilespmem:s26+$0x140];
	_ =	sdelay $0x4  }
0x6b: {  	v1 =	vand.u32 @!p2 $0xFFFF, v0  }
0x6c: {  	v0 =	vshrl.u32 @!p2 v0, $0x10;
	[tilespmem:$0x2840] =	vst @!p2 v1  }
0x6d: {  	[tilespmem:$0x2940] =	vst @!p2 v0  }
0x6e: {  	v0 =	vld @!p2 [tilespmem:s26+$0x150];
	_ =	sdelay $0x4  }
0x6f: {  	v1 =	vand.u32 @!p2 $0xFFFF, v0  }
0x70: {  	v0 =	vshrl.u32 @!p2 v0, $0x10;
	[tilespmem:$0x2850] =	vst @!p2 v1  }
0x71: {  	[tilespmem:$0x2950] =	vst @!p2 v0  }
0x72: {  	v0 =	vld @!p2 [tilespmem:s26+$0x160];
	_ =	sdelay $0x4  }
0x73: {  	s29 =	simm.s32 @!p2 $0x80;
	v1 =	vand.u32 @!p2 $0xFFFF, v0  }
0x74: {  	s30 =	simm.s32 @!p2 $0x2800;
	s31 =	simm.s32 @!p2 $0x2A00;
	s25 =	simm.s32 $0x400;
	v0 =	vshrl.u32 @!p2 v0, $0x10;
	[tilespmem:$0x2860] =	vst @!p2 v1  }
.LBB2_2:
0x75: {  	[tilespmem:$0x2960] =	vst @!p2 v0;
	s28 =	smov.u32 s25;
	s25 =	sadd.s32 $0x400, s25  }
0x76: {  	p1 =	sne.s32 s25, $0xA000;
	v0 =	vld @!p2 [tilespmem:s26+$0x170];
	_ =	sdelay $0x4  }
0x77: {  	v1 =	vand.u32 @!p2 $0xFFFF, v0;
	v0 =	vshrl.u32 @!p2 v0, $0x10  }
0x78: {  	[tilespmem:$0x2870] =	vst @!p2 v1  }
0x79: {  	[tilespmem:$0x2970] =	vst @!p2 v0  }
0x7a: {  	[tilespmem:s31], [sflag:$0x1] =	stream.indirect.gather @!p2 [hbm4b:s1+s29], $0x80, s30, s29, $0xb8;
	[tilespmem:$0x1E600] =	vst v63  }
0x7b: {  	_ =	swait.ge [sflag:s20], $0x4000  }
0x7c: {  	[sflag:s20] =	ssyncset.done $0x0  }
0x7d: {  	[sflag:s20] =	ssyncadd.s32 $0xFFFFC000  }
0x7e: {  	[spmem:s3] =	stream.indirect.scatter.add.f32 [tilespmem:s17], [sflag:$0x3], $0x80, s21, s11, $0xb8;
	[tilespmem:$0x1E600] =	vst v63  }
0x7f: {  	_ =	swait.ge [sflag:s10], $0x4000  }
0x80: {  	[sflag:s10] =	ssyncset.done $0x0  }
0x81: {  	s26 =	sshra.s32 s28, $0x2;
	[sflag:s10] =	ssyncadd.s32 $0xFFFFC000  }
0x82: {  	v0 =	vld [tilespmem:s26+$0x80];
	_ =	sdelay $0x4  }
0x83: {  	v1 =	vand.u32 $0xFFFF, v0;
	v0 =	vshrl.u32 v0, $0x10  }
0x84: {  	[tilespmem:$0x2880] =	vst v1  }
0x85: {  	[tilespmem:$0x2980] =	vst v0  }
0x86: {  	v0 =	vld [tilespmem:s26+$0x90];
	_ =	sdelay $0x4  }
0x87: {  	v1 =	vand.u32 $0xFFFF, v0;
	v0 =	vshrl.u32 v0, $0x10  }
0x88: {  	[tilespmem:$0x2890] =	vst v1  }
0x89: {  	[tilespmem:$0x2990] =	vst v0  }
0x8a: {  	v0 =	vld [tilespmem:s26+$0xA0];
	_ =	sdelay $0x4  }
0x8b: {  	v1 =	vand.u32 $0xFFFF, v0;
	v0 =	vshrl.u32 v0, $0x10  }
0x8c: {  	[tilespmem:$0x28A0] =	vst v1  }
0x8d: {  	[tilespmem:$0x29A0] =	vst v0  }
0x8e: {  	v0 =	vld [tilespmem:s26+$0xB0];
	_ =	sdelay $0x4  }
0x8f: {  	v1 =	vand.u32 $0xFFFF, v0;
	v0 =	vshrl.u32 v0, $0x10  }
0x90: {  	[tilespmem:$0x28B0] =	vst v1  }
0x91: {  	[tilespmem:$0x29B0] =	vst v0  }
0x92: {  	v0 =	vld [tilespmem:s26+$0xC0];
	_ =	sdelay $0x4  }
0x93: {  	v1 =	vand.u32 $0xFFFF, v0;
	v0 =	vshrl.u32 v0, $0x10  }
0x94: {  	[tilespmem:$0x28C0] =	vst v1  }
0x95: {  	[tilespmem:$0x29C0] =	vst v0  }
0x96: {  	v0 =	vld [tilespmem:s26+$0xD0];
	_ =	sdelay $0x4  }
0x97: {  	v1 =	vand.u32 $0xFFFF, v0;
	v0 =	vshrl.u32 v0, $0x10  }
0x98: {  	[tilespmem:$0x28D0] =	vst v1  }
0x99: {  	[tilespmem:$0x29D0] =	vst v0  }
0x9a: {  	v0 =	vld [tilespmem:s26+$0xE0];
	_ =	sdelay $0x4  }
0x9b: {  	v1 =	vand.u32 $0xFFFF, v0;
	v0 =	vshrl.u32 v0, $0x10  }
0x9c: {  	[tilespmem:$0x28E0] =	vst v1  }
0x9d: {  	[tilespmem:$0x29E0] =	vst v0  }
0x9e: {  	v0 =	vld [tilespmem:s26+$0xF0];
	_ =	sdelay $0x4  }
0x9f: {  	v1 =	vand.u32 $0xFFFF, v0;
	v0 =	vshrl.u32 v0, $0x10  }
0xa0: {  	p2 =	seq.s32 s28, $0x9C00;
	[tilespmem:$0x28F0] =	vst v1  }
0xa1: {  	s26 =	sshra.s32 @!p2 s28, $0x2;
	[tilespmem:$0x29F0] =	vst v0  }
0xa2: {  	[tilespmem:s17], [sflag:$0x2] =	stream.indirect.gather [hbm4b:s1+s11], $0x80, s16, s11, $0xb8;
	[tilespmem:$0x1E600] =	vst v63  }
0xa3: {  	_ =	swait.ge [sflag:s18], $0x4000  }
0xa4: {  	[sflag:s18] =	ssyncset.done $0x0  }
0xa5: {  	[sflag:s18] =	ssyncadd.s32 $0xFFFFC000  }
0xa6: {  	[spmem:s3] =	stream.indirect.scatter.add.f32 [tilespmem:s13], [sflag:$0x3], $0x80, s19, s11, $0xb8;
	[tilespmem:$0x1E600] =	vst v63  }
0xa7: {  	_ =	swait.ge [sflag:s10], $0x4000  }
0xa8: {  	[sflag:s10] =	ssyncset.done $0x0  }
0xa9: {  	[sflag:s10] =	ssyncadd.s32 $0xFFFFC000  }
0xaa: {  	v0 =	vld @!p2 [tilespmem:s26+$0x100];
	_ =	sdelay $0x4  }
0xab: {  	v1 =	vand.u32 @!p2 $0xFFFF, v0;
	v0 =	vshrl.u32 @!p2 v0, $0x10  }
0xac: {  	[tilespmem:$0x2800] =	vst @!p2 v1  }
0xad: {  	[tilespmem:$0x2900] =	vst @!p2 v0  }
0xae: {  	v0 =	vld @!p2 [tilespmem:s26+$0x110];
	_ =	sdelay $0x4  }
0xaf: {  	v1 =	vand.u32 @!p2 $0xFFFF, v0;
	v0 =	vshrl.u32 @!p2 v0, $0x10  }
0xb0: {  	[tilespmem:$0x2810] =	vst @!p2 v1  }
0xb1: {  	[tilespmem:$0x2910] =	vst @!p2 v0  }
0xb2: {  	v0 =	vld @!p2 [tilespmem:s26+$0x120];
	_ =	sdelay $0x4  }
0xb3: {  	v1 =	vand.u32 @!p2 $0xFFFF, v0;
	v0 =	vshrl.u32 @!p2 v0, $0x10  }
0xb4: {  	[tilespmem:$0x2820] =	vst @!p2 v1  }
0xb5: {  	[tilespmem:$0x2920] =	vst @!p2 v0  }
0xb6: {  	v0 =	vld @!p2 [tilespmem:s26+$0x130];
	_ =	sdelay $0x4  }
0xb7: {  	v1 =	vand.u32 @!p2 $0xFFFF, v0;
	v0 =	vshrl.u32 @!p2 v0, $0x10  }
0xb8: {  	[tilespmem:$0x2830] =	vst @!p2 v1  }
0xb9: {  	[tilespmem:$0x2930] =	vst @!p2 v0  }
0xba: {  	v0 =	vld @!p2 [tilespmem:s26+$0x140];
	_ =	sdelay $0x4  }
0xbb: {  	v1 =	vand.u32 @!p2 $0xFFFF, v0;
	v0 =	vshrl.u32 @!p2 v0, $0x10  }
0xbc: {  	[tilespmem:$0x2840] =	vst @!p2 v1  }
0xbd: {  	[tilespmem:$0x2940] =	vst @!p2 v0  }
0xbe: {  	v0 =	vld @!p2 [tilespmem:s26+$0x150];
	_ =	sdelay $0x4  }
0xbf: {  	v1 =	vand.u32 @!p2 $0xFFFF, v0;
	v0 =	vshrl.u32 @!p2 v0, $0x10  }
0xc0: {  	[tilespmem:$0x2850] =	vst @!p2 v1  }
0xc1: {  	s29 =	simm.s32 @!p2 $0x80;
	s30 =	simm.s32 @!p2 $0x2800;
	s31 =	simm.s32 @!p2 $0x2A00;
	[tilespmem:$0x2950] =	vst @!p2 v0  }
0xc2: {  	v0 =	vld @!p2 [tilespmem:s26+$0x160];
	_ =	sdelay $0x1  }
.Ltmp0:
0xc3: {  	(pc) =	sbr.rel @p1 .LBB2_2-.Ltmp0, $3  }
0xc4: {  	_ =	sdelay $0x1  }
0xc5: {  	v1 =	vand.u32 @!p2 $0xFFFF, v0;
	v0 =	vshrl.u32 @!p2 v0, $0x10  }
0xc6: {  	[tilespmem:$0x2860] =	vst @!p2 v1  }
0xc7: {  	[tilespmem:$0x2960] =	vst @!p2 v0  }
0xc8: {  	v0 =	vld @!p2 [tilespmem:s26+$0x170];
	_ =	sdelay $0x4  }
0xc9: {  	v1 =	vand.u32 @!p2 $0xFFFF, v0  }
0xca: {  	v0 =	vshrl.u32 @!p2 v0, $0x10;
	[tilespmem:$0x2870] =	vst @!p2 v1  }
0xcb: {  	[tilespmem:$0x2970] =	vst @!p2 v0  }
0xcc: {  	[tilespmem:s31], [sflag:$0x1] =	stream.indirect.gather @!p2 [hbm4b:s1+s29], $0x80, s30, s29, $0xb8;
	[tilespmem:$0x1E600] =	vst v63  }
0xcd: {  	_ =	swait.ge [sflag:s20], $0x4000  }
0xce: {  	[sflag:s20] =	ssyncset.done $0x0  }
0xcf: {  	[sflag:s20] =	ssyncadd.s32 $0xFFFFC000  }
0xd0: {  	[spmem:s3] =	stream.indirect.scatter.add.f32 [tilespmem:s17], [sflag:$0x3], $0x80, s21, s11, $0xb8;
	[tilespmem:$0x1E600] =	vst v63  }
0xd1: {  	_ =	swait.ge [sflag:s10], $0x4000  }
0xd2: {  	[sflag:s10] =	ssyncset.done $0x0  }
0xd3: {  	[sflag:s10] =	ssyncadd.s32 $0xFFFFC000  }
0xd4: {  	[bflag:$0x0] =	sbarrier.arrive $0xFFFF  }
0xd5: {  	[hbm:s7], [sflag:s14] =	dma.local [spmem:s22], $0x2700  }
0xd6: {  	s24 =	sadd.s32 $0x1, s24;
	_ =	swait.ge [sflag:s10], $0x2700  }
0xd7: {  	p1 =	sne.s32 s24, s9;
	[sflag:s10] =	ssyncset.done $0x0  }
.Ltmp1:
0xd8: {  	s25 =	simm.s32 @!p0 $0x3;
	[sflag:s10] =	ssyncadd.s32 $0xFFFFD900;
	(pc) =	sbr.rel @p1 .LBB2_1-.Ltmp1, $4  }
0xd9: {  	[hbm:s8], [sflag:s14] =	dma.local @!p0 [spmem:s23], $0x100  }
0xda: {  	_ =	swait.ge @!p0 [sflag:s25], $0x100  }
0xdb: {  	[sflag:s25] =	ssyncset.done @!p0 $0x0  }
0xdc: {  	[sflag:s25] =	ssyncadd.s32 @!p0 $0xFFFFFF00  }
0xdd: {  	_ =	sfence.sel $0x180000  }
0xde: {  	[bflag:$0x0] =	sbarrier.arrive $0xFFFF  }
0xdf: {  	p0 =	sne.s32 s0, $0x0;
	_ =	strace $0x9000004D  }
0xe0: {  	s0 =	sadd.s32 @!p0 $0x100000, s2;
	[bflag:$0x2] =	sbarrier.arrive $0xFFFF  }
0xe1: {  	[sflag:s0] =	ssyncadd.tile.s32 @!p0 $0x1;
	_ =	shalt  }
.Lfunc_end2:
_tile_overlayer_lowered:
.L_overlay_start_2:
0xe2: {  	(tag) =	ssettag $0x2  }
0xe3: {  	s0 =	rddreg [dreg:$0x0];
	s2 =	stileid.u32  }
0xe4: {  	s1 =	rddreg [dreg:$0x1];
	p0 =	sne.s32 s2, $0x0  }
0xe5: {  	s3 =	rddreg [dreg:$0x2];
	[bflag:$0x3] =	sbarrier.arrive $0xFFFF;
	s2 =	simm.s32 @!p0 $0x1C03  }
0xe6: {  	[timem:s3], [sflag:s2] =	dma.local @!p0 [hbm:s0], s1  }
0xe7: {  	s0 =	simm.s32 @!p0 $0x3  }
0xe8: {  	_ =	swait.ge @!p0 [sflag:s0], s1  }
0xe9: {  	s1 =	ssub.s32 @!p0 $0x0, s1;
	[sflag:s0] =	ssyncset.done @!p0 $0x0  }
0xea: {  	[sflag:s0] =	ssyncadd.s32 @!p0 s1  }
0xeb: {  	[bflag:$0x3] =	sbarrier.arrive $0xFFFF  }
0xec: {  	_ =	shalt  }

</sc_bundles>
